<compile_context>
chip_gen: v7x
topology: tpu7x:2x2x1
jax: 0.10.2.dev20260603
libtpu: 0.0.44.dev20260713+nightly
codegen_flags: <defaults>
</compile_context>

<pallas_src>
import functools

import jax
import jax.numpy as jnp
from jax import lax
from jax.experimental import pallas as pl
from jax.experimental.pallas import tpu as pltpu
from jax.experimental.pallas import tpu_sc as plsc

_LANES = 16


@functools.partial(jax.jit, static_argnums=(2, 3, 4))
def _rules_sc(x_flat, idx_tab, batch, n_rules, words_per_row):
    info = plsc.get_sparse_core_info()
    num_cores, num_subcores = info.num_cores, info.num_subcores
    n_workers = num_cores * num_subcores
    rows_per_worker = batch // n_workers
    chunk_rows = 64
    n_chunks = rows_per_worker // chunk_rows
    vregs_per_row = n_rules // _LANES

    mesh = plsc.VectorSubcoreMesh(core_axis_name="c", subcore_axis_name="s")

    @functools.partial(
        pl.kernel,
        out_type=jax.ShapeDtypeStruct((batch, n_rules), jnp.float32),
        mesh=mesh,
        compiler_params=pltpu.CompilerParams(needs_layout_passes=False),
        scratch_types=[
            pltpu.VMEM((chunk_rows * words_per_row,), jnp.float32),
            pltpu.VMEM((chunk_rows * words_per_row,), jnp.float32),
            pltpu.VMEM((chunk_rows, n_rules), jnp.float32),
            pltpu.VMEM((chunk_rows, n_rules), jnp.float32),
            pltpu.VMEM((8, _LANES), jnp.int32),
            pltpu.SemaphoreType.DMA,
            pltpu.SemaphoreType.DMA,
            pltpu.SemaphoreType.DMA,
        ],
    )
    def rules_kernel(x_hbm, idx_hbm, out_hbm, xbuf0, xbuf1, obuf0, obuf1,
                     idxbuf, sem_in, sem_out0, sem_out1):
        xbuf = (xbuf0, xbuf1)
        obuf = (obuf0, obuf1)
        sem_out = (sem_out0, sem_out1)
        wid = lax.axis_index("s") * num_cores + lax.axis_index("c")
        row0 = wid * rows_per_worker
        pltpu.sync_copy(idx_hbm, idxbuf)
        tabs = [idxbuf[j, :] for j in range(8)]

        def start_in(c, slot):
            base = row0 + c * chunk_rows
            return pltpu.async_copy(
                x_hbm.at[pl.ds(base * words_per_row, chunk_rows * words_per_row)],
                xbuf[slot], sem_in)

        def start_out(c, slot):
            base = row0 + c * chunk_rows
            return pltpu.async_copy(
                obuf[slot], out_hbm.at[pl.ds(base, chunk_rows)],
                sem_out[slot])

        start_in(0, 0).wait()

        for c in range(n_chunks):
            slot = c % 2
            if c + 1 < n_chunks:
                nxt = start_in(c + 1, 1 - slot)
            if c >= 2:
                pltpu.make_async_copy(
                    obuf[slot], out_hbm.at[pl.ds(row0, chunk_rows)],
                    sem_out[slot]).wait()

            def row_body(r, _, slot=slot):
                off = r * words_per_row
                g = [plsc.load_gather(xbuf[slot], [tabs[j] + off])
                     for j in range(8)]
                hi = (g[0] * g[1]) * (g[2] * g[3])
                lo = (g[4] * g[5]) * (g[6] * g[7])
                for k in range(vregs_per_row):
                    obuf[slot][r, pl.ds(k * _LANES, _LANES)] = hi[k] * lo
                return 0

            lax.fori_loop(0, chunk_rows, row_body, 0)

            start_out(c, slot)
            if c + 1 < n_chunks:
                nxt.wait()

        for s in range(min(2, n_chunks)):
            slot = (n_chunks - 2 + s) % 2 if n_chunks >= 2 else 0
            pltpu.make_async_copy(
                obuf[slot], out_hbm.at[pl.ds(row0, chunk_rows)],
                sem_out[slot]).wait()

    return rules_kernel(x_flat, idx_tab)


def kernel(x, mf_indices):
    batch, n_in, n_mfs = x.shape
    n_rules = mf_indices.shape[0]
    words_per_row = n_in * n_mfs

    j4 = jnp.arange(4, dtype=jnp.int32)
    hi = 2 * j4[:, None] + mf_indices[::_LANES, :4].T.astype(jnp.int32)
    lo = 2 * (4 + j4)[:, None] + mf_indices[:_LANES, 4:].T.astype(jnp.int32)
    idx_tab = jnp.concatenate([hi, lo], axis=0)

    x_flat = x.reshape(-1)
    return _rules_sc(x_flat, idx_tab, batch, n_rules, words_per_row)

# --- scband reference (transcript-rebuilt; emitter-appended) ---
"""Pipeline reference for scband-antecedent-layer-31439160607224 (READ-ONLY COPY).

The authoritative reference and input builder live on the scoring server;
editing this copy changes nothing except your own understanding.
"""

import jax, jax.numpy as jnp
import numpy as np
import itertools


def setup_inputs(seed: int = 0) -> dict:
    key = jax.random.key(seed)
    B, n_in, n_mfs = 16384, 8, 2
    # x.shape = n_cases * n_in * n_mfs, positive membership values in (0, 1]
    x = jax.random.uniform(key, (B, n_in, n_mfs), dtype=jnp.float32, minval=0.05, maxval=1.0)
    # mf_indices built exactly as in the torch __init__: cartesian product of mf ranges
    mf_count = [n_mfs] * n_in
    mf_indices = jnp.array(list(itertools.product(*[range(n) for n in mf_count])), dtype=jnp.int32)  # [n_rules, n_in]
    return {"x": x, "mf_indices": mf_indices}


def reference(x, mf_indices):
    # torch: batch_indices = mf_indices.expand((B, n_rules, n_in))
    #        ants = torch.gather(x.transpose(1, 2), 1, batch_indices)
    #        -> ants[b, r, i] = x[b, i, mf_indices[r, i]]
    n_in = x.shape[1]
    var_idx = jnp.arange(n_in)[None, :]            # [1, n_in], broadcasts against [n_rules, n_in]
    ants = x[:, var_idx, mf_indices]               # [B, n_rules, n_in]
    rules = jnp.prod(ants, axis=2)                 # [B, n_rules]
    return rules

if __name__ == "__main__":
    import jax
    _d = setup_inputs()
    print(jax.jit(kernel)(*tuple(_d.values())))

</pallas_src>

<mosaic_0001>
#map = affine_map<(d0, d1) -> (0)>
#map1 = affine_map<(d0, d1) -> (0, 0)>
module attributes {stable_mosaic.version = 14 : i64} {
  func.func @rules_kernel(%arg0: i32, %arg1: i32, %arg2: memref<262144xf32, #tpu.memory_space<hbm>>, %arg3: memref<8x16xi32, #tpu.memory_space<hbm>>, %arg4: memref<16384x256xf32, #tpu.memory_space<hbm>>, %arg5: memref<1024xf32, #tpu.memory_space<vmem>>, %arg6: memref<1024xf32, #tpu.memory_space<vmem>>, %arg7: memref<64x256xf32, #tpu.memory_space<vmem>>, %arg8: memref<64x256xf32, #tpu.memory_space<vmem>>, %arg9: memref<8x16xi32, #tpu.memory_space<vmem>>, %arg10: memref<!tpu.dma_semaphore, #tpu.memory_space<semaphore_mem>>, %arg11: memref<!tpu.dma_semaphore, #tpu.memory_space<semaphore_mem>>, %arg12: memref<!tpu.dma_semaphore, #tpu.memory_space<semaphore_mem>>) attributes {dimension_semantics = [#tpu.dimension_semantics<core_parallel>, #tpu.dimension_semantics<subcore_parallel>], iteration_bounds = array<i64: 2, 16>, scalar_prefetch = 0 : i64, scratch_operands = 8 : i64, tpu.core_type = #tpu.core_type<sc_vector_subcore>, window_params = [{transform_indices = #map}, {transform_indices = #map1}, {transform_indices = #map1}]} {
    %mul3A = arith.constant 2 : i32
    %mul3A_0 = arith.muli %arg1, %mul3A : i32
    %add3A = arith.addi %mul3A_0, %arg0 : i32
    %mul3A_1 = arith.constant 512 : i32
    %mul3A_2 = arith.muli %add3A, %mul3A_1 : i32
    "tpu.region"() ({
      %run_scoped3A = tpu.sem_alloc : memref<!tpu.dma_semaphore, #tpu.memory_space<semaphore_mem>>
      tpu.enqueue_dma source(%arg3 : memref<8x16xi32, #tpu.memory_space<hbm>>) target(%arg9 : memref<8x16xi32, #tpu.memory_space<vmem>>) target_semaphore(%run_scoped3A : memref<!tpu.dma_semaphore, #tpu.memory_space<semaphore_mem>>)
      tpu.wait_dma2 semaphore(%run_scoped3A : memref<!tpu.dma_semaphore, #tpu.memory_space<semaphore_mem>>) src(%arg3 : memref<8x16xi32, #tpu.memory_space<hbm>>) dst(%arg9 : memref<8x16xi32, #tpu.memory_space<vmem>>)
      tpu.yield
    }) : () -> ()
    %get3A = arith.constant 0 : i32
    %get3A_3 = arith.index_cast %get3A : i32 to index
    %get3A_4 = arith.constant 0 : index
    %get3A_5 = tpu.vector_load %arg9[%get3A_3, %get3A_4] {strides = array<i32>} : memref<8x16xi32, #tpu.memory_space<vmem>>, vector<16xi32>,
    %get3A_6 = arith.constant 1 : i32
    %get3A_7 = arith.index_cast %get3A_6 : i32 to index
    %get3A_8 = arith.constant 0 : index
    %get3A_9 = tpu.vector_load %arg9[%get3A_7, %get3A_8] {strides = array<i32>} : memref<8x16xi32, #tpu.memory_space<vmem>>, vector<16xi32>,
    %get3A_10 = arith.constant 2 : i32
    %get3A_11 = arith.index_cast %get3A_10 : i32 to index
    %get3A_12 = arith.constant 0 : index
    %get3A_13 = tpu.vector_load %arg9[%get3A_11, %get3A_12] {strides = array<i32>} : memref<8x16xi32, #tpu.memory_space<vmem>>, vector<16xi32>,
    %get3A_14 = arith.constant 3 : i32
    %get3A_15 = arith.index_cast %get3A_14 : i32 to index
    %get3A_16 = arith.constant 0 : index
    %get3A_17 = tpu.vector_load %arg9[%get3A_15, %get3A_16] {strides = array<i32>} : memref<8x16xi32, #tpu.memory_space<vmem>>, vector<16xi32>,
    %get3A_18 = arith.constant 4 : i32
    %get3A_19 = arith.index_cast %get3A_18 : i32 to index
    %get3A_20 = arith.constant 0 : index
    %get3A_21 = tpu.vector_load %arg9[%get3A_19, %get3A_20] {strides = array<i32>} : memref<8x16xi32, #tpu.memory_space<vmem>>, vector<16xi32>,
    %get3A_22 = arith.constant 5 : i32
    %get3A_23 = arith.index_cast %get3A_22 : i32 to index
    %get3A_24 = arith.constant 0 : index
    %get3A_25 = tpu.vector_load %arg9[%get3A_23, %get3A_24] {strides = array<i32>} : memref<8x16xi32, #tpu.memory_space<vmem>>, vector<16xi32>,
    %get3A_26 = arith.constant 6 : i32
    %get3A_27 = arith.index_cast %get3A_26 : i32 to index
    %get3A_28 = arith.constant 0 : index
    %get3A_29 = tpu.vector_load %arg9[%get3A_27, %get3A_28] {strides = array<i32>} : memref<8x16xi32, #tpu.memory_space<vmem>>, vector<16xi32>,
    %get3A_30 = arith.constant 7 : i32
    %get3A_31 = arith.index_cast %get3A_30 : i32 to index
    %get3A_32 = arith.constant 0 : index
    %get3A_33 = tpu.vector_load %arg9[%get3A_31, %get3A_32] {strides = array<i32>} : memref<8x16xi32, #tpu.memory_space<vmem>>, vector<16xi32>,
    %add3A_34 = arith.constant 0 : i32
    %add3A_35 = arith.addi %mul3A_2, %add3A_34 : i32
    %mul3A_36 = arith.constant 16 : i32
    %mul3A_37 = arith.muli %add3A_35, %mul3A_36 : i32
    %dma_start3A = tpu.memref_slice %arg2[%mul3A_37] : memref<262144xf32, #tpu.memory_space<hbm>> -> memref<1024xf32, #tpu.memory_space<hbm>>
    %dma_start3A_38 = tpu.memref_slice %arg2[%mul3A_37] : memref<262144xf32, #tpu.memory_space<hbm>> -> memref<1024xf32, #tpu.memory_space<hbm>>
    tpu.enqueue_dma source(%dma_start3A_38 : memref<1024xf32, #tpu.memory_space<hbm>>) target(%arg5 : memref<1024xf32, #tpu.memory_space<vmem>>) target_semaphore(%arg10 : memref<!tpu.dma_semaphore, #tpu.memory_space<semaphore_mem>>)
    %dma_wait3A = tpu.memref_slice %arg2[%mul3A_37] : memref<262144xf32, #tpu.memory_space<hbm>> -> memref<1024xf32, #tpu.memory_space<hbm>>
    %dma_wait3A_39 = tpu.memref_slice %arg2[%mul3A_37] : memref<262144xf32, #tpu.memory_space<hbm>> -> memref<1024xf32, #tpu.memory_space<hbm>>
    tpu.wait_dma2 semaphore(%arg10 : memref<!tpu.dma_semaphore, #tpu.memory_space<semaphore_mem>>) src(%dma_wait3A_39 : memref<1024xf32, #tpu.memory_space<hbm>>) dst(%arg5 : memref<1024xf32, #tpu.memory_space<vmem>>)
    %add3A_40 = arith.constant 64 : i32
    %add3A_41 = arith.addi %mul3A_2, %add3A_40 : i32
    %mul3A_42 = arith.constant 16 : i32
    %mul3A_43 = arith.muli %add3A_41, %mul3A_42 : i32
    %dma_start3A_44 = tpu.memref_slice %arg2[%mul3A_43] : memref<262144xf32, #tpu.memory_space<hbm>> -> memref<1024xf32, #tpu.memory_space<hbm>>
    %dma_start3A_45 = tpu.memref_slice %arg2[%mul3A_43] : memref<262144xf32, #tpu.memory_space<hbm>> -> memref<1024xf32, #tpu.memory_space<hbm>>
    tpu.enqueue_dma source(%dma_start3A_45 : memref<1024xf32, #tpu.memory_space<hbm>>) target(%arg6 : memref<1024xf32, #tpu.memory_space<vmem>>) target_semaphore(%arg10 : memref<!tpu.dma_semaphore, #tpu.memory_space<semaphore_mem>>)
    %scan3A = arith.constant 0 : i32
    %scan3A_46 = arith.constant 0 : i32
    %scan3A_47 = arith.constant 64 : i32
    %scan3A_48 = arith.addi %scan3A_46, %scan3A_47 : i32
    %scan3A_49 = arith.constant 1 : i32
    %scan3A_50 = scf.for %scan3A_231 = %scan3A_46 to %scan3A_48 step %scan3A_49 iter_args(%scan3A_232 = %scan3A) -> (i32)  : i32 {
      %mul3A_233 = arith.constant 16 : i32
      %mul3A_234 = arith.muli %scan3A_231, %mul3A_233 : i32
      %add3A_235 = vector.broadcast %mul3A_234 : i32 to vector<16xi32>
      %add3A_236 = arith.addi %get3A_5, %add3A_235 : vector<16xi32>
      %gather3A = tpu.vector_load_idx %arg5[%add3A_236] : memref<1024xf32, #tpu.memory_space<vmem>>[vector<16xi32>], vector<16xf32>,
      %add3A_237 = vector.broadcast %mul3A_234 : i32 to vector<16xi32>
      %add3A_238 = arith.addi %get3A_9, %add3A_237 : vector<16xi32>
      %gather3A_239 = tpu.vector_load_idx %arg5[%add3A_238] : memref<1024xf32, #tpu.memory_space<vmem>>[vector<16xi32>], vector<16xf32>,
      %add3A_240 = vector.broadcast %mul3A_234 : i32 to vector<16xi32>
      %add3A_241 = arith.addi %get3A_13, %add3A_240 : vector<16xi32>
      %gather3A_242 = tpu.vector_load_idx %arg5[%add3A_241] : memref<1024xf32, #tpu.memory_space<vmem>>[vector<16xi32>], vector<16xf32>,
      %add3A_243 = vector.broadcast %mul3A_234 : i32 to vector<16xi32>
      %add3A_244 = arith.addi %get3A_17, %add3A_243 : vector<16xi32>
      %gather3A_245 = tpu.vector_load_idx %arg5[%add3A_244] : memref<1024xf32, #tpu.memory_space<vmem>>[vector<16xi32>], vector<16xf32>,
      %add3A_246 = vector.broadcast %mul3A_234 : i32 to vector<16xi32>
      %add3A_247 = arith.addi %get3A_21, %add3A_246 : vector<16xi32>
      %gather3A_248 = tpu.vector_load_idx %arg5[%add3A_247] : memref<1024xf32, #tpu.memory_space<vmem>>[vector<16xi32>], vector<16xf32>,
      %add3A_249 = vector.broadcast %mul3A_234 : i32 to vector<16xi32>
      %add3A_250 = arith.addi %get3A_25, %add3A_249 : vector<16xi32>
      %gather3A_251 = tpu.vector_load_idx %arg5[%add3A_250] : memref<1024xf32, #tpu.memory_space<vmem>>[vector<16xi32>], vector<16xf32>,
      %add3A_252 = vector.broadcast %mul3A_234 : i32 to vector<16xi32>
      %add3A_253 = arith.addi %get3A_29, %add3A_252 : vector<16xi32>
      %gather3A_254 = tpu.vector_load_idx %arg5[%add3A_253] : memref<1024xf32, #tpu.memory_space<vmem>>[vector<16xi32>], vector<16xf32>,
      %add3A_255 = vector.broadcast %mul3A_234 : i32 to vector<16xi32>
      %add3A_256 = arith.addi %get3A_33, %add3A_255 : vector<16xi32>
      %gather3A_257 = tpu.vector_load_idx %arg5[%add3A_256] : memref<1024xf32, #tpu.memory_space<vmem>>[vector<16xi32>], vector<16xf32>,
      %mul3A_258 = arith.mulf %gather3A, %gather3A_239 : vector<16xf32>
      %mul3A_259 = arith.mulf %gather3A_242, %gather3A_245 : vector<16xf32>
      %mul3A_260 = arith.mulf %mul3A_258, %mul3A_259 : vector<16xf32>
      %mul3A_261 = arith.mulf %gather3A_248, %gather3A_251 : vector<16xf32>
      %mul3A_262 = arith.mulf %gather3A_254, %gather3A_257 : vector<16xf32>
      %mul3A_263 = arith.mulf %mul3A_261, %mul3A_262 : vector<16xf32>
      %slice3A = vector.extract_strided_slice %mul3A_260 {offsets = [0], sizes = [1], strides = [1]} : vector<16xf32> to vector<1xf32>
      %squeeze3A = vector.extract %slice3A[0] : f32 from vector<1xf32>
      %mul3A_264 = vector.broadcast %squeeze3A : f32 to vector<16xf32>
      %mul3A_265 = arith.mulf %mul3A_264, %mul3A_263 : vector<16xf32>
      %swap3A = arith.index_cast %scan3A_231 : i32 to index
      %swap3A_266 = arith.constant 0 : index
      %swap3A_267 = tpu.vector_load %arg7[%swap3A, %swap3A_266] {strides = array<i32>} : memref<64x256xf32, #tpu.memory_space<vmem>>, vector<16xf32>,
      tpu.vector_store %arg7[%swap3A, %swap3A_266], %mul3A_265 {strides = array<i32>} : memref<64x256xf32, #tpu.memory_space<vmem>>, vector<16xf32>,
      %slice3A_268 = vector.extract_strided_slice %mul3A_260 {offsets = [1], sizes = [1], strides = [1]} : vector<16xf32> to vector<1xf32>
      %squeeze3A_269 = vector.extract %slice3A_268[0] : f32 from vector<1xf32>
      %mul3A_270 = vector.broadcast %squeeze3A_269 : f32 to vector<16xf32>
      %mul3A_271 = arith.mulf %mul3A_270, %mul3A_263 : vector<16xf32>
      %swap3A_272 = arith.index_cast %scan3A_231 : i32 to index
      %swap3A_273 = arith.constant 16 : index
      %swap3A_274 = tpu.vector_load %arg7[%swap3A_272, %swap3A_273] {strides = array<i32>} : memref<64x256xf32, #tpu.memory_space<vmem>>, vector<16xf32>,
      tpu.vector_store %arg7[%swap3A_272, %swap3A_273], %mul3A_271 {strides = array<i32>} : memref<64x256xf32, #tpu.memory_space<vmem>>, vector<16xf32>,
      %slice3A_275 = vector.extract_strided_slice %mul3A_260 {offsets = [2], sizes = [1], strides = [1]} : vector<16xf32> to vector<1xf32>
      %squeeze3A_276 = vector.extract %slice3A_275[0] : f32 from vector<1xf32>
      %mul3A_277 = vector.broadcast %squeeze3A_276 : f32 to vector<16xf32>
      %mul3A_278 = arith.mulf %mul3A_277, %mul3A_263 : vector<16xf32>
      %swap3A_279 = arith.index_cast %scan3A_231 : i32 to index
      %swap3A_280 = arith.constant 32 : index
      %swap3A_281 = tpu.vector_load %arg7[%swap3A_279, %swap3A_280] {strides = array<i32>} : memref<64x256xf32, #tpu.memory_space<vmem>>, vector<16xf32>,
      tpu.vector_store %arg7[%swap3A_279, %swap3A_280], %mul3A_278 {strides = array<i32>} : memref<64x256xf32, #tpu.memory_space<vmem>>, vector<16xf32>,
      %slice3A_282 = vector.extract_strided_slice %mul3A_260 {offsets = [3], sizes = [1], strides = [1]} : vector<16xf32> to vector<1xf32>
      %squeeze3A_283 = vector.extract %slice3A_282[0] : f32 from vector<1xf32>
      %mul3A_284 = vector.broadcast %squeeze3A_283 : f32 to vector<16xf32>
      %mul3A_285 = arith.mulf %mul3A_284, %mul3A_263 : vector<16xf32>
      %swap3A_286 = arith.index_cast %scan3A_231 : i32 to index
      %swap3A_287 = arith.constant 48 : index
      %swap3A_288 = tpu.vector_load %arg7[%swap3A_286, %swap3A_287] {strides = array<i32>} : memref<64x256xf32, #tpu.memory_space<vmem>>, vector<16xf32>,
      tpu.vector_store %arg7[%swap3A_286, %swap3A_287], %mul3A_285 {strides = array<i32>} : memref<64x256xf32, #tpu.memory_space<vmem>>, vector<16xf32>,
      %slice3A_289 = vector.extract_strided_slice %mul3A_260 {offsets = [4], sizes = [1], strides = [1]} : vector<16xf32> to vector<1xf32>
      %squeeze3A_290 = vector.extract %slice3A_289[0] : f32 from vector<1xf32>
      %mul3A_291 = vector.broadcast %squeeze3A_290 : f32 to vector<16xf32>
      %mul3A_292 = arith.mulf %mul3A_291, %mul3A_263 : vector<16xf32>
      %swap3A_293 = arith.index_cast %scan3A_231 : i32 to index
      %swap3A_294 = arith.constant 64 : index
      %swap3A_295 = tpu.vector_load %arg7[%swap3A_293, %swap3A_294] {strides = array<i32>} : memref<64x256xf32, #tpu.memory_space<vmem>>, vector<16xf32>,
      tpu.vector_store %arg7[%swap3A_293, %swap3A_294], %mul3A_292 {strides = array<i32>} : memref<64x256xf32, #tpu.memory_space<vmem>>, vector<16xf32>,
      %slice3A_296 = vector.extract_strided_slice %mul3A_260 {offsets = [5], sizes = [1], strides = [1]} : vector<16xf32> to vector<1xf32>
      %squeeze3A_297 = vector.extract %slice3A_296[0] : f32 from vector<1xf32>
      %mul3A_298 = vector.broadcast %squeeze3A_297 : f32 to vector<16xf32>
      %mul3A_299 = arith.mulf %mul3A_298, %mul3A_263 : vector<16xf32>
      %swap3A_300 = arith.index_cast %scan3A_231 : i32 to index
      %swap3A_301 = arith.constant 80 : index
      %swap3A_302 = tpu.vector_load %arg7[%swap3A_300, %swap3A_301] {strides = array<i32>} : memref<64x256xf32, #tpu.memory_space<vmem>>, vector<16xf32>,
      tpu.vector_store %arg7[%swap3A_300, %swap3A_301], %mul3A_299 {strides = array<i32>} : memref<64x256xf32, #tpu.memory_space<vmem>>, vector<16xf32>,
      %slice3A_303 = vector.extract_strided_slice %mul3A_260 {offsets = [6], sizes = [1], strides = [1]} : vector<16xf32> to vector<1xf32>
      %squeeze3A_304 = vector.extract %slice3A_303[0] : f32 from vector<1xf32>
      %mul3A_305 = vector.broadcast %squeeze3A_304 : f32 to vector<16xf32>
      %mul3A_306 = arith.mulf %mul3A_305, %mul3A_263 : vector<16xf32>
      %swap3A_307 = arith.index_cast %scan3A_231 : i32 to index
      %swap3A_308 = arith.constant 96 : index
      %swap3A_309 = tpu.vector_load %arg7[%swap3A_307, %swap3A_308] {strides = array<i32>} : memref<64x256xf32, #tpu.memory_space<vmem>>, vector<16xf32>,
      tpu.vector_store %arg7[%swap3A_307, %swap3A_308], %mul3A_306 {strides = array<i32>} : memref<64x256xf32, #tpu.memory_space<vmem>>, vector<16xf32>,
      %slice3A_310 = vector.extract_strided_slice %mul3A_260 {offsets = [7], sizes = [1], strides = [1]} : vector<16xf32> to vector<1xf32>
      %squeeze3A_311 = vector.extract %slice3A_310[0] : f32 from vector<1xf32>
      %mul3A_312 = vector.broadcast %squeeze3A_311 : f32 to vector<16xf32>
      %mul3A_313 = arith.mulf %mul3A_312, %mul3A_263 : vector<16xf32>
      %swap3A_314 = arith.index_cast %scan3A_231 : i32 to index
      %swap3A_315 = arith.constant 112 : index
      %swap3A_316 = tpu.vector_load %arg7[%swap3A_314, %swap3A_315] {strides = array<i32>} : memref<64x256xf32, #tpu.memory_space<vmem>>, vector<16xf32>,
      tpu.vector_store %arg7[%swap3A_314, %swap3A_315], %mul3A_313 {strides = array<i32>} : memref<64x256xf32, #tpu.memory_space<vmem>>, vector<16xf32>,
      %slice3A_317 = vector.extract_strided_slice %mul3A_260 {offsets = [8], sizes = [1], strides = [1]} : vector<16xf32> to vector<1xf32>
      %squeeze3A_318 = vector.extract %slice3A_317[0] : f32 from vector<1xf32>
      %mul3A_319 = vector.broadcast %squeeze3A_318 : f32 to vector<16xf32>
      %mul3A_320 = arith.mulf %mul3A_319, %mul3A_263 : vector<16xf32>
      %swap3A_321 = arith.index_cast %scan3A_231 : i32 to index
      %swap3A_322 = arith.constant 128 : index
      %swap3A_323 = tpu.vector_load %arg7[%swap3A_321, %swap3A_322] {strides = array<i32>} : memref<64x256xf32, #tpu.memory_space<vmem>>, vector<16xf32>,
      tpu.vector_store %arg7[%swap3A_321, %swap3A_322], %mul3A_320 {strides = array<i32>} : memref<64x256xf32, #tpu.memory_space<vmem>>, vector<16xf32>,
      %slice3A_324 = vector.extract_strided_slice %mul3A_260 {offsets = [9], sizes = [1], strides = [1]} : vector<16xf32> to vector<1xf32>
      %squeeze3A_325 = vector.extract %slice3A_324[0] : f32 from vector<1xf32>
      %mul3A_326 = vector.broadcast %squeeze3A_325 : f32 to vector<16xf32>
      %mul3A_327 = arith.mulf %mul3A_326, %mul3A_263 : vector<16xf32>
      %swap3A_328 = arith.index_cast %scan3A_231 : i32 to index
      %swap3A_329 = arith.constant 144 : index
      %swap3A_330 = tpu.vector_load %arg7[%swap3A_328, %swap3A_329] {strides = array<i32>} : memref<64x256xf32, #tpu.memory_space<vmem>>, vector<16xf32>,
      tpu.vector_store %arg7[%swap3A_328, %swap3A_329], %mul3A_327 {strides = array<i32>} : memref<64x256xf32, #tpu.memory_space<vmem>>, vector<16xf32>,
      %slice3A_331 = vector.extract_strided_slice %mul3A_260 {offsets = [10], sizes = [1], strides = [1]} : vector<16xf32> to vector<1xf32>
      %squeeze3A_332 = vector.extract %slice3A_331[0] : f32 from vector<1xf32>
      %mul3A_333 = vector.broadcast %squeeze3A_332 : f32 to vector<16xf32>
      %mul3A_334 = arith.mulf %mul3A_333, %mul3A_263 : vector<16xf32>
      %swap3A_335 = arith.index_cast %scan3A_231 : i32 to index
      %swap3A_336 = arith.constant 160 : index
      %swap3A_337 = tpu.vector_load %arg7[%swap3A_335, %swap3A_336] {strides = array<i32>} : memref<64x256xf32, #tpu.memory_space<vmem>>, vector<16xf32>,
      tpu.vector_store %arg7[%swap3A_335, %swap3A_336], %mul3A_334 {strides = array<i32>} : memref<64x256xf32, #tpu.memory_space<vmem>>, vector<16xf32>,
      %slice3A_338 = vector.extract_strided_slice %mul3A_260 {offsets = [11], sizes = [1], strides = [1]} : vector<16xf32> to vector<1xf32>
      %squeeze3A_339 = vector.extract %slice3A_338[0] : f32 from vector<1xf32>
      %mul3A_340 = vector.broadcast %squeeze3A_339 : f32 to vector<16xf32>
      %mul3A_341 = arith.mulf %mul3A_340, %mul3A_263 : vector<16xf32>
      %swap3A_342 = arith.index_cast %scan3A_231 : i32 to index
      %swap3A_343 = arith.constant 176 : index
      %swap3A_344 = tpu.vector_load %arg7[%swap3A_342, %swap3A_343] {strides = array<i32>} : memref<64x256xf32, #tpu.memory_space<vmem>>, vector<16xf32>,
      tpu.vector_store %arg7[%swap3A_342, %swap3A_343], %mul3A_341 {strides = array<i32>} : memref<64x256xf32, #tpu.memory_space<vmem>>, vector<16xf32>,
      %slice3A_345 = vector.extract_strided_slice %mul3A_260 {offsets = [12], sizes = [1], strides = [1]} : vector<16xf32> to vector<1xf32>
      %squeeze3A_346 = vector.extract %slice3A_345[0] : f32 from vector<1xf32>
      %mul3A_347 = vector.broadcast %squeeze3A_346 : f32 to vector<16xf32>
      %mul3A_348 = arith.mulf %mul3A_347, %mul3A_263 : vector<16xf32>
      %swap3A_349 = arith.index_cast %scan3A_231 : i32 to index
      %swap3A_350 = arith.constant 192 : index
      %swap3A_351 = tpu.vector_load %arg7[%swap3A_349, %swap3A_350] {strides = array<i32>} : memref<64x256xf32, #tpu.memory_space<vmem>>, vector<16xf32>,
      tpu.vector_store %arg7[%swap3A_349, %swap3A_350], %mul3A_348 {strides = array<i32>} : memref<64x256xf32, #tpu.memory_space<vmem>>, vector<16xf32>,
      %slice3A_352 = vector.extract_strided_slice %mul3A_260 {offsets = [13], sizes = [1], strides = [1]} : vector<16xf32> to vector<1xf32>
      %squeeze3A_353 = vector.extract %slice3A_352[0] : f32 from vector<1xf32>
      %mul3A_354 = vector.broadcast %squeeze3A_353 : f32 to vector<16xf32>
      %mul3A_355 = arith.mulf %mul3A_354, %mul3A_263 : vector<16xf32>
      %swap3A_356 = arith.index_cast %scan3A_231 : i32 to index
      %swap3A_357 = arith.constant 208 : index
      %swap3A_358 = tpu.vector_load %arg7[%swap3A_356, %swap3A_357] {strides = array<i32>} : memref<64x256xf32, #tpu.memory_space<vmem>>, vector<16xf32>,
      tpu.vector_store %arg7[%swap3A_356, %swap3A_357], %mul3A_355 {strides = array<i32>} : memref<64x256xf32, #tpu.memory_space<vmem>>, vector<16xf32>,
      %slice3A_359 = vector.extract_strided_slice %mul3A_260 {offsets = [14], sizes = [1], strides = [1]} : vector<16xf32> to vector<1xf32>
      %squeeze3A_360 = vector.extract %slice3A_359[0] : f32 from vector<1xf32>
      %mul3A_361 = vector.broadcast %squeeze3A_360 : f32 to vector<16xf32>
      %mul3A_362 = arith.mulf %mul3A_361, %mul3A_263 : vector<16xf32>
      %swap3A_363 = arith.index_cast %scan3A_231 : i32 to index
      %swap3A_364 = arith.constant 224 : index
      %swap3A_365 = tpu.vector_load %arg7[%swap3A_363, %swap3A_364] {strides = array<i32>} : memref<64x256xf32, #tpu.memory_space<vmem>>, vector<16xf32>,
      tpu.vector_store %arg7[%swap3A_363, %swap3A_364], %mul3A_362 {strides = array<i32>} : memref<64x256xf32, #tpu.memory_space<vmem>>, vector<16xf32>,
      %slice3A_366 = vector.extract_strided_slice %mul3A_260 {offsets = [15], sizes = [1], strides = [1]} : vector<16xf32> to vector<1xf32>
      %squeeze3A_367 = vector.extract %slice3A_366[0] : f32 from vector<1xf32>
      %mul3A_368 = vector.broadcast %squeeze3A_367 : f32 to vector<16xf32>
      %mul3A_369 = arith.mulf %mul3A_368, %mul3A_263 : vector<16xf32>
      %swap3A_370 = arith.index_cast %scan3A_231 : i32 to index
      %swap3A_371 = arith.constant 240 : index
      %swap3A_372 = tpu.vector_load %arg7[%swap3A_370, %swap3A_371] {strides = array<i32>} : memref<64x256xf32, #tpu.memory_space<vmem>>, vector<16xf32>,
      tpu.vector_store %arg7[%swap3A_370, %swap3A_371], %mul3A_369 {strides = array<i32>} : memref<64x256xf32, #tpu.memory_space<vmem>>, vector<16xf32>,
      %scan3A_373 = arith.constant 0 : i32
      scf.yield %scan3A_373 : i32
    }
    %scan3A_51 = arith.constant 64 : i32
    %add3A_52 = arith.constant 0 : i32
    %add3A_53 = arith.addi %mul3A_2, %add3A_52 : i32
    %dma_start3A_54 = arith.constant 0 : i32
    %dma_start3A_55 = tpu.memref_slice %arg4[%add3A_53, %dma_start3A_54] : memref<16384x256xf32, #tpu.memory_space<hbm>> -> memref<64x256xf32, #tpu.memory_space<hbm>>
    %dma_start3A_56 = arith.constant 0 : i32
    %dma_start3A_57 = tpu.memref_slice %arg4[%add3A_53, %dma_start3A_56] : memref<16384x256xf32, #tpu.memory_space<hbm>> -> memref<64x256xf32, #tpu.memory_space<hbm>>
    tpu.enqueue_dma source(%arg7 : memref<64x256xf32, #tpu.memory_space<vmem>>) target(%dma_start3A_57 : memref<64x256xf32, #tpu.memory_space<hbm>>) target_semaphore(%arg11 : memref<!tpu.dma_semaphore, #tpu.memory_space<semaphore_mem>>)
    %dma_wait3A_58 = tpu.memref_slice %arg2[%mul3A_43] : memref<262144xf32, #tpu.memory_space<hbm>> -> memref<1024xf32, #tpu.memory_space<hbm>>
    %dma_wait3A_59 = tpu.memref_slice %arg2[%mul3A_43] : memref<262144xf32, #tpu.memory_space<hbm>> -> memref<1024xf32, #tpu.memory_space<hbm>>
    tpu.wait_dma2 semaphore(%arg10 : memref<!tpu.dma_semaphore, #tpu.memory_space<semaphore_mem>>) src(%dma_wait3A_59 : memref<1024xf32, #tpu.memory_space<hbm>>) dst(%arg6 : memref<1024xf32, #tpu.memory_space<vmem>>)
    %add3A_60 = arith.constant 128 : i32
    %add3A_61 = arith.addi %mul3A_2, %add3A_60 : i32
    %mul3A_62 = arith.constant 16 : i32
    %mul3A_63 = arith.muli %add3A_61, %mul3A_62 : i32
    %dma_start3A_64 = tpu.memref_slice %arg2[%mul3A_63] : memref<262144xf32, #tpu.memory_space<hbm>> -> memref<1024xf32, #tpu.memory_space<hbm>>
    %dma_start3A_65 = tpu.memref_slice %arg2[%mul3A_63] : memref<262144xf32, #tpu.memory_space<hbm>> -> memref<1024xf32, #tpu.memory_space<hbm>>
    tpu.enqueue_dma source(%dma_start3A_65 : memref<1024xf32, #tpu.memory_space<hbm>>) target(%arg5 : memref<1024xf32, #tpu.memory_space<vmem>>) target_semaphore(%arg10 : memref<!tpu.dma_semaphore, #tpu.memory_space<semaphore_mem>>)
    %scan3A_66 = arith.constant 0 : i32
    %scan3A_67 = arith.constant 0 : i32
    %scan3A_68 = arith.constant 64 : i32
    %scan3A_69 = arith.addi %scan3A_67, %scan3A_68 : i32
    %scan3A_70 = arith.constant 1 : i32
    %scan3A_71 = scf.for %scan3A_231 = %scan3A_67 to %scan3A_69 step %scan3A_70 iter_args(%scan3A_232 = %scan3A_66) -> (i32)  : i32 {
      %mul3A_233 = arith.constant 16 : i32
      %mul3A_234 = arith.muli %scan3A_231, %mul3A_233 : i32
      %add3A_235 = vector.broadcast %mul3A_234 : i32 to vector<16xi32>
      %add3A_236 = arith.addi %get3A_5, %add3A_235 : vector<16xi32>
      %gather3A = tpu.vector_load_idx %arg6[%add3A_236] : memref<1024xf32, #tpu.memory_space<vmem>>[vector<16xi32>], vector<16xf32>,
      %add3A_237 = vector.broadcast %mul3A_234 : i32 to vector<16xi32>
      %add3A_238 = arith.addi %get3A_9, %add3A_237 : vector<16xi32>
      %gather3A_239 = tpu.vector_load_idx %arg6[%add3A_238] : memref<1024xf32, #tpu.memory_space<vmem>>[vector<16xi32>], vector<16xf32>,
      %add3A_240 = vector.broadcast %mul3A_234 : i32 to vector<16xi32>
      %add3A_241 = arith.addi %get3A_13, %add3A_240 : vector<16xi32>
      %gather3A_242 = tpu.vector_load_idx %arg6[%add3A_241] : memref<1024xf32, #tpu.memory_space<vmem>>[vector<16xi32>], vector<16xf32>,
      %add3A_243 = vector.broadcast %mul3A_234 : i32 to vector<16xi32>
      %add3A_244 = arith.addi %get3A_17, %add3A_243 : vector<16xi32>
      %gather3A_245 = tpu.vector_load_idx %arg6[%add3A_244] : memref<1024xf32, #tpu.memory_space<vmem>>[vector<16xi32>], vector<16xf32>,
      %add3A_246 = vector.broadcast %mul3A_234 : i32 to vector<16xi32>
      %add3A_247 = arith.addi %get3A_21, %add3A_246 : vector<16xi32>
      %gather3A_248 = tpu.vector_load_idx %arg6[%add3A_247] : memref<1024xf32, #tpu.memory_space<vmem>>[vector<16xi32>], vector<16xf32>,
      %add3A_249 = vector.broadcast %mul3A_234 : i32 to vector<16xi32>
      %add3A_250 = arith.addi %get3A_25, %add3A_249 : vector<16xi32>
      %gather3A_251 = tpu.vector_load_idx %arg6[%add3A_250] : memref<1024xf32, #tpu.memory_space<vmem>>[vector<16xi32>], vector<16xf32>,
      %add3A_252 = vector.broadcast %mul3A_234 : i32 to vector<16xi32>
      %add3A_253 = arith.addi %get3A_29, %add3A_252 : vector<16xi32>
      %gather3A_254 = tpu.vector_load_idx %arg6[%add3A_253] : memref<1024xf32, #tpu.memory_space<vmem>>[vector<16xi32>], vector<16xf32>,
      %add3A_255 = vector.broadcast %mul3A_234 : i32 to vector<16xi32>
      %add3A_256 = arith.addi %get3A_33, %add3A_255 : vector<16xi32>
      %gather3A_257 = tpu.vector_load_idx %arg6[%add3A_256] : memref<1024xf32, #tpu.memory_space<vmem>>[vector<16xi32>], vector<16xf32>,
      %mul3A_258 = arith.mulf %gather3A, %gather3A_239 : vector<16xf32>
      %mul3A_259 = arith.mulf %gather3A_242, %gather3A_245 : vector<16xf32>
      %mul3A_260 = arith.mulf %mul3A_258, %mul3A_259 : vector<16xf32>
      %mul3A_261 = arith.mulf %gather3A_248, %gather3A_251 : vector<16xf32>
      %mul3A_262 = arith.mulf %gather3A_254, %gather3A_257 : vector<16xf32>
      %mul3A_263 = arith.mulf %mul3A_261, %mul3A_262 : vector<16xf32>
      %slice3A = vector.extract_strided_slice %mul3A_260 {offsets = [0], sizes = [1], strides = [1]} : vector<16xf32> to vector<1xf32>
      %squeeze3A = vector.extract %slice3A[0] : f32 from vector<1xf32>
      %mul3A_264 = vector.broadcast %squeeze3A : f32 to vector<16xf32>
      %mul3A_265 = arith.mulf %mul3A_264, %mul3A_263 : vector<16xf32>
      %swap3A = arith.index_cast %scan3A_231 : i32 to index
      %swap3A_266 = arith.constant 0 : index
      %swap3A_267 = tpu.vector_load %arg8[%swap3A, %swap3A_266] {strides = array<i32>} : memref<64x256xf32, #tpu.memory_space<vmem>>, vector<16xf32>,
      tpu.vector_store %arg8[%swap3A, %swap3A_266], %mul3A_265 {strides = array<i32>} : memref<64x256xf32, #tpu.memory_space<vmem>>, vector<16xf32>,
      %slice3A_268 = vector.extract_strided_slice %mul3A_260 {offsets = [1], sizes = [1], strides = [1]} : vector<16xf32> to vector<1xf32>
      %squeeze3A_269 = vector.extract %slice3A_268[0] : f32 from vector<1xf32>
      %mul3A_270 = vector.broadcast %squeeze3A_269 : f32 to vector<16xf32>
      %mul3A_271 = arith.mulf %mul3A_270, %mul3A_263 : vector<16xf32>
      %swap3A_272 = arith.index_cast %scan3A_231 : i32 to index
      %swap3A_273 = arith.constant 16 : index
      %swap3A_274 = tpu.vector_load %arg8[%swap3A_272, %swap3A_273] {strides = array<i32>} : memref<64x256xf32, #tpu.memory_space<vmem>>, vector<16xf32>,
      tpu.vector_store %arg8[%swap3A_272, %swap3A_273], %mul3A_271 {strides = array<i32>} : memref<64x256xf32, #tpu.memory_space<vmem>>, vector<16xf32>,
      %slice3A_275 = vector.extract_strided_slice %mul3A_260 {offsets = [2], sizes = [1], strides = [1]} : vector<16xf32> to vector<1xf32>
      %squeeze3A_276 = vector.extract %slice3A_275[0] : f32 from vector<1xf32>
      %mul3A_277 = vector.broadcast %squeeze3A_276 : f32 to vector<16xf32>
      %mul3A_278 = arith.mulf %mul3A_277, %mul3A_263 : vector<16xf32>
      %swap3A_279 = arith.index_cast %scan3A_231 : i32 to index
      %swap3A_280 = arith.constant 32 : index
      %swap3A_281 = tpu.vector_load %arg8[%swap3A_279, %swap3A_280] {strides = array<i32>} : memref<64x256xf32, #tpu.memory_space<vmem>>, vector<16xf32>,
      tpu.vector_store %arg8[%swap3A_279, %swap3A_280], %mul3A_278 {strides = array<i32>} : memref<64x256xf32, #tpu.memory_space<vmem>>, vector<16xf32>,
      %slice3A_282 = vector.extract_strided_slice %mul3A_260 {offsets = [3], sizes = [1], strides = [1]} : vector<16xf32> to vector<1xf32>
      %squeeze3A_283 = vector.extract %slice3A_282[0] : f32 from vector<1xf32>
      %mul3A_284 = vector.broadcast %squeeze3A_283 : f32 to vector<16xf32>
      %mul3A_285 = arith.mulf %mul3A_284, %mul3A_263 : vector<16xf32>
      %swap3A_286 = arith.index_cast %scan3A_231 : i32 to index
      %swap3A_287 = arith.constant 48 : index
      %swap3A_288 = tpu.vector_load %arg8[%swap3A_286, %swap3A_287] {strides = array<i32>} : memref<64x256xf32, #tpu.memory_space<vmem>>, vector<16xf32>,
      tpu.vector_store %arg8[%swap3A_286, %swap3A_287], %mul3A_285 {strides = array<i32>} : memref<64x256xf32, #tpu.memory_space<vmem>>, vector<16xf32>,
      %slice3A_289 = vector.extract_strided_slice %mul3A_260 {offsets = [4], sizes = [1], strides = [1]} : vector<16xf32> to vector<1xf32>
      %squeeze3A_290 = vector.extract %slice3A_289[0] : f32 from vector<1xf32>
      %mul3A_291 = vector.broadcast %squeeze3A_290 : f32 to vector<16xf32>
      %mul3A_292 = arith.mulf %mul3A_291, %mul3A_263 : vector<16xf32>
      %swap3A_293 = arith.index_cast %scan3A_231 : i32 to index
      %swap3A_294 = arith.constant 64 : index
      %swap3A_295 = tpu.vector_load %arg8[%swap3A_293, %swap3A_294] {strides = array<i32>} : memref<64x256xf32, #tpu.memory_space<vmem>>, vector<16xf32>,
      tpu.vector_store %arg8[%swap3A_293, %swap3A_294], %mul3A_292 {strides = array<i32>} : memref<64x256xf32, #tpu.memory_space<vmem>>, vector<16xf32>,
      %slice3A_296 = vector.extract_strided_slice %mul3A_260 {offsets = [5], sizes = [1], strides = [1]} : vector<16xf32> to vector<1xf32>
      %squeeze3A_297 = vector.extract %slice3A_296[0] : f32 from vector<1xf32>
      %mul3A_298 = vector.broadcast %squeeze3A_297 : f32 to vector<16xf32>
      %mul3A_299 = arith.mulf %mul3A_298, %mul3A_263 : vector<16xf32>
      %swap3A_300 = arith.index_cast %scan3A_231 : i32 to index
      %swap3A_301 = arith.constant 80 : index
      %swap3A_302 = tpu.vector_load %arg8[%swap3A_300, %swap3A_301] {strides = array<i32>} : memref<64x256xf32, #tpu.memory_space<vmem>>, vector<16xf32>,
      tpu.vector_store %arg8[%swap3A_300, %swap3A_301], %mul3A_299 {strides = array<i32>} : memref<64x256xf32, #tpu.memory_space<vmem>>, vector<16xf32>,
      %slice3A_303 = vector.extract_strided_slice %mul3A_260 {offsets = [6], sizes = [1], strides = [1]} : vector<16xf32> to vector<1xf32>
      %squeeze3A_304 = vector.extract %slice3A_303[0] : f32 from vector<1xf32>
      %mul3A_305 = vector.broadcast %squeeze3A_304 : f32 to vector<16xf32>
      %mul3A_306 = arith.mulf %mul3A_305, %mul3A_263 : vector<16xf32>
      %swap3A_307 = arith.index_cast %scan3A_231 : i32 to index
      %swap3A_308 = arith.constant 96 : index
      %swap3A_309 = tpu.vector_load %arg8[%swap3A_307, %swap3A_308] {strides = array<i32>} : memref<64x256xf32, #tpu.memory_space<vmem>>, vector<16xf32>,
      tpu.vector_store %arg8[%swap3A_307, %swap3A_308], %mul3A_306 {strides = array<i32>} : memref<64x256xf32, #tpu.memory_space<vmem>>, vector<16xf32>,
      %slice3A_310 = vector.extract_strided_slice %mul3A_260 {offsets = [7], sizes = [1], strides = [1]} : vector<16xf32> to vector<1xf32>
      %squeeze3A_311 = vector.extract %slice3A_310[0] : f32 from vector<1xf32>
      %mul3A_312 = vector.broadcast %squeeze3A_311 : f32 to vector<16xf32>
      %mul3A_313 = arith.mulf %mul3A_312, %mul3A_263 : vector<16xf32>
      %swap3A_314 = arith.index_cast %scan3A_231 : i32 to index
      %swap3A_315 = arith.constant 112 : index
      %swap3A_316 = tpu.vector_load %arg8[%swap3A_314, %swap3A_315] {strides = array<i32>} : memref<64x256xf32, #tpu.memory_space<vmem>>, vector<16xf32>,
      tpu.vector_store %arg8[%swap3A_314, %swap3A_315], %mul3A_313 {strides = array<i32>} : memref<64x256xf32, #tpu.memory_space<vmem>>, vector<16xf32>,
      %slice3A_317 = vector.extract_strided_slice %mul3A_260 {offsets = [8], sizes = [1], strides = [1]} : vector<16xf32> to vector<1xf32>
      %squeeze3A_318 = vector.extract %slice3A_317[0] : f32 from vector<1xf32>
      %mul3A_319 = vector.broadcast %squeeze3A_318 : f32 to vector<16xf32>
      %mul3A_320 = arith.mulf %mul3A_319, %mul3A_263 : vector<16xf32>
      %swap3A_321 = arith.index_cast %scan3A_231 : i32 to index
      %swap3A_322 = arith.constant 128 : index
      %swap3A_323 = tpu.vector_load %arg8[%swap3A_321, %swap3A_322] {strides = array<i32>} : memref<64x256xf32, #tpu.memory_space<vmem>>, vector<16xf32>,
      tpu.vector_store %arg8[%swap3A_321, %swap3A_322], %mul3A_320 {strides = array<i32>} : memref<64x256xf32, #tpu.memory_space<vmem>>, vector<16xf32>,
      %slice3A_324 = vector.extract_strided_slice %mul3A_260 {offsets = [9], sizes = [1], strides = [1]} : vector<16xf32> to vector<1xf32>
      %squeeze3A_325 = vector.extract %slice3A_324[0] : f32 from vector<1xf32>
      %mul3A_326 = vector.broadcast %squeeze3A_325 : f32 to vector<16xf32>
      %mul3A_327 = arith.mulf %mul3A_326, %mul3A_263 : vector<16xf32>
      %swap3A_328 = arith.index_cast %scan3A_231 : i32 to index
      %swap3A_329 = arith.constant 144 : index
      %swap3A_330 = tpu.vector_load %arg8[%swap3A_328, %swap3A_329] {strides = array<i32>} : memref<64x256xf32, #tpu.memory_space<vmem>>, vector<16xf32>,
      tpu.vector_store %arg8[%swap3A_328, %swap3A_329], %mul3A_327 {strides = array<i32>} : memref<64x256xf32, #tpu.memory_space<vmem>>, vector<16xf32>,
      %slice3A_331 = vector.extract_strided_slice %mul3A_260 {offsets = [10], sizes = [1], strides = [1]} : vector<16xf32> to vector<1xf32>
      %squeeze3A_332 = vector.extract %slice3A_331[0] : f32 from vector<1xf32>
      %mul3A_333 = vector.broadcast %squeeze3A_332 : f32 to vector<16xf32>
      %mul3A_334 = arith.mulf %mul3A_333, %mul3A_263 : vector<16xf32>
      %swap3A_335 = arith.index_cast %scan3A_231 : i32 to index
      %swap3A_336 = arith.constant 160 : index
      %swap3A_337 = tpu.vector_load %arg8[%swap3A_335, %swap3A_336] {strides = array<i32>} : memref<64x256xf32, #tpu.memory_space<vmem>>, vector<16xf32>,
      tpu.vector_store %arg8[%swap3A_335, %swap3A_336], %mul3A_334 {strides = array<i32>} : memref<64x256xf32, #tpu.memory_space<vmem>>, vector<16xf32>,
      %slice3A_338 = vector.extract_strided_slice %mul3A_260 {offsets = [11], sizes = [1], strides = [1]} : vector<16xf32> to vector<1xf32>
      %squeeze3A_339 = vector.extract %slice3A_338[0] : f32 from vector<1xf32>
      %mul3A_340 = vector.broadcast %squeeze3A_339 : f32 to vector<16xf32>
      %mul3A_341 = arith.mulf %mul3A_340, %mul3A_263 : vector<16xf32>
      %swap3A_342 = arith.index_cast %scan3A_231 : i32 to index
      %swap3A_343 = arith.constant 176 : index
      %swap3A_344 = tpu.vector_load %arg8[%swap3A_342, %swap3A_343] {strides = array<i32>} : memref<64x256xf32, #tpu.memory_space<vmem>>, vector<16xf32>,
      tpu.vector_store %arg8[%swap3A_342, %swap3A_343], %mul3A_341 {strides = array<i32>} : memref<64x256xf32, #tpu.memory_space<vmem>>, vector<16xf32>,
      %slice3A_345 = vector.extract_strided_slice %mul3A_260 {offsets = [12], sizes = [1], strides = [1]} : vector<16xf32> to vector<1xf32>
      %squeeze3A_346 = vector.extract %slice3A_345[0] : f32 from vector<1xf32>
      %mul3A_347 = vector.broadcast %squeeze3A_346 : f32 to vector<16xf32>
      %mul3A_348 = arith.mulf %mul3A_347, %mul3A_263 : vector<16xf32>
      %swap3A_349 = arith.index_cast %scan3A_231 : i32 to index
      %swap3A_350 = arith.constant 192 : index
      %swap3A_351 = tpu.vector_load %arg8[%swap3A_349, %swap3A_350] {strides = array<i32>} : memref<64x256xf32, #tpu.memory_space<vmem>>, vector<16xf32>,
      tpu.vector_store %arg8[%swap3A_349, %swap3A_350], %mul3A_348 {strides = array<i32>} : memref<64x256xf32, #tpu.memory_space<vmem>>, vector<16xf32>,
      %slice3A_352 = vector.extract_strided_slice %mul3A_260 {offsets = [13], sizes = [1], strides = [1]} : vector<16xf32> to vector<1xf32>
      %squeeze3A_353 = vector.extract %slice3A_352[0] : f32 from vector<1xf32>
      %mul3A_354 = vector.broadcast %squeeze3A_353 : f32 to vector<16xf32>
      %mul3A_355 = arith.mulf %mul3A_354, %mul3A_263 : vector<16xf32>
      %swap3A_356 = arith.index_cast %scan3A_231 : i32 to index
      %swap3A_357 = arith.constant 208 : index
      %swap3A_358 = tpu.vector_load %arg8[%swap3A_356, %swap3A_357] {strides = array<i32>} : memref<64x256xf32, #tpu.memory_space<vmem>>, vector<16xf32>,
      tpu.vector_store %arg8[%swap3A_356, %swap3A_357], %mul3A_355 {strides = array<i32>} : memref<64x256xf32, #tpu.memory_space<vmem>>, vector<16xf32>,
      %slice3A_359 = vector.extract_strided_slice %mul3A_260 {offsets = [14], sizes = [1], strides = [1]} : vector<16xf32> to vector<1xf32>
      %squeeze3A_360 = vector.extract %slice3A_359[0] : f32 from vector<1xf32>
      %mul3A_361 = vector.broadcast %squeeze3A_360 : f32 to vector<16xf32>
      %mul3A_362 = arith.mulf %mul3A_361, %mul3A_263 : vector<16xf32>
      %swap3A_363 = arith.index_cast %scan3A_231 : i32 to index
      %swap3A_364 = arith.constant 224 : index
      %swap3A_365 = tpu.vector_load %arg8[%swap3A_363, %swap3A_364] {strides = array<i32>} : memref<64x256xf32, #tpu.memory_space<vmem>>, vector<16xf32>,
      tpu.vector_store %arg8[%swap3A_363, %swap3A_364], %mul3A_362 {strides = array<i32>} : memref<64x256xf32, #tpu.memory_space<vmem>>, vector<16xf32>,
      %slice3A_366 = vector.extract_strided_slice %mul3A_260 {offsets = [15], sizes = [1], strides = [1]} : vector<16xf32> to vector<1xf32>
      %squeeze3A_367 = vector.extract %slice3A_366[0] : f32 from vector<1xf32>
      %mul3A_368 = vector.broadcast %squeeze3A_367 : f32 to vector<16xf32>
      %mul3A_369 = arith.mulf %mul3A_368, %mul3A_263 : vector<16xf32>
      %swap3A_370 = arith.index_cast %scan3A_231 : i32 to index
      %swap3A_371 = arith.constant 240 : index
      %swap3A_372 = tpu.vector_load %arg8[%swap3A_370, %swap3A_371] {strides = array<i32>} : memref<64x256xf32, #tpu.memory_space<vmem>>, vector<16xf32>,
      tpu.vector_store %arg8[%swap3A_370, %swap3A_371], %mul3A_369 {strides = array<i32>} : memref<64x256xf32, #tpu.memory_space<vmem>>, vector<16xf32>,
      %scan3A_373 = arith.constant 0 : i32
      scf.yield %scan3A_373 : i32
    }
    %scan3A_72 = arith.constant 64 : i32
    %add3A_73 = arith.constant 64 : i32
    %add3A_74 = arith.addi %mul3A_2, %add3A_73 : i32
    %dma_start3A_75 = arith.constant 0 : i32
    %dma_start3A_76 = tpu.memref_slice %arg4[%add3A_74, %dma_start3A_75] : memref<16384x256xf32, #tpu.memory_space<hbm>> -> memref<64x256xf32, #tpu.memory_space<hbm>>
    %dma_start3A_77 = arith.constant 0 : i32
    %dma_start3A_78 = tpu.memref_slice %arg4[%add3A_74, %dma_start3A_77] : memref<16384x256xf32, #tpu.memory_space<hbm>> -> memref<64x256xf32, #tpu.memory_space<hbm>>
    tpu.enqueue_dma source(%arg8 : memref<64x256xf32, #tpu.memory_space<vmem>>) target(%dma_start3A_78 : memref<64x256xf32, #tpu.memory_space<hbm>>) target_semaphore(%arg12 : memref<!tpu.dma_semaphore, #tpu.memory_space<semaphore_mem>>)
    %dma_wait3A_79 = tpu.memref_slice %arg2[%mul3A_63] : memref<262144xf32, #tpu.memory_space<hbm>> -> memref<1024xf32, #tpu.memory_space<hbm>>
    %dma_wait3A_80 = tpu.memref_slice %arg2[%mul3A_63] : memref<262144xf32, #tpu.memory_space<hbm>> -> memref<1024xf32, #tpu.memory_space<hbm>>
    tpu.wait_dma2 semaphore(%arg10 : memref<!tpu.dma_semaphore, #tpu.memory_space<semaphore_mem>>) src(%dma_wait3A_80 : memref<1024xf32, #tpu.memory_space<hbm>>) dst(%arg5 : memref<1024xf32, #tpu.memory_space<vmem>>)
    %add3A_81 = arith.constant 192 : i32
    %add3A_82 = arith.addi %mul3A_2, %add3A_81 : i32
    %mul3A_83 = arith.constant 16 : i32
    %mul3A_84 = arith.muli %add3A_82, %mul3A_83 : i32
    %dma_start3A_85 = tpu.memref_slice %arg2[%mul3A_84] : memref<262144xf32, #tpu.memory_space<hbm>> -> memref<1024xf32, #tpu.memory_space<hbm>>
    %dma_start3A_86 = tpu.memref_slice %arg2[%mul3A_84] : memref<262144xf32, #tpu.memory_space<hbm>> -> memref<1024xf32, #tpu.memory_space<hbm>>
    tpu.enqueue_dma source(%dma_start3A_86 : memref<1024xf32, #tpu.memory_space<hbm>>) target(%arg6 : memref<1024xf32, #tpu.memory_space<vmem>>) target_semaphore(%arg10 : memref<!tpu.dma_semaphore, #tpu.memory_space<semaphore_mem>>)
    %dma_wait3A_87 = arith.constant 0 : i32
    %dma_wait3A_88 = tpu.memref_slice %arg4[%mul3A_2, %dma_wait3A_87] : memref<16384x256xf32, #tpu.memory_space<hbm>> -> memref<64x256xf32, #tpu.memory_space<hbm>>
    %dma_wait3A_89 = arith.constant 0 : i32
    %dma_wait3A_90 = tpu.memref_slice %arg4[%mul3A_2, %dma_wait3A_89] : memref<16384x256xf32, #tpu.memory_space<hbm>> -> memref<64x256xf32, #tpu.memory_space<hbm>>
    tpu.wait_dma2 semaphore(%arg11 : memref<!tpu.dma_semaphore, #tpu.memory_space<semaphore_mem>>) src(%arg7 : memref<64x256xf32, #tpu.memory_space<vmem>>) dst(%dma_wait3A_90 : memref<64x256xf32, #tpu.memory_space<hbm>>)
    %scan3A_91 = arith.constant 0 : i32
    %scan3A_92 = arith.constant 0 : i32
    %scan3A_93 = arith.constant 64 : i32
    %scan3A_94 = arith.addi %scan3A_92, %scan3A_93 : i32
    %scan3A_95 = arith.constant 1 : i32
    %scan3A_96 = scf.for %scan3A_231 = %scan3A_92 to %scan3A_94 step %scan3A_95 iter_args(%scan3A_232 = %scan3A_91) -> (i32)  : i32 {
      %mul3A_233 = arith.constant 16 : i32
      %mul3A_234 = arith.muli %scan3A_231, %mul3A_233 : i32
      %add3A_235 = vector.broadcast %mul3A_234 : i32 to vector<16xi32>
      %add3A_236 = arith.addi %get3A_5, %add3A_235 : vector<16xi32>
      %gather3A = tpu.vector_load_idx %arg5[%add3A_236] : memref<1024xf32, #tpu.memory_space<vmem>>[vector<16xi32>], vector<16xf32>,
      %add3A_237 = vector.broadcast %mul3A_234 : i32 to vector<16xi32>
      %add3A_238 = arith.addi %get3A_9, %add3A_237 : vector<16xi32>
      %gather3A_239 = tpu.vector_load_idx %arg5[%add3A_238] : memref<1024xf32, #tpu.memory_space<vmem>>[vector<16xi32>], vector<16xf32>,
      %add3A_240 = vector.broadcast %mul3A_234 : i32 to vector<16xi32>
      %add3A_241 = arith.addi %get3A_13, %add3A_240 : vector<16xi32>
      %gather3A_242 = tpu.vector_load_idx %arg5[%add3A_241] : memref<1024xf32, #tpu.memory_space<vmem>>[vector<16xi32>], vector<16xf32>,
      %add3A_243 = vector.broadcast %mul3A_234 : i32 to vector<16xi32>
      %add3A_244 = arith.addi %get3A_17, %add3A_243 : vector<16xi32>
      %gather3A_245 = tpu.vector_load_idx %arg5[%add3A_244] : memref<1024xf32, #tpu.memory_space<vmem>>[vector<16xi32>], vector<16xf32>,
      %add3A_246 = vector.broadcast %mul3A_234 : i32 to vector<16xi32>
      %add3A_247 = arith.addi %get3A_21, %add3A_246 : vector<16xi32>
      %gather3A_248 = tpu.vector_load_idx %arg5[%add3A_247] : memref<1024xf32, #tpu.memory_space<vmem>>[vector<16xi32>], vector<16xf32>,
      %add3A_249 = vector.broadcast %mul3A_234 : i32 to vector<16xi32>
      %add3A_250 = arith.addi %get3A_25, %add3A_249 : vector<16xi32>
      %gather3A_251 = tpu.vector_load_idx %arg5[%add3A_250] : memref<1024xf32, #tpu.memory_space<vmem>>[vector<16xi32>], vector<16xf32>,
      %add3A_252 = vector.broadcast %mul3A_234 : i32 to vector<16xi32>
      %add3A_253 = arith.addi %get3A_29, %add3A_252 : vector<16xi32>
      %gather3A_254 = tpu.vector_load_idx %arg5[%add3A_253] : memref<1024xf32, #tpu.memory_space<vmem>>[vector<16xi32>], vector<16xf32>,
      %add3A_255 = vector.broadcast %mul3A_234 : i32 to vector<16xi32>
      %add3A_256 = arith.addi %get3A_33, %add3A_255 : vector<16xi32>
      %gather3A_257 = tpu.vector_load_idx %arg5[%add3A_256] : memref<1024xf32, #tpu.memory_space<vmem>>[vector<16xi32>], vector<16xf32>,
      %mul3A_258 = arith.mulf %gather3A, %gather3A_239 : vector<16xf32>
      %mul3A_259 = arith.mulf %gather3A_242, %gather3A_245 : vector<16xf32>
      %mul3A_260 = arith.mulf %mul3A_258, %mul3A_259 : vector<16xf32>
      %mul3A_261 = arith.mulf %gather3A_248, %gather3A_251 : vector<16xf32>
      %mul3A_262 = arith.mulf %gather3A_254, %gather3A_257 : vector<16xf32>
      %mul3A_263 = arith.mulf %mul3A_261, %mul3A_262 : vector<16xf32>
      %slice3A = vector.extract_strided_slice %mul3A_260 {offsets = [0], sizes = [1], strides = [1]} : vector<16xf32> to vector<1xf32>
      %squeeze3A = vector.extract %slice3A[0] : f32 from vector<1xf32>
      %mul3A_264 = vector.broadcast %squeeze3A : f32 to vector<16xf32>
      %mul3A_265 = arith.mulf %mul3A_264, %mul3A_263 : vector<16xf32>
      %swap3A = arith.index_cast %scan3A_231 : i32 to index
      %swap3A_266 = arith.constant 0 : index
      %swap3A_267 = tpu.vector_load %arg7[%swap3A, %swap3A_266] {strides = array<i32>} : memref<64x256xf32, #tpu.memory_space<vmem>>, vector<16xf32>,
      tpu.vector_store %arg7[%swap3A, %swap3A_266], %mul3A_265 {strides = array<i32>} : memref<64x256xf32, #tpu.memory_space<vmem>>, vector<16xf32>,
      %slice3A_268 = vector.extract_strided_slice %mul3A_260 {offsets = [1], sizes = [1], strides = [1]} : vector<16xf32> to vector<1xf32>
      %squeeze3A_269 = vector.extract %slice3A_268[0] : f32 from vector<1xf32>
      %mul3A_270 = vector.broadcast %squeeze3A_269 : f32 to vector<16xf32>
      %mul3A_271 = arith.mulf %mul3A_270, %mul3A_263 : vector<16xf32>
      %swap3A_272 = arith.index_cast %scan3A_231 : i32 to index
      %swap3A_273 = arith.constant 16 : index
      %swap3A_274 = tpu.vector_load %arg7[%swap3A_272, %swap3A_273] {strides = array<i32>} : memref<64x256xf32, #tpu.memory_space<vmem>>, vector<16xf32>,
      tpu.vector_store %arg7[%swap3A_272, %swap3A_273], %mul3A_271 {strides = array<i32>} : memref<64x256xf32, #tpu.memory_space<vmem>>, vector<16xf32>,
      %slice3A_275 = vector.extract_strided_slice %mul3A_260 {offsets = [2], sizes = [1], strides = [1]} : vector<16xf32> to vector<1xf32>
      %squeeze3A_276 = vector.extract %slice3A_275[0] : f32 from vector<1xf32>
      %mul3A_277 = vector.broadcast %squeeze3A_276 : f32 to vector<16xf32>
      %mul3A_278 = arith.mulf %mul3A_277, %mul3A_263 : vector<16xf32>
      %swap3A_279 = arith.index_cast %scan3A_231 : i32 to index
      %swap3A_280 = arith.constant 32 : index
      %swap3A_281 = tpu.vector_load %arg7[%swap3A_279, %swap3A_280] {strides = array<i32>} : memref<64x256xf32, #tpu.memory_space<vmem>>, vector<16xf32>,
      tpu.vector_store %arg7[%swap3A_279, %swap3A_280], %mul3A_278 {strides = array<i32>} : memref<64x256xf32, #tpu.memory_space<vmem>>, vector<16xf32>,
      %slice3A_282 = vector.extract_strided_slice %mul3A_260 {offsets = [3], sizes = [1], strides = [1]} : vector<16xf32> to vector<1xf32>
      %squeeze3A_283 = vector.extract %slice3A_282[0] : f32 from vector<1xf32>
      %mul3A_284 = vector.broadcast %squeeze3A_283 : f32 to vector<16xf32>
      %mul3A_285 = arith.mulf %mul3A_284, %mul3A_263 : vector<16xf32>
      %swap3A_286 = arith.index_cast %scan3A_231 : i32 to index
      %swap3A_287 = arith.constant 48 : index
      %swap3A_288 = tpu.vector_load %arg7[%swap3A_286, %swap3A_287] {strides = array<i32>} : memref<64x256xf32, #tpu.memory_space<vmem>>, vector<16xf32>,
      tpu.vector_store %arg7[%swap3A_286, %swap3A_287], %mul3A_285 {strides = array<i32>} : memref<64x256xf32, #tpu.memory_space<vmem>>, vector<16xf32>,
      %slice3A_289 = vector.extract_strided_slice %mul3A_260 {offsets = [4], sizes = [1], strides = [1]} : vector<16xf32> to vector<1xf32>
      %squeeze3A_290 = vector.extract %slice3A_289[0] : f32 from vector<1xf32>
      %mul3A_291 = vector.broadcast %squeeze3A_290 : f32 to vector<16xf32>
      %mul3A_292 = arith.mulf %mul3A_291, %mul3A_263 : vector<16xf32>
      %swap3A_293 = arith.index_cast %scan3A_231 : i32 to index
      %swap3A_294 = arith.constant 64 : index
      %swap3A_295 = tpu.vector_load %arg7[%swap3A_293, %swap3A_294] {strides = array<i32>} : memref<64x256xf32, #tpu.memory_space<vmem>>, vector<16xf32>,
      tpu.vector_store %arg7[%swap3A_293, %swap3A_294], %mul3A_292 {strides = array<i32>} : memref<64x256xf32, #tpu.memory_space<vmem>>, vector<16xf32>,
      %slice3A_296 = vector.extract_strided_slice %mul3A_260 {offsets = [5], sizes = [1], strides = [1]} : vector<16xf32> to vector<1xf32>
      %squeeze3A_297 = vector.extract %slice3A_296[0] : f32 from vector<1xf32>
      %mul3A_298 = vector.broadcast %squeeze3A_297 : f32 to vector<16xf32>
      %mul3A_299 = arith.mulf %mul3A_298, %mul3A_263 : vector<16xf32>
      %swap3A_300 = arith.index_cast %scan3A_231 : i32 to index
      %swap3A_301 = arith.constant 80 : index
      %swap3A_302 = tpu.vector_load %arg7[%swap3A_300, %swap3A_301] {strides = array<i32>} : memref<64x256xf32, #tpu.memory_space<vmem>>, vector<16xf32>,
      tpu.vector_store %arg7[%swap3A_300, %swap3A_301], %mul3A_299 {strides = array<i32>} : memref<64x256xf32, #tpu.memory_space<vmem>>, vector<16xf32>,
      %slice3A_303 = vector.extract_strided_slice %mul3A_260 {offsets = [6], sizes = [1], strides = [1]} : vector<16xf32> to vector<1xf32>
      %squeeze3A_304 = vector.extract %slice3A_303[0] : f32 from vector<1xf32>
      %mul3A_305 = vector.broadcast %squeeze3A_304 : f32 to vector<16xf32>
      %mul3A_306 = arith.mulf %mul3A_305, %mul3A_263 : vector<16xf32>
      %swap3A_307 = arith.index_cast %scan3A_231 : i32 to index
      %swap3A_308 = arith.constant 96 : index
      %swap3A_309 = tpu.vector_load %arg7[%swap3A_307, %swap3A_308] {strides = array<i32>} : memref<64x256xf32, #tpu.memory_space<vmem>>, vector<16xf32>,
      tpu.vector_store %arg7[%swap3A_307, %swap3A_308], %mul3A_306 {strides = array<i32>} : memref<64x256xf32, #tpu.memory_space<vmem>>, vector<16xf32>,
      %slice3A_310 = vector.extract_strided_slice %mul3A_260 {offsets = [7], sizes = [1], strides = [1]} : vector<16xf32> to vector<1xf32>
      %squeeze3A_311 = vector.extract %slice3A_310[0] : f32 from vector<1xf32>
      %mul3A_312 = vector.broadcast %squeeze3A_311 : f32 to vector<16xf32>
      %mul3A_313 = arith.mulf %mul3A_312, %mul3A_263 : vector<16xf32>
      %swap3A_314 = arith.index_cast %scan3A_231 : i32 to index
      %swap3A_315 = arith.constant 112 : index
      %swap3A_316 = tpu.vector_load %arg7[%swap3A_314, %swap3A_315] {strides = array<i32>} : memref<64x256xf32, #tpu.memory_space<vmem>>, vector<16xf32>,
      tpu.vector_store %arg7[%swap3A_314, %swap3A_315], %mul3A_313 {strides = array<i32>} : memref<64x256xf32, #tpu.memory_space<vmem>>, vector<16xf32>,
      %slice3A_317 = vector.extract_strided_slice %mul3A_260 {offsets = [8], sizes = [1], strides = [1]} : vector<16xf32> to vector<1xf32>
      %squeeze3A_318 = vector.extract %slice3A_317[0] : f32 from vector<1xf32>
      %mul3A_319 = vector.broadcast %squeeze3A_318 : f32 to vector<16xf32>
      %mul3A_320 = arith.mulf %mul3A_319, %mul3A_263 : vector<16xf32>
      %swap3A_321 = arith.index_cast %scan3A_231 : i32 to index
      %swap3A_322 = arith.constant 128 : index
      %swap3A_323 = tpu.vector_load %arg7[%swap3A_321, %swap3A_322] {strides = array<i32>} : memref<64x256xf32, #tpu.memory_space<vmem>>, vector<16xf32>,
      tpu.vector_store %arg7[%swap3A_321, %swap3A_322], %mul3A_320 {strides = array<i32>} : memref<64x256xf32, #tpu.memory_space<vmem>>, vector<16xf32>,
      %slice3A_324 = vector.extract_strided_slice %mul3A_260 {offsets = [9], sizes = [1], strides = [1]} : vector<16xf32> to vector<1xf32>
      %squeeze3A_325 = vector.extract %slice3A_324[0] : f32 from vector<1xf32>
      %mul3A_326 = vector.broadcast %squeeze3A_325 : f32 to vector<16xf32>
      %mul3A_327 = arith.mulf %mul3A_326, %mul3A_263 : vector<16xf32>
      %swap3A_328 = arith.index_cast %scan3A_231 : i32 to index
      %swap3A_329 = arith.constant 144 : index
      %swap3A_330 = tpu.vector_load %arg7[%swap3A_328, %swap3A_329] {strides = array<i32>} : memref<64x256xf32, #tpu.memory_space<vmem>>, vector<16xf32>,
      tpu.vector_store %arg7[%swap3A_328, %swap3A_329], %mul3A_327 {strides = array<i32>} : memref<64x256xf32, #tpu.memory_space<vmem>>, vector<16xf32>,
      %slice3A_331 = vector.extract_strided_slice %mul3A_260 {offsets = [10], sizes = [1], strides = [1]} : vector<16xf32> to vector<1xf32>
      %squeeze3A_332 = vector.extract %slice3A_331[0] : f32 from vector<1xf32>
      %mul3A_333 = vector.broadcast %squeeze3A_332 : f32 to vector<16xf32>
      %mul3A_334 = arith.mulf %mul3A_333, %mul3A_263 : vector<16xf32>
      %swap3A_335 = arith.index_cast %scan3A_231 : i32 to index
      %swap3A_336 = arith.constant 160 : index
      %swap3A_337 = tpu.vector_load %arg7[%swap3A_335, %swap3A_336] {strides = array<i32>} : memref<64x256xf32, #tpu.memory_space<vmem>>, vector<16xf32>,
      tpu.vector_store %arg7[%swap3A_335, %swap3A_336], %mul3A_334 {strides = array<i32>} : memref<64x256xf32, #tpu.memory_space<vmem>>, vector<16xf32>,
      %slice3A_338 = vector.extract_strided_slice %mul3A_260 {offsets = [11], sizes = [1], strides = [1]} : vector<16xf32> to vector<1xf32>
      %squeeze3A_339 = vector.extract %slice3A_338[0] : f32 from vector<1xf32>
      %mul3A_340 = vector.broadcast %squeeze3A_339 : f32 to vector<16xf32>
      %mul3A_341 = arith.mulf %mul3A_340, %mul3A_263 : vector<16xf32>
      %swap3A_342 = arith.index_cast %scan3A_231 : i32 to index
      %swap3A_343 = arith.constant 176 : index
      %swap3A_344 = tpu.vector_load %arg7[%swap3A_342, %swap3A_343] {strides = array<i32>} : memref<64x256xf32, #tpu.memory_space<vmem>>, vector<16xf32>,
      tpu.vector_store %arg7[%swap3A_342, %swap3A_343], %mul3A_341 {strides = array<i32>} : memref<64x256xf32, #tpu.memory_space<vmem>>, vector<16xf32>,
      %slice3A_345 = vector.extract_strided_slice %mul3A_260 {offsets = [12], sizes = [1], strides = [1]} : vector<16xf32> to vector<1xf32>
      %squeeze3A_346 = vector.extract %slice3A_345[0] : f32 from vector<1xf32>
      %mul3A_347 = vector.broadcast %squeeze3A_346 : f32 to vector<16xf32>
      %mul3A_348 = arith.mulf %mul3A_347, %mul3A_263 : vector<16xf32>
      %swap3A_349 = arith.index_cast %scan3A_231 : i32 to index
      %swap3A_350 = arith.constant 192 : index
      %swap3A_351 = tpu.vector_load %arg7[%swap3A_349, %swap3A_350] {strides = array<i32>} : memref<64x256xf32, #tpu.memory_space<vmem>>, vector<16xf32>,
      tpu.vector_store %arg7[%swap3A_349, %swap3A_350], %mul3A_348 {strides = array<i32>} : memref<64x256xf32, #tpu.memory_space<vmem>>, vector<16xf32>,
      %slice3A_352 = vector.extract_strided_slice %mul3A_260 {offsets = [13], sizes = [1], strides = [1]} : vector<16xf32> to vector<1xf32>
      %squeeze3A_353 = vector.extract %slice3A_352[0] : f32 from vector<1xf32>
      %mul3A_354 = vector.broadcast %squeeze3A_353 : f32 to vector<16xf32>
      %mul3A_355 = arith.mulf %mul3A_354, %mul3A_263 : vector<16xf32>
      %swap3A_356 = arith.index_cast %scan3A_231 : i32 to index
      %swap3A_357 = arith.constant 208 : index
      %swap3A_358 = tpu.vector_load %arg7[%swap3A_356, %swap3A_357] {strides = array<i32>} : memref<64x256xf32, #tpu.memory_space<vmem>>, vector<16xf32>,
      tpu.vector_store %arg7[%swap3A_356, %swap3A_357], %mul3A_355 {strides = array<i32>} : memref<64x256xf32, #tpu.memory_space<vmem>>, vector<16xf32>,
      %slice3A_359 = vector.extract_strided_slice %mul3A_260 {offsets = [14], sizes = [1], strides = [1]} : vector<16xf32> to vector<1xf32>
      %squeeze3A_360 = vector.extract %slice3A_359[0] : f32 from vector<1xf32>
      %mul3A_361 = vector.broadcast %squeeze3A_360 : f32 to vector<16xf32>
      %mul3A_362 = arith.mulf %mul3A_361, %mul3A_263 : vector<16xf32>
      %swap3A_363 = arith.index_cast %scan3A_231 : i32 to index
      %swap3A_364 = arith.constant 224 : index
      %swap3A_365 = tpu.vector_load %arg7[%swap3A_363, %swap3A_364] {strides = array<i32>} : memref<64x256xf32, #tpu.memory_space<vmem>>, vector<16xf32>,
      tpu.vector_store %arg7[%swap3A_363, %swap3A_364], %mul3A_362 {strides = array<i32>} : memref<64x256xf32, #tpu.memory_space<vmem>>, vector<16xf32>,
      %slice3A_366 = vector.extract_strided_slice %mul3A_260 {offsets = [15], sizes = [1], strides = [1]} : vector<16xf32> to vector<1xf32>
      %squeeze3A_367 = vector.extract %slice3A_366[0] : f32 from vector<1xf32>
      %mul3A_368 = vector.broadcast %squeeze3A_367 : f32 to vector<16xf32>
      %mul3A_369 = arith.mulf %mul3A_368, %mul3A_263 : vector<16xf32>
      %swap3A_370 = arith.index_cast %scan3A_231 : i32 to index
      %swap3A_371 = arith.constant 240 : index
      %swap3A_372 = tpu.vector_load %arg7[%swap3A_370, %swap3A_371] {strides = array<i32>} : memref<64x256xf32, #tpu.memory_space<vmem>>, vector<16xf32>,
      tpu.vector_store %arg7[%swap3A_370, %swap3A_371], %mul3A_369 {strides = array<i32>} : memref<64x256xf32, #tpu.memory_space<vmem>>, vector<16xf32>,
      %scan3A_373 = arith.constant 0 : i32
      scf.yield %scan3A_373 : i32
    }
    %scan3A_97 = arith.constant 64 : i32
    %add3A_98 = arith.constant 128 : i32
    %add3A_99 = arith.addi %mul3A_2, %add3A_98 : i32
    %dma_start3A_100 = arith.constant 0 : i32
    %dma_start3A_101 = tpu.memref_slice %arg4[%add3A_99, %dma_start3A_100] : memref<16384x256xf32, #tpu.memory_space<hbm>> -> memref<64x256xf32, #tpu.memory_space<hbm>>
    %dma_start3A_102 = arith.constant 0 : i32
    %dma_start3A_103 = tpu.memref_slice %arg4[%add3A_99, %dma_start3A_102] : memref<16384x256xf32, #tpu.memory_space<hbm>> -> memref<64x256xf32, #tpu.memory_space<hbm>>
    tpu.enqueue_dma source(%arg7 : memref<64x256xf32, #tpu.memory_space<vmem>>) target(%dma_start3A_103 : memref<64x256xf32, #tpu.memory_space<hbm>>) target_semaphore(%arg11 : memref<!tpu.dma_semaphore, #tpu.memory_space<semaphore_mem>>)
    %dma_wait3A_104 = tpu.memref_slice %arg2[%mul3A_84] : memref<262144xf32, #tpu.memory_space<hbm>> -> memref<1024xf32, #tpu.memory_space<hbm>>
    %dma_wait3A_105 = tpu.memref_slice %arg2[%mul3A_84] : memref<262144xf32, #tpu.memory_space<hbm>> -> memref<1024xf32, #tpu.memory_space<hbm>>
    tpu.wait_dma2 semaphore(%arg10 : memref<!tpu.dma_semaphore, #tpu.memory_space<semaphore_mem>>) src(%dma_wait3A_105 : memref<1024xf32, #tpu.memory_space<hbm>>) dst(%arg6 : memref<1024xf32, #tpu.memory_space<vmem>>)
    %add3A_106 = arith.constant 256 : i32
    %add3A_107 = arith.addi %mul3A_2, %add3A_106 : i32
    %mul3A_108 = arith.constant 16 : i32
    %mul3A_109 = arith.muli %add3A_107, %mul3A_108 : i32
    %dma_start3A_110 = tpu.memref_slice %arg2[%mul3A_109] : memref<262144xf32, #tpu.memory_space<hbm>> -> memref<1024xf32, #tpu.memory_space<hbm>>
    %dma_start3A_111 = tpu.memref_slice %arg2[%mul3A_109] : memref<262144xf32, #tpu.memory_space<hbm>> -> memref<1024xf32, #tpu.memory_space<hbm>>
    tpu.enqueue_dma source(%dma_start3A_111 : memref<1024xf32, #tpu.memory_space<hbm>>) target(%arg5 : memref<1024xf32, #tpu.memory_space<vmem>>) target_semaphore(%arg10 : memref<!tpu.dma_semaphore, #tpu.memory_space<semaphore_mem>>)
    %dma_wait3A_112 = arith.constant 0 : i32
    %dma_wait3A_113 = tpu.memref_slice %arg4[%mul3A_2, %dma_wait3A_112] : memref<16384x256xf32, #tpu.memory_space<hbm>> -> memref<64x256xf32, #tpu.memory_space<hbm>>
    %dma_wait3A_114 = arith.constant 0 : i32
    %dma_wait3A_115 = tpu.memref_slice %arg4[%mul3A_2, %dma_wait3A_114] : memref<16384x256xf32, #tpu.memory_space<hbm>> -> memref<64x256xf32, #tpu.memory_space<hbm>>
    tpu.wait_dma2 semaphore(%arg12 : memref<!tpu.dma_semaphore, #tpu.memory_space<semaphore_mem>>) src(%arg8 : memref<64x256xf32, #tpu.memory_space<vmem>>) dst(%dma_wait3A_115 : memref<64x256xf32, #tpu.memory_space<hbm>>)
    %scan3A_116 = arith.constant 0 : i32
    %scan3A_117 = arith.constant 0 : i32
    %scan3A_118 = arith.constant 64 : i32
    %scan3A_119 = arith.addi %scan3A_117, %scan3A_118 : i32
    %scan3A_120 = arith.constant 1 : i32
    %scan3A_121 = scf.for %scan3A_231 = %scan3A_117 to %scan3A_119 step %scan3A_120 iter_args(%scan3A_232 = %scan3A_116) -> (i32)  : i32 {
      %mul3A_233 = arith.constant 16 : i32
      %mul3A_234 = arith.muli %scan3A_231, %mul3A_233 : i32
      %add3A_235 = vector.broadcast %mul3A_234 : i32 to vector<16xi32>
      %add3A_236 = arith.addi %get3A_5, %add3A_235 : vector<16xi32>
      %gather3A = tpu.vector_load_idx %arg6[%add3A_236] : memref<1024xf32, #tpu.memory_space<vmem>>[vector<16xi32>], vector<16xf32>,
      %add3A_237 = vector.broadcast %mul3A_234 : i32 to vector<16xi32>
      %add3A_238 = arith.addi %get3A_9, %add3A_237 : vector<16xi32>
      %gather3A_239 = tpu.vector_load_idx %arg6[%add3A_238] : memref<1024xf32, #tpu.memory_space<vmem>>[vector<16xi32>], vector<16xf32>,
      %add3A_240 = vector.broadcast %mul3A_234 : i32 to vector<16xi32>
      %add3A_241 = arith.addi %get3A_13, %add3A_240 : vector<16xi32>
      %gather3A_242 = tpu.vector_load_idx %arg6[%add3A_241] : memref<1024xf32, #tpu.memory_space<vmem>>[vector<16xi32>], vector<16xf32>,
      %add3A_243 = vector.broadcast %mul3A_234 : i32 to vector<16xi32>
      %add3A_244 = arith.addi %get3A_17, %add3A_243 : vector<16xi32>
      %gather3A_245 = tpu.vector_load_idx %arg6[%add3A_244] : memref<1024xf32, #tpu.memory_space<vmem>>[vector<16xi32>], vector<16xf32>,
      %add3A_246 = vector.broadcast %mul3A_234 : i32 to vector<16xi32>
      %add3A_247 = arith.addi %get3A_21, %add3A_246 : vector<16xi32>
      %gather3A_248 = tpu.vector_load_idx %arg6[%add3A_247] : memref<1024xf32, #tpu.memory_space<vmem>>[vector<16xi32>], vector<16xf32>,
      %add3A_249 = vector.broadcast %mul3A_234 : i32 to vector<16xi32>
      %add3A_250 = arith.addi %get3A_25, %add3A_249 : vector<16xi32>
      %gather3A_251 = tpu.vector_load_idx %arg6[%add3A_250] : memref<1024xf32, #tpu.memory_space<vmem>>[vector<16xi32>], vector<16xf32>,
      %add3A_252 = vector.broadcast %mul3A_234 : i32 to vector<16xi32>
      %add3A_253 = arith.addi %get3A_29, %add3A_252 : vector<16xi32>
      %gather3A_254 = tpu.vector_load_idx %arg6[%add3A_253] : memref<1024xf32, #tpu.memory_space<vmem>>[vector<16xi32>], vector<16xf32>,
      %add3A_255 = vector.broadcast %mul3A_234 : i32 to vector<16xi32>
      %add3A_256 = arith.addi %get3A_33, %add3A_255 : vector<16xi32>
      %gather3A_257 = tpu.vector_load_idx %arg6[%add3A_256] : memref<1024xf32, #tpu.memory_space<vmem>>[vector<16xi32>], vector<16xf32>,
      %mul3A_258 = arith.mulf %gather3A, %gather3A_239 : vector<16xf32>
      %mul3A_259 = arith.mulf %gather3A_242, %gather3A_245 : vector<16xf32>
      %mul3A_260 = arith.mulf %mul3A_258, %mul3A_259 : vector<16xf32>
      %mul3A_261 = arith.mulf %gather3A_248, %gather3A_251 : vector<16xf32>
      %mul3A_262 = arith.mulf %gather3A_254, %gather3A_257 : vector<16xf32>
      %mul3A_263 = arith.mulf %mul3A_261, %mul3A_262 : vector<16xf32>
      %slice3A = vector.extract_strided_slice %mul3A_260 {offsets = [0], sizes = [1], strides = [1]} : vector<16xf32> to vector<1xf32>
      %squeeze3A = vector.extract %slice3A[0] : f32 from vector<1xf32>
      %mul3A_264 = vector.broadcast %squeeze3A : f32 to vector<16xf32>
      %mul3A_265 = arith.mulf %mul3A_264, %mul3A_263 : vector<16xf32>
      %swap3A = arith.index_cast %scan3A_231 : i32 to index
      %swap3A_266 = arith.constant 0 : index
      %swap3A_267 = tpu.vector_load %arg8[%swap3A, %swap3A_266] {strides = array<i32>} : memref<64x256xf32, #tpu.memory_space<vmem>>, vector<16xf32>,
      tpu.vector_store %arg8[%swap3A, %swap3A_266], %mul3A_265 {strides = array<i32>} : memref<64x256xf32, #tpu.memory_space<vmem>>, vector<16xf32>,
      %slice3A_268 = vector.extract_strided_slice %mul3A_260 {offsets = [1], sizes = [1], strides = [1]} : vector<16xf32> to vector<1xf32>
      %squeeze3A_269 = vector.extract %slice3A_268[0] : f32 from vector<1xf32>
      %mul3A_270 = vector.broadcast %squeeze3A_269 : f32 to vector<16xf32>
      %mul3A_271 = arith.mulf %mul3A_270, %mul3A_263 : vector<16xf32>
      %swap3A_272 = arith.index_cast %scan3A_231 : i32 to index
      %swap3A_273 = arith.constant 16 : index
      %swap3A_274 = tpu.vector_load %arg8[%swap3A_272, %swap3A_273] {strides = array<i32>} : memref<64x256xf32, #tpu.memory_space<vmem>>, vector<16xf32>,
      tpu.vector_store %arg8[%swap3A_272, %swap3A_273], %mul3A_271 {strides = array<i32>} : memref<64x256xf32, #tpu.memory_space<vmem>>, vector<16xf32>,
      %slice3A_275 = vector.extract_strided_slice %mul3A_260 {offsets = [2], sizes = [1], strides = [1]} : vector<16xf32> to vector<1xf32>
      %squeeze3A_276 = vector.extract %slice3A_275[0] : f32 from vector<1xf32>
      %mul3A_277 = vector.broadcast %squeeze3A_276 : f32 to vector<16xf32>
      %mul3A_278 = arith.mulf %mul3A_277, %mul3A_263 : vector<16xf32>
      %swap3A_279 = arith.index_cast %scan3A_231 : i32 to index
      %swap3A_280 = arith.constant 32 : index
      %swap3A_281 = tpu.vector_load %arg8[%swap3A_279, %swap3A_280] {strides = array<i32>} : memref<64x256xf32, #tpu.memory_space<vmem>>, vector<16xf32>,
      tpu.vector_store %arg8[%swap3A_279, %swap3A_280], %mul3A_278 {strides = array<i32>} : memref<64x256xf32, #tpu.memory_space<vmem>>, vector<16xf32>,
      %slice3A_282 = vector.extract_strided_slice %mul3A_260 {offsets = [3], sizes = [1], strides = [1]} : vector<16xf32> to vector<1xf32>
      %squeeze3A_283 = vector.extract %slice3A_282[0] : f32 from vector<1xf32>
      %mul3A_284 = vector.broadcast %squeeze3A_283 : f32 to vector<16xf32>
      %mul3A_285 = arith.mulf %mul3A_284, %mul3A_263 : vector<16xf32>
      %swap3A_286 = arith.index_cast %scan3A_231 : i32 to index
      %swap3A_287 = arith.constant 48 : index
      %swap3A_288 = tpu.vector_load %arg8[%swap3A_286, %swap3A_287] {strides = array<i32>} : memref<64x256xf32, #tpu.memory_space<vmem>>, vector<16xf32>,
      tpu.vector_store %arg8[%swap3A_286, %swap3A_287], %mul3A_285 {strides = array<i32>} : memref<64x256xf32, #tpu.memory_space<vmem>>, vector<16xf32>,
      %slice3A_289 = vector.extract_strided_slice %mul3A_260 {offsets = [4], sizes = [1], strides = [1]} : vector<16xf32> to vector<1xf32>
      %squeeze3A_290 = vector.extract %slice3A_289[0] : f32 from vector<1xf32>
      %mul3A_291 = vector.broadcast %squeeze3A_290 : f32 to vector<16xf32>
      %mul3A_292 = arith.mulf %mul3A_291, %mul3A_263 : vector<16xf32>
      %swap3A_293 = arith.index_cast %scan3A_231 : i32 to index
      %swap3A_294 = arith.constant 64 : index
      %swap3A_295 = tpu.vector_load %arg8[%swap3A_293, %swap3A_294] {strides = array<i32>} : memref<64x256xf32, #tpu.memory_space<vmem>>, vector<16xf32>,
      tpu.vector_store %arg8[%swap3A_293, %swap3A_294], %mul3A_292 {strides = array<i32>} : memref<64x256xf32, #tpu.memory_space<vmem>>, vector<16xf32>,
      %slice3A_296 = vector.extract_strided_slice %mul3A_260 {offsets = [5], sizes = [1], strides = [1]} : vector<16xf32> to vector<1xf32>
      %squeeze3A_297 = vector.extract %slice3A_296[0] : f32 from vector<1xf32>
      %mul3A_298 = vector.broadcast %squeeze3A_297 : f32 to vector<16xf32>
      %mul3A_299 = arith.mulf %mul3A_298, %mul3A_263 : vector<16xf32>
      %swap3A_300 = arith.index_cast %scan3A_231 : i32 to index
      %swap3A_301 = arith.constant 80 : index
      %swap3A_302 = tpu.vector_load %arg8[%swap3A_300, %swap3A_301] {strides = array<i32>} : memref<64x256xf32, #tpu.memory_space<vmem>>, vector<16xf32>,
      tpu.vector_store %arg8[%swap3A_300, %swap3A_301], %mul3A_299 {strides = array<i32>} : memref<64x256xf32, #tpu.memory_space<vmem>>, vector<16xf32>,
      %slice3A_303 = vector.extract_strided_slice %mul3A_260 {offsets = [6], sizes = [1], strides = [1]} : vector<16xf32> to vector<1xf32>
      %squeeze3A_304 = vector.extract %slice3A_303[0] : f32 from vector<1xf32>
      %mul3A_305 = vector.broadcast %squeeze3A_304 : f32 to vector<16xf32>
      %mul3A_306 = arith.mulf %mul3A_305, %mul3A_263 : vector<16xf32>
      %swap3A_307 = arith.index_cast %scan3A_231 : i32 to index
      %swap3A_308 = arith.constant 96 : index
      %swap3A_309 = tpu.vector_load %arg8[%swap3A_307, %swap3A_308] {strides = array<i32>} : memref<64x256xf32, #tpu.memory_space<vmem>>, vector<16xf32>,
      tpu.vector_store %arg8[%swap3A_307, %swap3A_308], %mul3A_306 {strides = array<i32>} : memref<64x256xf32, #tpu.memory_space<vmem>>, vector<16xf32>,
      %slice3A_310 = vector.extract_strided_slice %mul3A_260 {offsets = [7], sizes = [1], strides = [1]} : vector<16xf32> to vector<1xf32>
      %squeeze3A_311 = vector.extract %slice3A_310[0] : f32 from vector<1xf32>
      %mul3A_312 = vector.broadcast %squeeze3A_311 : f32 to vector<16xf32>
      %mul3A_313 = arith.mulf %mul3A_312, %mul3A_263 : vector<16xf32>
      %swap3A_314 = arith.index_cast %scan3A_231 : i32 to index
      %swap3A_315 = arith.constant 112 : index
      %swap3A_316 = tpu.vector_load %arg8[%swap3A_314, %swap3A_315] {strides = array<i32>} : memref<64x256xf32, #tpu.memory_space<vmem>>, vector<16xf32>,
      tpu.vector_store %arg8[%swap3A_314, %swap3A_315], %mul3A_313 {strides = array<i32>} : memref<64x256xf32, #tpu.memory_space<vmem>>, vector<16xf32>,
      %slice3A_317 = vector.extract_strided_slice %mul3A_260 {offsets = [8], sizes = [1], strides = [1]} : vector<16xf32> to vector<1xf32>
      %squeeze3A_318 = vector.extract %slice3A_317[0] : f32 from vector<1xf32>
      %mul3A_319 = vector.broadcast %squeeze3A_318 : f32 to vector<16xf32>
      %mul3A_320 = arith.mulf %mul3A_319, %mul3A_263 : vector<16xf32>
      %swap3A_321 = arith.index_cast %scan3A_231 : i32 to index
      %swap3A_322 = arith.constant 128 : index
      %swap3A_323 = tpu.vector_load %arg8[%swap3A_321, %swap3A_322] {strides = array<i32>} : memref<64x256xf32, #tpu.memory_space<vmem>>, vector<16xf32>,
      tpu.vector_store %arg8[%swap3A_321, %swap3A_322], %mul3A_320 {strides = array<i32>} : memref<64x256xf32, #tpu.memory_space<vmem>>, vector<16xf32>,
      %slice3A_324 = vector.extract_strided_slice %mul3A_260 {offsets = [9], sizes = [1], strides = [1]} : vector<16xf32> to vector<1xf32>
      %squeeze3A_325 = vector.extract %slice3A_324[0] : f32 from vector<1xf32>
      %mul3A_326 = vector.broadcast %squeeze3A_325 : f32 to vector<16xf32>
      %mul3A_327 = arith.mulf %mul3A_326, %mul3A_263 : vector<16xf32>
      %swap3A_328 = arith.index_cast %scan3A_231 : i32 to index
      %swap3A_329 = arith.constant 144 : index
      %swap3A_330 = tpu.vector_load %arg8[%swap3A_328, %swap3A_329] {strides = array<i32>} : memref<64x256xf32, #tpu.memory_space<vmem>>, vector<16xf32>,
      tpu.vector_store %arg8[%swap3A_328, %swap3A_329], %mul3A_327 {strides = array<i32>} : memref<64x256xf32, #tpu.memory_space<vmem>>, vector<16xf32>,
      %slice3A_331 = vector.extract_strided_slice %mul3A_260 {offsets = [10], sizes = [1], strides = [1]} : vector<16xf32> to vector<1xf32>
      %squeeze3A_332 = vector.extract %slice3A_331[0] : f32 from vector<1xf32>
      %mul3A_333 = vector.broadcast %squeeze3A_332 : f32 to vector<16xf32>
      %mul3A_334 = arith.mulf %mul3A_333, %mul3A_263 : vector<16xf32>
      %swap3A_335 = arith.index_cast %scan3A_231 : i32 to index
      %swap3A_336 = arith.constant 160 : index
      %swap3A_337 = tpu.vector_load %arg8[%swap3A_335, %swap3A_336] {strides = array<i32>} : memref<64x256xf32, #tpu.memory_space<vmem>>, vector<16xf32>,
      tpu.vector_store %arg8[%swap3A_335, %swap3A_336], %mul3A_334 {strides = array<i32>} : memref<64x256xf32, #tpu.memory_space<vmem>>, vector<16xf32>,
      %slice3A_338 = vector.extract_strided_slice %mul3A_260 {offsets = [11], sizes = [1], strides = [1]} : vector<16xf32> to vector<1xf32>
      %squeeze3A_339 = vector.extract %slice3A_338[0] : f32 from vector<1xf32>
      %mul3A_340 = vector.broadcast %squeeze3A_339 : f32 to vector<16xf32>
      %mul3A_341 = arith.mulf %mul3A_340, %mul3A_263 : vector<16xf32>
      %swap3A_342 = arith.index_cast %scan3A_231 : i32 to index
      %swap3A_343 = arith.constant 176 : index
      %swap3A_344 = tpu.vector_load %arg8[%swap3A_342, %swap3A_343] {strides = array<i32>} : memref<64x256xf32, #tpu.memory_space<vmem>>, vector<16xf32>,
      tpu.vector_store %arg8[%swap3A_342, %swap3A_343], %mul3A_341 {strides = array<i32>} : memref<64x256xf32, #tpu.memory_space<vmem>>, vector<16xf32>,
      %slice3A_345 = vector.extract_strided_slice %mul3A_260 {offsets = [12], sizes = [1], strides = [1]} : vector<16xf32> to vector<1xf32>
      %squeeze3A_346 = vector.extract %slice3A_345[0] : f32 from vector<1xf32>
      %mul3A_347 = vector.broadcast %squeeze3A_346 : f32 to vector<16xf32>
      %mul3A_348 = arith.mulf %mul3A_347, %mul3A_263 : vector<16xf32>
      %swap3A_349 = arith.index_cast %scan3A_231 : i32 to index
      %swap3A_350 = arith.constant 192 : index
      %swap3A_351 = tpu.vector_load %arg8[%swap3A_349, %swap3A_350] {strides = array<i32>} : memref<64x256xf32, #tpu.memory_space<vmem>>, vector<16xf32>,
      tpu.vector_store %arg8[%swap3A_349, %swap3A_350], %mul3A_348 {strides = array<i32>} : memref<64x256xf32, #tpu.memory_space<vmem>>, vector<16xf32>,
      %slice3A_352 = vector.extract_strided_slice %mul3A_260 {offsets = [13], sizes = [1], strides = [1]} : vector<16xf32> to vector<1xf32>
      %squeeze3A_353 = vector.extract %slice3A_352[0] : f32 from vector<1xf32>
      %mul3A_354 = vector.broadcast %squeeze3A_353 : f32 to vector<16xf32>
      %mul3A_355 = arith.mulf %mul3A_354, %mul3A_263 : vector<16xf32>
      %swap3A_356 = arith.index_cast %scan3A_231 : i32 to index
      %swap3A_357 = arith.constant 208 : index
      %swap3A_358 = tpu.vector_load %arg8[%swap3A_356, %swap3A_357] {strides = array<i32>} : memref<64x256xf32, #tpu.memory_space<vmem>>, vector<16xf32>,
      tpu.vector_store %arg8[%swap3A_356, %swap3A_357], %mul3A_355 {strides = array<i32>} : memref<64x256xf32, #tpu.memory_space<vmem>>, vector<16xf32>,
      %slice3A_359 = vector.extract_strided_slice %mul3A_260 {offsets = [14], sizes = [1], strides = [1]} : vector<16xf32> to vector<1xf32>
      %squeeze3A_360 = vector.extract %slice3A_359[0] : f32 from vector<1xf32>
      %mul3A_361 = vector.broadcast %squeeze3A_360 : f32 to vector<16xf32>
      %mul3A_362 = arith.mulf %mul3A_361, %mul3A_263 : vector<16xf32>
      %swap3A_363 = arith.index_cast %scan3A_231 : i32 to index
      %swap3A_364 = arith.constant 224 : index
      %swap3A_365 = tpu.vector_load %arg8[%swap3A_363, %swap3A_364] {strides = array<i32>} : memref<64x256xf32, #tpu.memory_space<vmem>>, vector<16xf32>,
      tpu.vector_store %arg8[%swap3A_363, %swap3A_364], %mul3A_362 {strides = array<i32>} : memref<64x256xf32, #tpu.memory_space<vmem>>, vector<16xf32>,
      %slice3A_366 = vector.extract_strided_slice %mul3A_260 {offsets = [15], sizes = [1], strides = [1]} : vector<16xf32> to vector<1xf32>
      %squeeze3A_367 = vector.extract %slice3A_366[0] : f32 from vector<1xf32>
      %mul3A_368 = vector.broadcast %squeeze3A_367 : f32 to vector<16xf32>
      %mul3A_369 = arith.mulf %mul3A_368, %mul3A_263 : vector<16xf32>
      %swap3A_370 = arith.index_cast %scan3A_231 : i32 to index
      %swap3A_371 = arith.constant 240 : index
      %swap3A_372 = tpu.vector_load %arg8[%swap3A_370, %swap3A_371] {strides = array<i32>} : memref<64x256xf32, #tpu.memory_space<vmem>>, vector<16xf32>,
      tpu.vector_store %arg8[%swap3A_370, %swap3A_371], %mul3A_369 {strides = array<i32>} : memref<64x256xf32, #tpu.memory_space<vmem>>, vector<16xf32>,
      %scan3A_373 = arith.constant 0 : i32
      scf.yield %scan3A_373 : i32
    }
    %scan3A_122 = arith.constant 64 : i32
    %add3A_123 = arith.constant 192 : i32
    %add3A_124 = arith.addi %mul3A_2, %add3A_123 : i32
    %dma_start3A_125 = arith.constant 0 : i32
    %dma_start3A_126 = tpu.memref_slice %arg4[%add3A_124, %dma_start3A_125] : memref<16384x256xf32, #tpu.memory_space<hbm>> -> memref<64x256xf32, #tpu.memory_space<hbm>>
    %dma_start3A_127 = arith.constant 0 : i32
    %dma_start3A_128 = tpu.memref_slice %arg4[%add3A_124, %dma_start3A_127] : memref<16384x256xf32, #tpu.memory_space<hbm>> -> memref<64x256xf32, #tpu.memory_space<hbm>>
    tpu.enqueue_dma source(%arg8 : memref<64x256xf32, #tpu.memory_space<vmem>>) target(%dma_start3A_128 : memref<64x256xf32, #tpu.memory_space<hbm>>) target_semaphore(%arg12 : memref<!tpu.dma_semaphore, #tpu.memory_space<semaphore_mem>>)
    %dma_wait3A_129 = tpu.memref_slice %arg2[%mul3A_109] : memref<262144xf32, #tpu.memory_space<hbm>> -> memref<1024xf32, #tpu.memory_space<hbm>>
    %dma_wait3A_130 = tpu.memref_slice %arg2[%mul3A_109] : memref<262144xf32, #tpu.memory_space<hbm>> -> memref<1024xf32, #tpu.memory_space<hbm>>
    tpu.wait_dma2 semaphore(%arg10 : memref<!tpu.dma_semaphore, #tpu.memory_space<semaphore_mem>>) src(%dma_wait3A_130 : memref<1024xf32, #tpu.memory_space<hbm>>) dst(%arg5 : memref<1024xf32, #tpu.memory_space<vmem>>)
    %add3A_131 = arith.constant 320 : i32
    %add3A_132 = arith.addi %mul3A_2, %add3A_131 : i32
    %mul3A_133 = arith.constant 16 : i32
    %mul3A_134 = arith.muli %add3A_132, %mul3A_133 : i32
    %dma_start3A_135 = tpu.memref_slice %arg2[%mul3A_134] : memref<262144xf32, #tpu.memory_space<hbm>> -> memref<1024xf32, #tpu.memory_space<hbm>>
    %dma_start3A_136 = tpu.memref_slice %arg2[%mul3A_134] : memref<262144xf32, #tpu.memory_space<hbm>> -> memref<1024xf32, #tpu.memory_space<hbm>>
    tpu.enqueue_dma source(%dma_start3A_136 : memref<1024xf32, #tpu.memory_space<hbm>>) target(%arg6 : memref<1024xf32, #tpu.memory_space<vmem>>) target_semaphore(%arg10 : memref<!tpu.dma_semaphore, #tpu.memory_space<semaphore_mem>>)
    %dma_wait3A_137 = arith.constant 0 : i32
    %dma_wait3A_138 = tpu.memref_slice %arg4[%mul3A_2, %dma_wait3A_137] : memref<16384x256xf32, #tpu.memory_space<hbm>> -> memref<64x256xf32, #tpu.memory_space<hbm>>
    %dma_wait3A_139 = arith.constant 0 : i32
    %dma_wait3A_140 = tpu.memref_slice %arg4[%mul3A_2, %dma_wait3A_139] : memref<16384x256xf32, #tpu.memory_space<hbm>> -> memref<64x256xf32, #tpu.memory_space<hbm>>
    tpu.wait_dma2 semaphore(%arg11 : memref<!tpu.dma_semaphore, #tpu.memory_space<semaphore_mem>>) src(%arg7 : memref<64x256xf32, #tpu.memory_space<vmem>>) dst(%dma_wait3A_140 : memref<64x256xf32, #tpu.memory_space<hbm>>)
    %scan3A_141 = arith.constant 0 : i32
    %scan3A_142 = arith.constant 0 : i32
    %scan3A_143 = arith.constant 64 : i32
    %scan3A_144 = arith.addi %scan3A_142, %scan3A_143 : i32
    %scan3A_145 = arith.constant 1 : i32
    %scan3A_146 = scf.for %scan3A_231 = %scan3A_142 to %scan3A_144 step %scan3A_145 iter_args(%scan3A_232 = %scan3A_141) -> (i32)  : i32 {
      %mul3A_233 = arith.constant 16 : i32
      %mul3A_234 = arith.muli %scan3A_231, %mul3A_233 : i32
      %add3A_235 = vector.broadcast %mul3A_234 : i32 to vector<16xi32>
      %add3A_236 = arith.addi %get3A_5, %add3A_235 : vector<16xi32>
      %gather3A = tpu.vector_load_idx %arg5[%add3A_236] : memref<1024xf32, #tpu.memory_space<vmem>>[vector<16xi32>], vector<16xf32>,
      %add3A_237 = vector.broadcast %mul3A_234 : i32 to vector<16xi32>
      %add3A_238 = arith.addi %get3A_9, %add3A_237 : vector<16xi32>
      %gather3A_239 = tpu.vector_load_idx %arg5[%add3A_238] : memref<1024xf32, #tpu.memory_space<vmem>>[vector<16xi32>], vector<16xf32>,
      %add3A_240 = vector.broadcast %mul3A_234 : i32 to vector<16xi32>
      %add3A_241 = arith.addi %get3A_13, %add3A_240 : vector<16xi32>
      %gather3A_242 = tpu.vector_load_idx %arg5[%add3A_241] : memref<1024xf32, #tpu.memory_space<vmem>>[vector<16xi32>], vector<16xf32>,
      %add3A_243 = vector.broadcast %mul3A_234 : i32 to vector<16xi32>
      %add3A_244 = arith.addi %get3A_17, %add3A_243 : vector<16xi32>
      %gather3A_245 = tpu.vector_load_idx %arg5[%add3A_244] : memref<1024xf32, #tpu.memory_space<vmem>>[vector<16xi32>], vector<16xf32>,
      %add3A_246 = vector.broadcast %mul3A_234 : i32 to vector<16xi32>
      %add3A_247 = arith.addi %get3A_21, %add3A_246 : vector<16xi32>
      %gather3A_248 = tpu.vector_load_idx %arg5[%add3A_247] : memref<1024xf32, #tpu.memory_space<vmem>>[vector<16xi32>], vector<16xf32>,
      %add3A_249 = vector.broadcast %mul3A_234 : i32 to vector<16xi32>
      %add3A_250 = arith.addi %get3A_25, %add3A_249 : vector<16xi32>
      %gather3A_251 = tpu.vector_load_idx %arg5[%add3A_250] : memref<1024xf32, #tpu.memory_space<vmem>>[vector<16xi32>], vector<16xf32>,
      %add3A_252 = vector.broadcast %mul3A_234 : i32 to vector<16xi32>
      %add3A_253 = arith.addi %get3A_29, %add3A_252 : vector<16xi32>
      %gather3A_254 = tpu.vector_load_idx %arg5[%add3A_253] : memref<1024xf32, #tpu.memory_space<vmem>>[vector<16xi32>], vector<16xf32>,
      %add3A_255 = vector.broadcast %mul3A_234 : i32 to vector<16xi32>
      %add3A_256 = arith.addi %get3A_33, %add3A_255 : vector<16xi32>
      %gather3A_257 = tpu.vector_load_idx %arg5[%add3A_256] : memref<1024xf32, #tpu.memory_space<vmem>>[vector<16xi32>], vector<16xf32>,
      %mul3A_258 = arith.mulf %gather3A, %gather3A_239 : vector<16xf32>
      %mul3A_259 = arith.mulf %gather3A_242, %gather3A_245 : vector<16xf32>
      %mul3A_260 = arith.mulf %mul3A_258, %mul3A_259 : vector<16xf32>
      %mul3A_261 = arith.mulf %gather3A_248, %gather3A_251 : vector<16xf32>
      %mul3A_262 = arith.mulf %gather3A_254, %gather3A_257 : vector<16xf32>
      %mul3A_263 = arith.mulf %mul3A_261, %mul3A_262 : vector<16xf32>
      %slice3A = vector.extract_strided_slice %mul3A_260 {offsets = [0], sizes = [1], strides = [1]} : vector<16xf32> to vector<1xf32>
      %squeeze3A = vector.extract %slice3A[0] : f32 from vector<1xf32>
      %mul3A_264 = vector.broadcast %squeeze3A : f32 to vector<16xf32>
      %mul3A_265 = arith.mulf %mul3A_264, %mul3A_263 : vector<16xf32>
      %swap3A = arith.index_cast %scan3A_231 : i32 to index
      %swap3A_266 = arith.constant 0 : index
      %swap3A_267 = tpu.vector_load %arg7[%swap3A, %swap3A_266] {strides = array<i32>} : memref<64x256xf32, #tpu.memory_space<vmem>>, vector<16xf32>,
      tpu.vector_store %arg7[%swap3A, %swap3A_266], %mul3A_265 {strides = array<i32>} : memref<64x256xf32, #tpu.memory_space<vmem>>, vector<16xf32>,
      %slice3A_268 = vector.extract_strided_slice %mul3A_260 {offsets = [1], sizes = [1], strides = [1]} : vector<16xf32> to vector<1xf32>
      %squeeze3A_269 = vector.extract %slice3A_268[0] : f32 from vector<1xf32>
      %mul3A_270 = vector.broadcast %squeeze3A_269 : f32 to vector<16xf32>
      %mul3A_271 = arith.mulf %mul3A_270, %mul3A_263 : vector<16xf32>
      %swap3A_272 = arith.index_cast %scan3A_231 : i32 to index
      %swap3A_273 = arith.constant 16 : index
      %swap3A_274 = tpu.vector_load %arg7[%swap3A_272, %swap3A_273] {strides = array<i32>} : memref<64x256xf32, #tpu.memory_space<vmem>>, vector<16xf32>,
      tpu.vector_store %arg7[%swap3A_272, %swap3A_273], %mul3A_271 {strides = array<i32>} : memref<64x256xf32, #tpu.memory_space<vmem>>, vector<16xf32>,
      %slice3A_275 = vector.extract_strided_slice %mul3A_260 {offsets = [2], sizes = [1], strides = [1]} : vector<16xf32> to vector<1xf32>
      %squeeze3A_276 = vector.extract %slice3A_275[0] : f32 from vector<1xf32>
      %mul3A_277 = vector.broadcast %squeeze3A_276 : f32 to vector<16xf32>
      %mul3A_278 = arith.mulf %mul3A_277, %mul3A_263 : vector<16xf32>
      %swap3A_279 = arith.index_cast %scan3A_231 : i32 to index
      %swap3A_280 = arith.constant 32 : index
      %swap3A_281 = tpu.vector_load %arg7[%swap3A_279, %swap3A_280] {strides = array<i32>} : memref<64x256xf32, #tpu.memory_space<vmem>>, vector<16xf32>,
      tpu.vector_store %arg7[%swap3A_279, %swap3A_280], %mul3A_278 {strides = array<i32>} : memref<64x256xf32, #tpu.memory_space<vmem>>, vector<16xf32>,
      %slice3A_282 = vector.extract_strided_slice %mul3A_260 {offsets = [3], sizes = [1], strides = [1]} : vector<16xf32> to vector<1xf32>
      %squeeze3A_283 = vector.extract %slice3A_282[0] : f32 from vector<1xf32>
      %mul3A_284 = vector.broadcast %squeeze3A_283 : f32 to vector<16xf32>
      %mul3A_285 = arith.mulf %mul3A_284, %mul3A_263 : vector<16xf32>
      %swap3A_286 = arith.index_cast %scan3A_231 : i32 to index
      %swap3A_287 = arith.constant 48 : index
      %swap3A_288 = tpu.vector_load %arg7[%swap3A_286, %swap3A_287] {strides = array<i32>} : memref<64x256xf32, #tpu.memory_space<vmem>>, vector<16xf32>,
      tpu.vector_store %arg7[%swap3A_286, %swap3A_287], %mul3A_285 {strides = array<i32>} : memref<64x256xf32, #tpu.memory_space<vmem>>, vector<16xf32>,
      %slice3A_289 = vector.extract_strided_slice %mul3A_260 {offsets = [4], sizes = [1], strides = [1]} : vector<16xf32> to vector<1xf32>
      %squeeze3A_290 = vector.extract %slice3A_289[0] : f32 from vector<1xf32>
      %mul3A_291 = vector.broadcast %squeeze3A_290 : f32 to vector<16xf32>
      %mul3A_292 = arith.mulf %mul3A_291, %mul3A_263 : vector<16xf32>
      %swap3A_293 = arith.index_cast %scan3A_231 : i32 to index
      %swap3A_294 = arith.constant 64 : index
      %swap3A_295 = tpu.vector_load %arg7[%swap3A_293, %swap3A_294] {strides = array<i32>} : memref<64x256xf32, #tpu.memory_space<vmem>>, vector<16xf32>,
      tpu.vector_store %arg7[%swap3A_293, %swap3A_294], %mul3A_292 {strides = array<i32>} : memref<64x256xf32, #tpu.memory_space<vmem>>, vector<16xf32>,
      %slice3A_296 = vector.extract_strided_slice %mul3A_260 {offsets = [5], sizes = [1], strides = [1]} : vector<16xf32> to vector<1xf32>
      %squeeze3A_297 = vector.extract %slice3A_296[0] : f32 from vector<1xf32>
      %mul3A_298 = vector.broadcast %squeeze3A_297 : f32 to vector<16xf32>
      %mul3A_299 = arith.mulf %mul3A_298, %mul3A_263 : vector<16xf32>
      %swap3A_300 = arith.index_cast %scan3A_231 : i32 to index
      %swap3A_301 = arith.constant 80 : index
      %swap3A_302 = tpu.vector_load %arg7[%swap3A_300, %swap3A_301] {strides = array<i32>} : memref<64x256xf32, #tpu.memory_space<vmem>>, vector<16xf32>,
      tpu.vector_store %arg7[%swap3A_300, %swap3A_301], %mul3A_299 {strides = array<i32>} : memref<64x256xf32, #tpu.memory_space<vmem>>, vector<16xf32>,
      %slice3A_303 = vector.extract_strided_slice %mul3A_260 {offsets = [6], sizes = [1], strides = [1]} : vector<16xf32> to vector<1xf32>
      %squeeze3A_304 = vector.extract %slice3A_303[0] : f32 from vector<1xf32>
      %mul3A_305 = vector.broadcast %squeeze3A_304 : f32 to vector<16xf32>
      %mul3A_306 = arith.mulf %mul3A_305, %mul3A_263 : vector<16xf32>
      %swap3A_307 = arith.index_cast %scan3A_231 : i32 to index
      %swap3A_308 = arith.constant 96 : index
      %swap3A_309 = tpu.vector_load %arg7[%swap3A_307, %swap3A_308] {strides = array<i32>} : memref<64x256xf32, #tpu.memory_space<vmem>>, vector<16xf32>,
      tpu.vector_store %arg7[%swap3A_307, %swap3A_308], %mul3A_306 {strides = array<i32>} : memref<64x256xf32, #tpu.memory_space<vmem>>, vector<16xf32>,
      %slice3A_310 = vector.extract_strided_slice %mul3A_260 {offsets = [7], sizes = [1], strides = [1]} : vector<16xf32> to vector<1xf32>
      %squeeze3A_311 = vector.extract %slice3A_310[0] : f32 from vector<1xf32>
      %mul3A_312 = vector.broadcast %squeeze3A_311 : f32 to vector<16xf32>
      %mul3A_313 = arith.mulf %mul3A_312, %mul3A_263 : vector<16xf32>
      %swap3A_314 = arith.index_cast %scan3A_231 : i32 to index
      %swap3A_315 = arith.constant 112 : index
      %swap3A_316 = tpu.vector_load %arg7[%swap3A_314, %swap3A_315] {strides = array<i32>} : memref<64x256xf32, #tpu.memory_space<vmem>>, vector<16xf32>,
      tpu.vector_store %arg7[%swap3A_314, %swap3A_315], %mul3A_313 {strides = array<i32>} : memref<64x256xf32, #tpu.memory_space<vmem>>, vector<16xf32>,
      %slice3A_317 = vector.extract_strided_slice %mul3A_260 {offsets = [8], sizes = [1], strides = [1]} : vector<16xf32> to vector<1xf32>
      %squeeze3A_318 = vector.extract %slice3A_317[0] : f32 from vector<1xf32>
      %mul3A_319 = vector.broadcast %squeeze3A_318 : f32 to vector<16xf32>
      %mul3A_320 = arith.mulf %mul3A_319, %mul3A_263 : vector<16xf32>
      %swap3A_321 = arith.index_cast %scan3A_231 : i32 to index
      %swap3A_322 = arith.constant 128 : index
      %swap3A_323 = tpu.vector_load %arg7[%swap3A_321, %swap3A_322] {strides = array<i32>} : memref<64x256xf32, #tpu.memory_space<vmem>>, vector<16xf32>,
      tpu.vector_store %arg7[%swap3A_321, %swap3A_322], %mul3A_320 {strides = array<i32>} : memref<64x256xf32, #tpu.memory_space<vmem>>, vector<16xf32>,
      %slice3A_324 = vector.extract_strided_slice %mul3A_260 {offsets = [9], sizes = [1], strides = [1]} : vector<16xf32> to vector<1xf32>
      %squeeze3A_325 = vector.extract %slice3A_324[0] : f32 from vector<1xf32>
      %mul3A_326 = vector.broadcast %squeeze3A_325 : f32 to vector<16xf32>
      %mul3A_327 = arith.mulf %mul3A_326, %mul3A_263 : vector<16xf32>
      %swap3A_328 = arith.index_cast %scan3A_231 : i32 to index
      %swap3A_329 = arith.constant 144 : index
      %swap3A_330 = tpu.vector_load %arg7[%swap3A_328, %swap3A_329] {strides = array<i32>} : memref<64x256xf32, #tpu.memory_space<vmem>>, vector<16xf32>,
      tpu.vector_store %arg7[%swap3A_328, %swap3A_329], %mul3A_327 {strides = array<i32>} : memref<64x256xf32, #tpu.memory_space<vmem>>, vector<16xf32>,
      %slice3A_331 = vector.extract_strided_slice %mul3A_260 {offsets = [10], sizes = [1], strides = [1]} : vector<16xf32> to vector<1xf32>
      %squeeze3A_332 = vector.extract %slice3A_331[0] : f32 from vector<1xf32>
      %mul3A_333 = vector.broadcast %squeeze3A_332 : f32 to vector<16xf32>
      %mul3A_334 = arith.mulf %mul3A_333, %mul3A_263 : vector<16xf32>
      %swap3A_335 = arith.index_cast %scan3A_231 : i32 to index
      %swap3A_336 = arith.constant 160 : index
      %swap3A_337 = tpu.vector_load %arg7[%swap3A_335, %swap3A_336] {strides = array<i32>} : memref<64x256xf32, #tpu.memory_space<vmem>>, vector<16xf32>,
      tpu.vector_store %arg7[%swap3A_335, %swap3A_336], %mul3A_334 {strides = array<i32>} : memref<64x256xf32, #tpu.memory_space<vmem>>, vector<16xf32>,
      %slice3A_338 = vector.extract_strided_slice %mul3A_260 {offsets = [11], sizes = [1], strides = [1]} : vector<16xf32> to vector<1xf32>
      %squeeze3A_339 = vector.extract %slice3A_338[0] : f32 from vector<1xf32>
      %mul3A_340 = vector.broadcast %squeeze3A_339 : f32 to vector<16xf32>
      %mul3A_341 = arith.mulf %mul3A_340, %mul3A_263 : vector<16xf32>
      %swap3A_342 = arith.index_cast %scan3A_231 : i32 to index
      %swap3A_343 = arith.constant 176 : index
      %swap3A_344 = tpu.vector_load %arg7[%swap3A_342, %swap3A_343] {strides = array<i32>} : memref<64x256xf32, #tpu.memory_space<vmem>>, vector<16xf32>,
      tpu.vector_store %arg7[%swap3A_342, %swap3A_343], %mul3A_341 {strides = array<i32>} : memref<64x256xf32, #tpu.memory_space<vmem>>, vector<16xf32>,
      %slice3A_345 = vector.extract_strided_slice %mul3A_260 {offsets = [12], sizes = [1], strides = [1]} : vector<16xf32> to vector<1xf32>
      %squeeze3A_346 = vector.extract %slice3A_345[0] : f32 from vector<1xf32>
      %mul3A_347 = vector.broadcast %squeeze3A_346 : f32 to vector<16xf32>
      %mul3A_348 = arith.mulf %mul3A_347, %mul3A_263 : vector<16xf32>
      %swap3A_349 = arith.index_cast %scan3A_231 : i32 to index
      %swap3A_350 = arith.constant 192 : index
      %swap3A_351 = tpu.vector_load %arg7[%swap3A_349, %swap3A_350] {strides = array<i32>} : memref<64x256xf32, #tpu.memory_space<vmem>>, vector<16xf32>,
      tpu.vector_store %arg7[%swap3A_349, %swap3A_350], %mul3A_348 {strides = array<i32>} : memref<64x256xf32, #tpu.memory_space<vmem>>, vector<16xf32>,
      %slice3A_352 = vector.extract_strided_slice %mul3A_260 {offsets = [13], sizes = [1], strides = [1]} : vector<16xf32> to vector<1xf32>
      %squeeze3A_353 = vector.extract %slice3A_352[0] : f32 from vector<1xf32>
      %mul3A_354 = vector.broadcast %squeeze3A_353 : f32 to vector<16xf32>
      %mul3A_355 = arith.mulf %mul3A_354, %mul3A_263 : vector<16xf32>
      %swap3A_356 = arith.index_cast %scan3A_231 : i32 to index
      %swap3A_357 = arith.constant 208 : index
      %swap3A_358 = tpu.vector_load %arg7[%swap3A_356, %swap3A_357] {strides = array<i32>} : memref<64x256xf32, #tpu.memory_space<vmem>>, vector<16xf32>,
      tpu.vector_store %arg7[%swap3A_356, %swap3A_357], %mul3A_355 {strides = array<i32>} : memref<64x256xf32, #tpu.memory_space<vmem>>, vector<16xf32>,
      %slice3A_359 = vector.extract_strided_slice %mul3A_260 {offsets = [14], sizes = [1], strides = [1]} : vector<16xf32> to vector<1xf32>
      %squeeze3A_360 = vector.extract %slice3A_359[0] : f32 from vector<1xf32>
      %mul3A_361 = vector.broadcast %squeeze3A_360 : f32 to vector<16xf32>
      %mul3A_362 = arith.mulf %mul3A_361, %mul3A_263 : vector<16xf32>
      %swap3A_363 = arith.index_cast %scan3A_231 : i32 to index
      %swap3A_364 = arith.constant 224 : index
      %swap3A_365 = tpu.vector_load %arg7[%swap3A_363, %swap3A_364] {strides = array<i32>} : memref<64x256xf32, #tpu.memory_space<vmem>>, vector<16xf32>,
      tpu.vector_store %arg7[%swap3A_363, %swap3A_364], %mul3A_362 {strides = array<i32>} : memref<64x256xf32, #tpu.memory_space<vmem>>, vector<16xf32>,
      %slice3A_366 = vector.extract_strided_slice %mul3A_260 {offsets = [15], sizes = [1], strides = [1]} : vector<16xf32> to vector<1xf32>
      %squeeze3A_367 = vector.extract %slice3A_366[0] : f32 from vector<1xf32>
      %mul3A_368 = vector.broadcast %squeeze3A_367 : f32 to vector<16xf32>
      %mul3A_369 = arith.mulf %mul3A_368, %mul3A_263 : vector<16xf32>
      %swap3A_370 = arith.index_cast %scan3A_231 : i32 to index
      %swap3A_371 = arith.constant 240 : index
      %swap3A_372 = tpu.vector_load %arg7[%swap3A_370, %swap3A_371] {strides = array<i32>} : memref<64x256xf32, #tpu.memory_space<vmem>>, vector<16xf32>,
      tpu.vector_store %arg7[%swap3A_370, %swap3A_371], %mul3A_369 {strides = array<i32>} : memref<64x256xf32, #tpu.memory_space<vmem>>, vector<16xf32>,
      %scan3A_373 = arith.constant 0 : i32
      scf.yield %scan3A_373 : i32
    }
    %scan3A_147 = arith.constant 64 : i32
    %add3A_148 = arith.constant 256 : i32
    %add3A_149 = arith.addi %mul3A_2, %add3A_148 : i32
    %dma_start3A_150 = arith.constant 0 : i32
    %dma_start3A_151 = tpu.memref_slice %arg4[%add3A_149, %dma_start3A_150] : memref<16384x256xf32, #tpu.memory_space<hbm>> -> memref<64x256xf32, #tpu.memory_space<hbm>>
    %dma_start3A_152 = arith.constant 0 : i32
    %dma_start3A_153 = tpu.memref_slice %arg4[%add3A_149, %dma_start3A_152] : memref<16384x256xf32, #tpu.memory_space<hbm>> -> memref<64x256xf32, #tpu.memory_space<hbm>>
    tpu.enqueue_dma source(%arg7 : memref<64x256xf32, #tpu.memory_space<vmem>>) target(%dma_start3A_153 : memref<64x256xf32, #tpu.memory_space<hbm>>) target_semaphore(%arg11 : memref<!tpu.dma_semaphore, #tpu.memory_space<semaphore_mem>>)
    %dma_wait3A_154 = tpu.memref_slice %arg2[%mul3A_134] : memref<262144xf32, #tpu.memory_space<hbm>> -> memref<1024xf32, #tpu.memory_space<hbm>>
    %dma_wait3A_155 = tpu.memref_slice %arg2[%mul3A_134] : memref<262144xf32, #tpu.memory_space<hbm>> -> memref<1024xf32, #tpu.memory_space<hbm>>
    tpu.wait_dma2 semaphore(%arg10 : memref<!tpu.dma_semaphore, #tpu.memory_space<semaphore_mem>>) src(%dma_wait3A_155 : memref<1024xf32, #tpu.memory_space<hbm>>) dst(%arg6 : memref<1024xf32, #tpu.memory_space<vmem>>)
    %add3A_156 = arith.constant 384 : i32
    %add3A_157 = arith.addi %mul3A_2, %add3A_156 : i32
    %mul3A_158 = arith.constant 16 : i32
    %mul3A_159 = arith.muli %add3A_157, %mul3A_158 : i32
    %dma_start3A_160 = tpu.memref_slice %arg2[%mul3A_159] : memref<262144xf32, #tpu.memory_space<hbm>> -> memref<1024xf32, #tpu.memory_space<hbm>>
    %dma_start3A_161 = tpu.memref_slice %arg2[%mul3A_159] : memref<262144xf32, #tpu.memory_space<hbm>> -> memref<1024xf32, #tpu.memory_space<hbm>>
    tpu.enqueue_dma source(%dma_start3A_161 : memref<1024xf32, #tpu.memory_space<hbm>>) target(%arg5 : memref<1024xf32, #tpu.memory_space<vmem>>) target_semaphore(%arg10 : memref<!tpu.dma_semaphore, #tpu.memory_space<semaphore_mem>>)
    %dma_wait3A_162 = arith.constant 0 : i32
    %dma_wait3A_163 = tpu.memref_slice %arg4[%mul3A_2, %dma_wait3A_162] : memref<16384x256xf32, #tpu.memory_space<hbm>> -> memref<64x256xf32, #tpu.memory_space<hbm>>
    %dma_wait3A_164 = arith.constant 0 : i32
    %dma_wait3A_165 = tpu.memref_slice %arg4[%mul3A_2, %dma_wait3A_164] : memref<16384x256xf32, #tpu.memory_space<hbm>> -> memref<64x256xf32, #tpu.memory_space<hbm>>
    tpu.wait_dma2 semaphore(%arg12 : memref<!tpu.dma_semaphore, #tpu.memory_space<semaphore_mem>>) src(%arg8 : memref<64x256xf32, #tpu.memory_space<vmem>>) dst(%dma_wait3A_165 : memref<64x256xf32, #tpu.memory_space<hbm>>)
    %scan3A_166 = arith.constant 0 : i32
    %scan3A_167 = arith.constant 0 : i32
    %scan3A_168 = arith.constant 64 : i32
    %scan3A_169 = arith.addi %scan3A_167, %scan3A_168 : i32
    %scan3A_170 = arith.constant 1 : i32
    %scan3A_171 = scf.for %scan3A_231 = %scan3A_167 to %scan3A_169 step %scan3A_170 iter_args(%scan3A_232 = %scan3A_166) -> (i32)  : i32 {
      %mul3A_233 = arith.constant 16 : i32
      %mul3A_234 = arith.muli %scan3A_231, %mul3A_233 : i32
      %add3A_235 = vector.broadcast %mul3A_234 : i32 to vector<16xi32>
      %add3A_236 = arith.addi %get3A_5, %add3A_235 : vector<16xi32>
      %gather3A = tpu.vector_load_idx %arg6[%add3A_236] : memref<1024xf32, #tpu.memory_space<vmem>>[vector<16xi32>], vector<16xf32>,
      %add3A_237 = vector.broadcast %mul3A_234 : i32 to vector<16xi32>
      %add3A_238 = arith.addi %get3A_9, %add3A_237 : vector<16xi32>
      %gather3A_239 = tpu.vector_load_idx %arg6[%add3A_238] : memref<1024xf32, #tpu.memory_space<vmem>>[vector<16xi32>], vector<16xf32>,
      %add3A_240 = vector.broadcast %mul3A_234 : i32 to vector<16xi32>
      %add3A_241 = arith.addi %get3A_13, %add3A_240 : vector<16xi32>
      %gather3A_242 = tpu.vector_load_idx %arg6[%add3A_241] : memref<1024xf32, #tpu.memory_space<vmem>>[vector<16xi32>], vector<16xf32>,
      %add3A_243 = vector.broadcast %mul3A_234 : i32 to vector<16xi32>
      %add3A_244 = arith.addi %get3A_17, %add3A_243 : vector<16xi32>
      %gather3A_245 = tpu.vector_load_idx %arg6[%add3A_244] : memref<1024xf32, #tpu.memory_space<vmem>>[vector<16xi32>], vector<16xf32>,
      %add3A_246 = vector.broadcast %mul3A_234 : i32 to vector<16xi32>
      %add3A_247 = arith.addi %get3A_21, %add3A_246 : vector<16xi32>
      %gather3A_248 = tpu.vector_load_idx %arg6[%add3A_247] : memref<1024xf32, #tpu.memory_space<vmem>>[vector<16xi32>], vector<16xf32>,
      %add3A_249 = vector.broadcast %mul3A_234 : i32 to vector<16xi32>
      %add3A_250 = arith.addi %get3A_25, %add3A_249 : vector<16xi32>
      %gather3A_251 = tpu.vector_load_idx %arg6[%add3A_250] : memref<1024xf32, #tpu.memory_space<vmem>>[vector<16xi32>], vector<16xf32>,
      %add3A_252 = vector.broadcast %mul3A_234 : i32 to vector<16xi32>
      %add3A_253 = arith.addi %get3A_29, %add3A_252 : vector<16xi32>
      %gather3A_254 = tpu.vector_load_idx %arg6[%add3A_253] : memref<1024xf32, #tpu.memory_space<vmem>>[vector<16xi32>], vector<16xf32>,
      %add3A_255 = vector.broadcast %mul3A_234 : i32 to vector<16xi32>
      %add3A_256 = arith.addi %get3A_33, %add3A_255 : vector<16xi32>
      %gather3A_257 = tpu.vector_load_idx %arg6[%add3A_256] : memref<1024xf32, #tpu.memory_space<vmem>>[vector<16xi32>], vector<16xf32>,
      %mul3A_258 = arith.mulf %gather3A, %gather3A_239 : vector<16xf32>
      %mul3A_259 = arith.mulf %gather3A_242, %gather3A_245 : vector<16xf32>
      %mul3A_260 = arith.mulf %mul3A_258, %mul3A_259 : vector<16xf32>
      %mul3A_261 = arith.mulf %gather3A_248, %gather3A_251 : vector<16xf32>
      %mul3A_262 = arith.mulf %gather3A_254, %gather3A_257 : vector<16xf32>
      %mul3A_263 = arith.mulf %mul3A_261, %mul3A_262 : vector<16xf32>
      %slice3A = vector.extract_strided_slice %mul3A_260 {offsets = [0], sizes = [1], strides = [1]} : vector<16xf32> to vector<1xf32>
      %squeeze3A = vector.extract %slice3A[0] : f32 from vector<1xf32>
      %mul3A_264 = vector.broadcast %squeeze3A : f32 to vector<16xf32>
      %mul3A_265 = arith.mulf %mul3A_264, %mul3A_263 : vector<16xf32>
      %swap3A = arith.index_cast %scan3A_231 : i32 to index
      %swap3A_266 = arith.constant 0 : index
      %swap3A_267 = tpu.vector_load %arg8[%swap3A, %swap3A_266] {strides = array<i32>} : memref<64x256xf32, #tpu.memory_space<vmem>>, vector<16xf32>,
      tpu.vector_store %arg8[%swap3A, %swap3A_266], %mul3A_265 {strides = array<i32>} : memref<64x256xf32, #tpu.memory_space<vmem>>, vector<16xf32>,
      %slice3A_268 = vector.extract_strided_slice %mul3A_260 {offsets = [1], sizes = [1], strides = [1]} : vector<16xf32> to vector<1xf32>
      %squeeze3A_269 = vector.extract %slice3A_268[0] : f32 from vector<1xf32>
      %mul3A_270 = vector.broadcast %squeeze3A_269 : f32 to vector<16xf32>
      %mul3A_271 = arith.mulf %mul3A_270, %mul3A_263 : vector<16xf32>
      %swap3A_272 = arith.index_cast %scan3A_231 : i32 to index
      %swap3A_273 = arith.constant 16 : index
      %swap3A_274 = tpu.vector_load %arg8[%swap3A_272, %swap3A_273] {strides = array<i32>} : memref<64x256xf32, #tpu.memory_space<vmem>>, vector<16xf32>,
      tpu.vector_store %arg8[%swap3A_272, %swap3A_273], %mul3A_271 {strides = array<i32>} : memref<64x256xf32, #tpu.memory_space<vmem>>, vector<16xf32>,
      %slice3A_275 = vector.extract_strided_slice %mul3A_260 {offsets = [2], sizes = [1], strides = [1]} : vector<16xf32> to vector<1xf32>
      %squeeze3A_276 = vector.extract %slice3A_275[0] : f32 from vector<1xf32>
      %mul3A_277 = vector.broadcast %squeeze3A_276 : f32 to vector<16xf32>
      %mul3A_278 = arith.mulf %mul3A_277, %mul3A_263 : vector<16xf32>
      %swap3A_279 = arith.index_cast %scan3A_231 : i32 to index
      %swap3A_280 = arith.constant 32 : index
      %swap3A_281 = tpu.vector_load %arg8[%swap3A_279, %swap3A_280] {strides = array<i32>} : memref<64x256xf32, #tpu.memory_space<vmem>>, vector<16xf32>,
      tpu.vector_store %arg8[%swap3A_279, %swap3A_280], %mul3A_278 {strides = array<i32>} : memref<64x256xf32, #tpu.memory_space<vmem>>, vector<16xf32>,
      %slice3A_282 = vector.extract_strided_slice %mul3A_260 {offsets = [3], sizes = [1], strides = [1]} : vector<16xf32> to vector<1xf32>
      %squeeze3A_283 = vector.extract %slice3A_282[0] : f32 from vector<1xf32>
      %mul3A_284 = vector.broadcast %squeeze3A_283 : f32 to vector<16xf32>
      %mul3A_285 = arith.mulf %mul3A_284, %mul3A_263 : vector<16xf32>
      %swap3A_286 = arith.index_cast %scan3A_231 : i32 to index
      %swap3A_287 = arith.constant 48 : index
      %swap3A_288 = tpu.vector_load %arg8[%swap3A_286, %swap3A_287] {strides = array<i32>} : memref<64x256xf32, #tpu.memory_space<vmem>>, vector<16xf32>,
      tpu.vector_store %arg8[%swap3A_286, %swap3A_287], %mul3A_285 {strides = array<i32>} : memref<64x256xf32, #tpu.memory_space<vmem>>, vector<16xf32>,
      %slice3A_289 = vector.extract_strided_slice %mul3A_260 {offsets = [4], sizes = [1], strides = [1]} : vector<16xf32> to vector<1xf32>
      %squeeze3A_290 = vector.extract %slice3A_289[0] : f32 from vector<1xf32>
      %mul3A_291 = vector.broadcast %squeeze3A_290 : f32 to vector<16xf32>
      %mul3A_292 = arith.mulf %mul3A_291, %mul3A_263 : vector<16xf32>
      %swap3A_293 = arith.index_cast %scan3A_231 : i32 to index
      %swap3A_294 = arith.constant 64 : index
      %swap3A_295 = tpu.vector_load %arg8[%swap3A_293, %swap3A_294] {strides = array<i32>} : memref<64x256xf32, #tpu.memory_space<vmem>>, vector<16xf32>,
      tpu.vector_store %arg8[%swap3A_293, %swap3A_294], %mul3A_292 {strides = array<i32>} : memref<64x256xf32, #tpu.memory_space<vmem>>, vector<16xf32>,
      %slice3A_296 = vector.extract_strided_slice %mul3A_260 {offsets = [5], sizes = [1], strides = [1]} : vector<16xf32> to vector<1xf32>
      %squeeze3A_297 = vector.extract %slice3A_296[0] : f32 from vector<1xf32>
      %mul3A_298 = vector.broadcast %squeeze3A_297 : f32 to vector<16xf32>
      %mul3A_299 = arith.mulf %mul3A_298, %mul3A_263 : vector<16xf32>
      %swap3A_300 = arith.index_cast %scan3A_231 : i32 to index
      %swap3A_301 = arith.constant 80 : index
      %swap3A_302 = tpu.vector_load %arg8[%swap3A_300, %swap3A_301] {strides = array<i32>} : memref<64x256xf32, #tpu.memory_space<vmem>>, vector<16xf32>,
      tpu.vector_store %arg8[%swap3A_300, %swap3A_301], %mul3A_299 {strides = array<i32>} : memref<64x256xf32, #tpu.memory_space<vmem>>, vector<16xf32>,
      %slice3A_303 = vector.extract_strided_slice %mul3A_260 {offsets = [6], sizes = [1], strides = [1]} : vector<16xf32> to vector<1xf32>
      %squeeze3A_304 = vector.extract %slice3A_303[0] : f32 from vector<1xf32>
      %mul3A_305 = vector.broadcast %squeeze3A_304 : f32 to vector<16xf32>
      %mul3A_306 = arith.mulf %mul3A_305, %mul3A_263 : vector<16xf32>
      %swap3A_307 = arith.index_cast %scan3A_231 : i32 to index
      %swap3A_308 = arith.constant 96 : index
      %swap3A_309 = tpu.vector_load %arg8[%swap3A_307, %swap3A_308] {strides = array<i32>} : memref<64x256xf32, #tpu.memory_space<vmem>>, vector<16xf32>,
      tpu.vector_store %arg8[%swap3A_307, %swap3A_308], %mul3A_306 {strides = array<i32>} : memref<64x256xf32, #tpu.memory_space<vmem>>, vector<16xf32>,
      %slice3A_310 = vector.extract_strided_slice %mul3A_260 {offsets = [7], sizes = [1], strides = [1]} : vector<16xf32> to vector<1xf32>
      %squeeze3A_311 = vector.extract %slice3A_310[0] : f32 from vector<1xf32>
      %mul3A_312 = vector.broadcast %squeeze3A_311 : f32 to vector<16xf32>
      %mul3A_313 = arith.mulf %mul3A_312, %mul3A_263 : vector<16xf32>
      %swap3A_314 = arith.index_cast %scan3A_231 : i32 to index
      %swap3A_315 = arith.constant 112 : index
      %swap3A_316 = tpu.vector_load %arg8[%swap3A_314, %swap3A_315] {strides = array<i32>} : memref<64x256xf32, #tpu.memory_space<vmem>>, vector<16xf32>,
      tpu.vector_store %arg8[%swap3A_314, %swap3A_315], %mul3A_313 {strides = array<i32>} : memref<64x256xf32, #tpu.memory_space<vmem>>, vector<16xf32>,
      %slice3A_317 = vector.extract_strided_slice %mul3A_260 {offsets = [8], sizes = [1], strides = [1]} : vector<16xf32> to vector<1xf32>
      %squeeze3A_318 = vector.extract %slice3A_317[0] : f32 from vector<1xf32>
      %mul3A_319 = vector.broadcast %squeeze3A_318 : f32 to vector<16xf32>
      %mul3A_320 = arith.mulf %mul3A_319, %mul3A_263 : vector<16xf32>
      %swap3A_321 = arith.index_cast %scan3A_231 : i32 to index
      %swap3A_322 = arith.constant 128 : index
      %swap3A_323 = tpu.vector_load %arg8[%swap3A_321, %swap3A_322] {strides = array<i32>} : memref<64x256xf32, #tpu.memory_space<vmem>>, vector<16xf32>,
      tpu.vector_store %arg8[%swap3A_321, %swap3A_322], %mul3A_320 {strides = array<i32>} : memref<64x256xf32, #tpu.memory_space<vmem>>, vector<16xf32>,
      %slice3A_324 = vector.extract_strided_slice %mul3A_260 {offsets = [9], sizes = [1], strides = [1]} : vector<16xf32> to vector<1xf32>
      %squeeze3A_325 = vector.extract %slice3A_324[0] : f32 from vector<1xf32>
      %mul3A_326 = vector.broadcast %squeeze3A_325 : f32 to vector<16xf32>
      %mul3A_327 = arith.mulf %mul3A_326, %mul3A_263 : vector<16xf32>
      %swap3A_328 = arith.index_cast %scan3A_231 : i32 to index
      %swap3A_329 = arith.constant 144 : index
      %swap3A_330 = tpu.vector_load %arg8[%swap3A_328, %swap3A_329] {strides = array<i32>} : memref<64x256xf32, #tpu.memory_space<vmem>>, vector<16xf32>,
      tpu.vector_store %arg8[%swap3A_328, %swap3A_329], %mul3A_327 {strides = array<i32>} : memref<64x256xf32, #tpu.memory_space<vmem>>, vector<16xf32>,
      %slice3A_331 = vector.extract_strided_slice %mul3A_260 {offsets = [10], sizes = [1], strides = [1]} : vector<16xf32> to vector<1xf32>
      %squeeze3A_332 = vector.extract %slice3A_331[0] : f32 from vector<1xf32>
      %mul3A_333 = vector.broadcast %squeeze3A_332 : f32 to vector<16xf32>
      %mul3A_334 = arith.mulf %mul3A_333, %mul3A_263 : vector<16xf32>
      %swap3A_335 = arith.index_cast %scan3A_231 : i32 to index
      %swap3A_336 = arith.constant 160 : index
      %swap3A_337 = tpu.vector_load %arg8[%swap3A_335, %swap3A_336] {strides = array<i32>} : memref<64x256xf32, #tpu.memory_space<vmem>>, vector<16xf32>,
      tpu.vector_store %arg8[%swap3A_335, %swap3A_336], %mul3A_334 {strides = array<i32>} : memref<64x256xf32, #tpu.memory_space<vmem>>, vector<16xf32>,
      %slice3A_338 = vector.extract_strided_slice %mul3A_260 {offsets = [11], sizes = [1], strides = [1]} : vector<16xf32> to vector<1xf32>
      %squeeze3A_339 = vector.extract %slice3A_338[0] : f32 from vector<1xf32>
      %mul3A_340 = vector.broadcast %squeeze3A_339 : f32 to vector<16xf32>
      %mul3A_341 = arith.mulf %mul3A_340, %mul3A_263 : vector<16xf32>
      %swap3A_342 = arith.index_cast %scan3A_231 : i32 to index
      %swap3A_343 = arith.constant 176 : index
      %swap3A_344 = tpu.vector_load %arg8[%swap3A_342, %swap3A_343] {strides = array<i32>} : memref<64x256xf32, #tpu.memory_space<vmem>>, vector<16xf32>,
      tpu.vector_store %arg8[%swap3A_342, %swap3A_343], %mul3A_341 {strides = array<i32>} : memref<64x256xf32, #tpu.memory_space<vmem>>, vector<16xf32>,
      %slice3A_345 = vector.extract_strided_slice %mul3A_260 {offsets = [12], sizes = [1], strides = [1]} : vector<16xf32> to vector<1xf32>
      %squeeze3A_346 = vector.extract %slice3A_345[0] : f32 from vector<1xf32>
      %mul3A_347 = vector.broadcast %squeeze3A_346 : f32 to vector<16xf32>
      %mul3A_348 = arith.mulf %mul3A_347, %mul3A_263 : vector<16xf32>
      %swap3A_349 = arith.index_cast %scan3A_231 : i32 to index
      %swap3A_350 = arith.constant 192 : index
      %swap3A_351 = tpu.vector_load %arg8[%swap3A_349, %swap3A_350] {strides = array<i32>} : memref<64x256xf32, #tpu.memory_space<vmem>>, vector<16xf32>,
      tpu.vector_store %arg8[%swap3A_349, %swap3A_350], %mul3A_348 {strides = array<i32>} : memref<64x256xf32, #tpu.memory_space<vmem>>, vector<16xf32>,
      %slice3A_352 = vector.extract_strided_slice %mul3A_260 {offsets = [13], sizes = [1], strides = [1]} : vector<16xf32> to vector<1xf32>
      %squeeze3A_353 = vector.extract %slice3A_352[0] : f32 from vector<1xf32>
      %mul3A_354 = vector.broadcast %squeeze3A_353 : f32 to vector<16xf32>
      %mul3A_355 = arith.mulf %mul3A_354, %mul3A_263 : vector<16xf32>
      %swap3A_356 = arith.index_cast %scan3A_231 : i32 to index
      %swap3A_357 = arith.constant 208 : index
      %swap3A_358 = tpu.vector_load %arg8[%swap3A_356, %swap3A_357] {strides = array<i32>} : memref<64x256xf32, #tpu.memory_space<vmem>>, vector<16xf32>,
      tpu.vector_store %arg8[%swap3A_356, %swap3A_357], %mul3A_355 {strides = array<i32>} : memref<64x256xf32, #tpu.memory_space<vmem>>, vector<16xf32>,
      %slice3A_359 = vector.extract_strided_slice %mul3A_260 {offsets = [14], sizes = [1], strides = [1]} : vector<16xf32> to vector<1xf32>
      %squeeze3A_360 = vector.extract %slice3A_359[0] : f32 from vector<1xf32>
      %mul3A_361 = vector.broadcast %squeeze3A_360 : f32 to vector<16xf32>
      %mul3A_362 = arith.mulf %mul3A_361, %mul3A_263 : vector<16xf32>
      %swap3A_363 = arith.index_cast %scan3A_231 : i32 to index
      %swap3A_364 = arith.constant 224 : index
      %swap3A_365 = tpu.vector_load %arg8[%swap3A_363, %swap3A_364] {strides = array<i32>} : memref<64x256xf32, #tpu.memory_space<vmem>>, vector<16xf32>,
      tpu.vector_store %arg8[%swap3A_363, %swap3A_364], %mul3A_362 {strides = array<i32>} : memref<64x256xf32, #tpu.memory_space<vmem>>, vector<16xf32>,
      %slice3A_366 = vector.extract_strided_slice %mul3A_260 {offsets = [15], sizes = [1], strides = [1]} : vector<16xf32> to vector<1xf32>
      %squeeze3A_367 = vector.extract %slice3A_366[0] : f32 from vector<1xf32>
      %mul3A_368 = vector.broadcast %squeeze3A_367 : f32 to vector<16xf32>
      %mul3A_369 = arith.mulf %mul3A_368, %mul3A_263 : vector<16xf32>
      %swap3A_370 = arith.index_cast %scan3A_231 : i32 to index
      %swap3A_371 = arith.constant 240 : index
      %swap3A_372 = tpu.vector_load %arg8[%swap3A_370, %swap3A_371] {strides = array<i32>} : memref<64x256xf32, #tpu.memory_space<vmem>>, vector<16xf32>,
      tpu.vector_store %arg8[%swap3A_370, %swap3A_371], %mul3A_369 {strides = array<i32>} : memref<64x256xf32, #tpu.memory_space<vmem>>, vector<16xf32>,
      %scan3A_373 = arith.constant 0 : i32
      scf.yield %scan3A_373 : i32
    }
    %scan3A_172 = arith.constant 64 : i32
    %add3A_173 = arith.constant 320 : i32
    %add3A_174 = arith.addi %mul3A_2, %add3A_173 : i32
    %dma_start3A_175 = arith.constant 0 : i32
    %dma_start3A_176 = tpu.memref_slice %arg4[%add3A_174, %dma_start3A_175] : memref<16384x256xf32, #tpu.memory_space<hbm>> -> memref<64x256xf32, #tpu.memory_space<hbm>>
    %dma_start3A_177 = arith.constant 0 : i32
    %dma_start3A_178 = tpu.memref_slice %arg4[%add3A_174, %dma_start3A_177] : memref<16384x256xf32, #tpu.memory_space<hbm>> -> memref<64x256xf32, #tpu.memory_space<hbm>>
    tpu.enqueue_dma source(%arg8 : memref<64x256xf32, #tpu.memory_space<vmem>>) target(%dma_start3A_178 : memref<64x256xf32, #tpu.memory_space<hbm>>) target_semaphore(%arg12 : memref<!tpu.dma_semaphore, #tpu.memory_space<semaphore_mem>>)
    %dma_wait3A_179 = tpu.memref_slice %arg2[%mul3A_159] : memref<262144xf32, #tpu.memory_space<hbm>> -> memref<1024xf32, #tpu.memory_space<hbm>>
    %dma_wait3A_180 = tpu.memref_slice %arg2[%mul3A_159] : memref<262144xf32, #tpu.memory_space<hbm>> -> memref<1024xf32, #tpu.memory_space<hbm>>
    tpu.wait_dma2 semaphore(%arg10 : memref<!tpu.dma_semaphore, #tpu.memory_space<semaphore_mem>>) src(%dma_wait3A_180 : memref<1024xf32, #tpu.memory_space<hbm>>) dst(%arg5 : memref<1024xf32, #tpu.memory_space<vmem>>)
    %add3A_181 = arith.constant 448 : i32
    %add3A_182 = arith.addi %mul3A_2, %add3A_181 : i32
    %mul3A_183 = arith.constant 16 : i32
    %mul3A_184 = arith.muli %add3A_182, %mul3A_183 : i32
    %dma_start3A_185 = tpu.memref_slice %arg2[%mul3A_184] : memref<262144xf32, #tpu.memory_space<hbm>> -> memref<1024xf32, #tpu.memory_space<hbm>>
    %dma_start3A_186 = tpu.memref_slice %arg2[%mul3A_184] : memref<262144xf32, #tpu.memory_space<hbm>> -> memref<1024xf32, #tpu.memory_space<hbm>>
    tpu.enqueue_dma source(%dma_start3A_186 : memref<1024xf32, #tpu.memory_space<hbm>>) target(%arg6 : memref<1024xf32, #tpu.memory_space<vmem>>) target_semaphore(%arg10 : memref<!tpu.dma_semaphore, #tpu.memory_space<semaphore_mem>>)
    %dma_wait3A_187 = arith.constant 0 : i32
    %dma_wait3A_188 = tpu.memref_slice %arg4[%mul3A_2, %dma_wait3A_187] : memref<16384x256xf32, #tpu.memory_space<hbm>> -> memref<64x256xf32, #tpu.memory_space<hbm>>
    %dma_wait3A_189 = arith.constant 0 : i32
    %dma_wait3A_190 = tpu.memref_slice %arg4[%mul3A_2, %dma_wait3A_189] : memref<16384x256xf32, #tpu.memory_space<hbm>> -> memref<64x256xf32, #tpu.memory_space<hbm>>
    tpu.wait_dma2 semaphore(%arg11 : memref<!tpu.dma_semaphore, #tpu.memory_space<semaphore_mem>>) src(%arg7 : memref<64x256xf32, #tpu.memory_space<vmem>>) dst(%dma_wait3A_190 : memref<64x256xf32, #tpu.memory_space<hbm>>)
    %scan3A_191 = arith.constant 0 : i32
    %scan3A_192 = arith.constant 0 : i32
    %scan3A_193 = arith.constant 64 : i32
    %scan3A_194 = arith.addi %scan3A_192, %scan3A_193 : i32
    %scan3A_195 = arith.constant 1 : i32
    %scan3A_196 = scf.for %scan3A_231 = %scan3A_192 to %scan3A_194 step %scan3A_195 iter_args(%scan3A_232 = %scan3A_191) -> (i32)  : i32 {
      %mul3A_233 = arith.constant 16 : i32
      %mul3A_234 = arith.muli %scan3A_231, %mul3A_233 : i32
      %add3A_235 = vector.broadcast %mul3A_234 : i32 to vector<16xi32>
      %add3A_236 = arith.addi %get3A_5, %add3A_235 : vector<16xi32>
      %gather3A = tpu.vector_load_idx %arg5[%add3A_236] : memref<1024xf32, #tpu.memory_space<vmem>>[vector<16xi32>], vector<16xf32>,
      %add3A_237 = vector.broadcast %mul3A_234 : i32 to vector<16xi32>
      %add3A_238 = arith.addi %get3A_9, %add3A_237 : vector<16xi32>
      %gather3A_239 = tpu.vector_load_idx %arg5[%add3A_238] : memref<1024xf32, #tpu.memory_space<vmem>>[vector<16xi32>], vector<16xf32>,
      %add3A_240 = vector.broadcast %mul3A_234 : i32 to vector<16xi32>
      %add3A_241 = arith.addi %get3A_13, %add3A_240 : vector<16xi32>
      %gather3A_242 = tpu.vector_load_idx %arg5[%add3A_241] : memref<1024xf32, #tpu.memory_space<vmem>>[vector<16xi32>], vector<16xf32>,
      %add3A_243 = vector.broadcast %mul3A_234 : i32 to vector<16xi32>
      %add3A_244 = arith.addi %get3A_17, %add3A_243 : vector<16xi32>
      %gather3A_245 = tpu.vector_load_idx %arg5[%add3A_244] : memref<1024xf32, #tpu.memory_space<vmem>>[vector<16xi32>], vector<16xf32>,
      %add3A_246 = vector.broadcast %mul3A_234 : i32 to vector<16xi32>
      %add3A_247 = arith.addi %get3A_21, %add3A_246 : vector<16xi32>
      %gather3A_248 = tpu.vector_load_idx %arg5[%add3A_247] : memref<1024xf32, #tpu.memory_space<vmem>>[vector<16xi32>], vector<16xf32>,
      %add3A_249 = vector.broadcast %mul3A_234 : i32 to vector<16xi32>
      %add3A_250 = arith.addi %get3A_25, %add3A_249 : vector<16xi32>
      %gather3A_251 = tpu.vector_load_idx %arg5[%add3A_250] : memref<1024xf32, #tpu.memory_space<vmem>>[vector<16xi32>], vector<16xf32>,
      %add3A_252 = vector.broadcast %mul3A_234 : i32 to vector<16xi32>
      %add3A_253 = arith.addi %get3A_29, %add3A_252 : vector<16xi32>
      %gather3A_254 = tpu.vector_load_idx %arg5[%add3A_253] : memref<1024xf32, #tpu.memory_space<vmem>>[vector<16xi32>], vector<16xf32>,
      %add3A_255 = vector.broadcast %mul3A_234 : i32 to vector<16xi32>
      %add3A_256 = arith.addi %get3A_33, %add3A_255 : vector<16xi32>
      %gather3A_257 = tpu.vector_load_idx %arg5[%add3A_256] : memref<1024xf32, #tpu.memory_space<vmem>>[vector<16xi32>], vector<16xf32>,
      %mul3A_258 = arith.mulf %gather3A, %gather3A_239 : vector<16xf32>
      %mul3A_259 = arith.mulf %gather3A_242, %gather3A_245 : vector<16xf32>
      %mul3A_260 = arith.mulf %mul3A_258, %mul3A_259 : vector<16xf32>
      %mul3A_261 = arith.mulf %gather3A_248, %gather3A_251 : vector<16xf32>
      %mul3A_262 = arith.mulf %gather3A_254, %gather3A_257 : vector<16xf32>
      %mul3A_263 = arith.mulf %mul3A_261, %mul3A_262 : vector<16xf32>
      %slice3A = vector.extract_strided_slice %mul3A_260 {offsets = [0], sizes = [1], strides = [1]} : vector<16xf32> to vector<1xf32>
      %squeeze3A = vector.extract %slice3A[0] : f32 from vector<1xf32>
      %mul3A_264 = vector.broadcast %squeeze3A : f32 to vector<16xf32>
      %mul3A_265 = arith.mulf %mul3A_264, %mul3A_263 : vector<16xf32>
      %swap3A = arith.index_cast %scan3A_231 : i32 to index
      %swap3A_266 = arith.constant 0 : index
      %swap3A_267 = tpu.vector_load %arg7[%swap3A, %swap3A_266] {strides = array<i32>} : memref<64x256xf32, #tpu.memory_space<vmem>>, vector<16xf32>,
      tpu.vector_store %arg7[%swap3A, %swap3A_266], %mul3A_265 {strides = array<i32>} : memref<64x256xf32, #tpu.memory_space<vmem>>, vector<16xf32>,
      %slice3A_268 = vector.extract_strided_slice %mul3A_260 {offsets = [1], sizes = [1], strides = [1]} : vector<16xf32> to vector<1xf32>
      %squeeze3A_269 = vector.extract %slice3A_268[0] : f32 from vector<1xf32>
      %mul3A_270 = vector.broadcast %squeeze3A_269 : f32 to vector<16xf32>
      %mul3A_271 = arith.mulf %mul3A_270, %mul3A_263 : vector<16xf32>
      %swap3A_272 = arith.index_cast %scan3A_231 : i32 to index
      %swap3A_273 = arith.constant 16 : index
      %swap3A_274 = tpu.vector_load %arg7[%swap3A_272, %swap3A_273] {strides = array<i32>} : memref<64x256xf32, #tpu.memory_space<vmem>>, vector<16xf32>,
      tpu.vector_store %arg7[%swap3A_272, %swap3A_273], %mul3A_271 {strides = array<i32>} : memref<64x256xf32, #tpu.memory_space<vmem>>, vector<16xf32>,
      %slice3A_275 = vector.extract_strided_slice %mul3A_260 {offsets = [2], sizes = [1], strides = [1]} : vector<16xf32> to vector<1xf32>
      %squeeze3A_276 = vector.extract %slice3A_275[0] : f32 from vector<1xf32>
      %mul3A_277 = vector.broadcast %squeeze3A_276 : f32 to vector<16xf32>
      %mul3A_278 = arith.mulf %mul3A_277, %mul3A_263 : vector<16xf32>
      %swap3A_279 = arith.index_cast %scan3A_231 : i32 to index
      %swap3A_280 = arith.constant 32 : index
      %swap3A_281 = tpu.vector_load %arg7[%swap3A_279, %swap3A_280] {strides = array<i32>} : memref<64x256xf32, #tpu.memory_space<vmem>>, vector<16xf32>,
      tpu.vector_store %arg7[%swap3A_279, %swap3A_280], %mul3A_278 {strides = array<i32>} : memref<64x256xf32, #tpu.memory_space<vmem>>, vector<16xf32>,
      %slice3A_282 = vector.extract_strided_slice %mul3A_260 {offsets = [3], sizes = [1], strides = [1]} : vector<16xf32> to vector<1xf32>
      %squeeze3A_283 = vector.extract %slice3A_282[0] : f32 from vector<1xf32>
      %mul3A_284 = vector.broadcast %squeeze3A_283 : f32 to vector<16xf32>
      %mul3A_285 = arith.mulf %mul3A_284, %mul3A_263 : vector<16xf32>
      %swap3A_286 = arith.index_cast %scan3A_231 : i32 to index
      %swap3A_287 = arith.constant 48 : index
      %swap3A_288 = tpu.vector_load %arg7[%swap3A_286, %swap3A_287] {strides = array<i32>} : memref<64x256xf32, #tpu.memory_space<vmem>>, vector<16xf32>,
      tpu.vector_store %arg7[%swap3A_286, %swap3A_287], %mul3A_285 {strides = array<i32>} : memref<64x256xf32, #tpu.memory_space<vmem>>, vector<16xf32>,
      %slice3A_289 = vector.extract_strided_slice %mul3A_260 {offsets = [4], sizes = [1], strides = [1]} : vector<16xf32> to vector<1xf32>
      %squeeze3A_290 = vector.extract %slice3A_289[0] : f32 from vector<1xf32>
      %mul3A_291 = vector.broadcast %squeeze3A_290 : f32 to vector<16xf32>
      %mul3A_292 = arith.mulf %mul3A_291, %mul3A_263 : vector<16xf32>
      %swap3A_293 = arith.index_cast %scan3A_231 : i32 to index
      %swap3A_294 = arith.constant 64 : index
      %swap3A_295 = tpu.vector_load %arg7[%swap3A_293, %swap3A_294] {strides = array<i32>} : memref<64x256xf32, #tpu.memory_space<vmem>>, vector<16xf32>,
      tpu.vector_store %arg7[%swap3A_293, %swap3A_294], %mul3A_292 {strides = array<i32>} : memref<64x256xf32, #tpu.memory_space<vmem>>, vector<16xf32>,
      %slice3A_296 = vector.extract_strided_slice %mul3A_260 {offsets = [5], sizes = [1], strides = [1]} : vector<16xf32> to vector<1xf32>
      %squeeze3A_297 = vector.extract %slice3A_296[0] : f32 from vector<1xf32>
      %mul3A_298 = vector.broadcast %squeeze3A_297 : f32 to vector<16xf32>
      %mul3A_299 = arith.mulf %mul3A_298, %mul3A_263 : vector<16xf32>
      %swap3A_300 = arith.index_cast %scan3A_231 : i32 to index
      %swap3A_301 = arith.constant 80 : index
      %swap3A_302 = tpu.vector_load %arg7[%swap3A_300, %swap3A_301] {strides = array<i32>} : memref<64x256xf32, #tpu.memory_space<vmem>>, vector<16xf32>,
      tpu.vector_store %arg7[%swap3A_300, %swap3A_301], %mul3A_299 {strides = array<i32>} : memref<64x256xf32, #tpu.memory_space<vmem>>, vector<16xf32>,
      %slice3A_303 = vector.extract_strided_slice %mul3A_260 {offsets = [6], sizes = [1], strides = [1]} : vector<16xf32> to vector<1xf32>
      %squeeze3A_304 = vector.extract %slice3A_303[0] : f32 from vector<1xf32>
      %mul3A_305 = vector.broadcast %squeeze3A_304 : f32 to vector<16xf32>
      %mul3A_306 = arith.mulf %mul3A_305, %mul3A_263 : vector<16xf32>
      %swap3A_307 = arith.index_cast %scan3A_231 : i32 to index
      %swap3A_308 = arith.constant 96 : index
      %swap3A_309 = tpu.vector_load %arg7[%swap3A_307, %swap3A_308] {strides = array<i32>} : memref<64x256xf32, #tpu.memory_space<vmem>>, vector<16xf32>,
      tpu.vector_store %arg7[%swap3A_307, %swap3A_308], %mul3A_306 {strides = array<i32>} : memref<64x256xf32, #tpu.memory_space<vmem>>, vector<16xf32>,
      %slice3A_310 = vector.extract_strided_slice %mul3A_260 {offsets = [7], sizes = [1], strides = [1]} : vector<16xf32> to vector<1xf32>
      %squeeze3A_311 = vector.extract %slice3A_310[0] : f32 from vector<1xf32>
      %mul3A_312 = vector.broadcast %squeeze3A_311 : f32 to vector<16xf32>
      %mul3A_313 = arith.mulf %mul3A_312, %mul3A_263 : vector<16xf32>
      %swap3A_314 = arith.index_cast %scan3A_231 : i32 to index
      %swap3A_315 = arith.constant 112 : index
      %swap3A_316 = tpu.vector_load %arg7[%swap3A_314, %swap3A_315] {strides = array<i32>} : memref<64x256xf32, #tpu.memory_space<vmem>>, vector<16xf32>,
      tpu.vector_store %arg7[%swap3A_314, %swap3A_315], %mul3A_313 {strides = array<i32>} : memref<64x256xf32, #tpu.memory_space<vmem>>, vector<16xf32>,
      %slice3A_317 = vector.extract_strided_slice %mul3A_260 {offsets = [8], sizes = [1], strides = [1]} : vector<16xf32> to vector<1xf32>
      %squeeze3A_318 = vector.extract %slice3A_317[0] : f32 from vector<1xf32>
      %mul3A_319 = vector.broadcast %squeeze3A_318 : f32 to vector<16xf32>
      %mul3A_320 = arith.mulf %mul3A_319, %mul3A_263 : vector<16xf32>
      %swap3A_321 = arith.index_cast %scan3A_231 : i32 to index
      %swap3A_322 = arith.constant 128 : index
      %swap3A_323 = tpu.vector_load %arg7[%swap3A_321, %swap3A_322] {strides = array<i32>} : memref<64x256xf32, #tpu.memory_space<vmem>>, vector<16xf32>,
      tpu.vector_store %arg7[%swap3A_321, %swap3A_322], %mul3A_320 {strides = array<i32>} : memref<64x256xf32, #tpu.memory_space<vmem>>, vector<16xf32>,
      %slice3A_324 = vector.extract_strided_slice %mul3A_260 {offsets = [9], sizes = [1], strides = [1]} : vector<16xf32> to vector<1xf32>
      %squeeze3A_325 = vector.extract %slice3A_324[0] : f32 from vector<1xf32>
      %mul3A_326 = vector.broadcast %squeeze3A_325 : f32 to vector<16xf32>
      %mul3A_327 = arith.mulf %mul3A_326, %mul3A_263 : vector<16xf32>
      %swap3A_328 = arith.index_cast %scan3A_231 : i32 to index
      %swap3A_329 = arith.constant 144 : index
      %swap3A_330 = tpu.vector_load %arg7[%swap3A_328, %swap3A_329] {strides = array<i32>} : memref<64x256xf32, #tpu.memory_space<vmem>>, vector<16xf32>,
      tpu.vector_store %arg7[%swap3A_328, %swap3A_329], %mul3A_327 {strides = array<i32>} : memref<64x256xf32, #tpu.memory_space<vmem>>, vector<16xf32>,
      %slice3A_331 = vector.extract_strided_slice %mul3A_260 {offsets = [10], sizes = [1], strides = [1]} : vector<16xf32> to vector<1xf32>
      %squeeze3A_332 = vector.extract %slice3A_331[0] : f32 from vector<1xf32>
      %mul3A_333 = vector.broadcast %squeeze3A_332 : f32 to vector<16xf32>
      %mul3A_334 = arith.mulf %mul3A_333, %mul3A_263 : vector<16xf32>
      %swap3A_335 = arith.index_cast %scan3A_231 : i32 to index
      %swap3A_336 = arith.constant 160 : index
      %swap3A_337 = tpu.vector_load %arg7[%swap3A_335, %swap3A_336] {strides = array<i32>} : memref<64x256xf32, #tpu.memory_space<vmem>>, vector<16xf32>,
      tpu.vector_store %arg7[%swap3A_335, %swap3A_336], %mul3A_334 {strides = array<i32>} : memref<64x256xf32, #tpu.memory_space<vmem>>, vector<16xf32>,
      %slice3A_338 = vector.extract_strided_slice %mul3A_260 {offsets = [11], sizes = [1], strides = [1]} : vector<16xf32> to vector<1xf32>
      %squeeze3A_339 = vector.extract %slice3A_338[0] : f32 from vector<1xf32>
      %mul3A_340 = vector.broadcast %squeeze3A_339 : f32 to vector<16xf32>
      %mul3A_341 = arith.mulf %mul3A_340, %mul3A_263 : vector<16xf32>
      %swap3A_342 = arith.index_cast %scan3A_231 : i32 to index
      %swap3A_343 = arith.constant 176 : index
      %swap3A_344 = tpu.vector_load %arg7[%swap3A_342, %swap3A_343] {strides = array<i32>} : memref<64x256xf32, #tpu.memory_space<vmem>>, vector<16xf32>,
      tpu.vector_store %arg7[%swap3A_342, %swap3A_343], %mul3A_341 {strides = array<i32>} : memref<64x256xf32, #tpu.memory_space<vmem>>, vector<16xf32>,
      %slice3A_345 = vector.extract_strided_slice %mul3A_260 {offsets = [12], sizes = [1], strides = [1]} : vector<16xf32> to vector<1xf32>
      %squeeze3A_346 = vector.extract %slice3A_345[0] : f32 from vector<1xf32>
      %mul3A_347 = vector.broadcast %squeeze3A_346 : f32 to vector<16xf32>
      %mul3A_348 = arith.mulf %mul3A_347, %mul3A_263 : vector<16xf32>
      %swap3A_349 = arith.index_cast %scan3A_231 : i32 to index
      %swap3A_350 = arith.constant 192 : index
      %swap3A_351 = tpu.vector_load %arg7[%swap3A_349, %swap3A_350] {strides = array<i32>} : memref<64x256xf32, #tpu.memory_space<vmem>>, vector<16xf32>,
      tpu.vector_store %arg7[%swap3A_349, %swap3A_350], %mul3A_348 {strides = array<i32>} : memref<64x256xf32, #tpu.memory_space<vmem>>, vector<16xf32>,
      %slice3A_352 = vector.extract_strided_slice %mul3A_260 {offsets = [13], sizes = [1], strides = [1]} : vector<16xf32> to vector<1xf32>
      %squeeze3A_353 = vector.extract %slice3A_352[0] : f32 from vector<1xf32>
      %mul3A_354 = vector.broadcast %squeeze3A_353 : f32 to vector<16xf32>
      %mul3A_355 = arith.mulf %mul3A_354, %mul3A_263 : vector<16xf32>
      %swap3A_356 = arith.index_cast %scan3A_231 : i32 to index
      %swap3A_357 = arith.constant 208 : index
      %swap3A_358 = tpu.vector_load %arg7[%swap3A_356, %swap3A_357] {strides = array<i32>} : memref<64x256xf32, #tpu.memory_space<vmem>>, vector<16xf32>,
      tpu.vector_store %arg7[%swap3A_356, %swap3A_357], %mul3A_355 {strides = array<i32>} : memref<64x256xf32, #tpu.memory_space<vmem>>, vector<16xf32>,
      %slice3A_359 = vector.extract_strided_slice %mul3A_260 {offsets = [14], sizes = [1], strides = [1]} : vector<16xf32> to vector<1xf32>
      %squeeze3A_360 = vector.extract %slice3A_359[0] : f32 from vector<1xf32>
      %mul3A_361 = vector.broadcast %squeeze3A_360 : f32 to vector<16xf32>
      %mul3A_362 = arith.mulf %mul3A_361, %mul3A_263 : vector<16xf32>
      %swap3A_363 = arith.index_cast %scan3A_231 : i32 to index
      %swap3A_364 = arith.constant 224 : index
      %swap3A_365 = tpu.vector_load %arg7[%swap3A_363, %swap3A_364] {strides = array<i32>} : memref<64x256xf32, #tpu.memory_space<vmem>>, vector<16xf32>,
      tpu.vector_store %arg7[%swap3A_363, %swap3A_364], %mul3A_362 {strides = array<i32>} : memref<64x256xf32, #tpu.memory_space<vmem>>, vector<16xf32>,
      %slice3A_366 = vector.extract_strided_slice %mul3A_260 {offsets = [15], sizes = [1], strides = [1]} : vector<16xf32> to vector<1xf32>
      %squeeze3A_367 = vector.extract %slice3A_366[0] : f32 from vector<1xf32>
      %mul3A_368 = vector.broadcast %squeeze3A_367 : f32 to vector<16xf32>
      %mul3A_369 = arith.mulf %mul3A_368, %mul3A_263 : vector<16xf32>
      %swap3A_370 = arith.index_cast %scan3A_231 : i32 to index
      %swap3A_371 = arith.constant 240 : index
      %swap3A_372 = tpu.vector_load %arg7[%swap3A_370, %swap3A_371] {strides = array<i32>} : memref<64x256xf32, #tpu.memory_space<vmem>>, vector<16xf32>,
      tpu.vector_store %arg7[%swap3A_370, %swap3A_371], %mul3A_369 {strides = array<i32>} : memref<64x256xf32, #tpu.memory_space<vmem>>, vector<16xf32>,
      %scan3A_373 = arith.constant 0 : i32
      scf.yield %scan3A_373 : i32
    }
    %scan3A_197 = arith.constant 64 : i32
    %add3A_198 = arith.constant 384 : i32
    %add3A_199 = arith.addi %mul3A_2, %add3A_198 : i32
    %dma_start3A_200 = arith.constant 0 : i32
    %dma_start3A_201 = tpu.memref_slice %arg4[%add3A_199, %dma_start3A_200] : memref<16384x256xf32, #tpu.memory_space<hbm>> -> memref<64x256xf32, #tpu.memory_space<hbm>>
    %dma_start3A_202 = arith.constant 0 : i32
    %dma_start3A_203 = tpu.memref_slice %arg4[%add3A_199, %dma_start3A_202] : memref<16384x256xf32, #tpu.memory_space<hbm>> -> memref<64x256xf32, #tpu.memory_space<hbm>>
    tpu.enqueue_dma source(%arg7 : memref<64x256xf32, #tpu.memory_space<vmem>>) target(%dma_start3A_203 : memref<64x256xf32, #tpu.memory_space<hbm>>) target_semaphore(%arg11 : memref<!tpu.dma_semaphore, #tpu.memory_space<semaphore_mem>>)
    %dma_wait3A_204 = tpu.memref_slice %arg2[%mul3A_184] : memref<262144xf32, #tpu.memory_space<hbm>> -> memref<1024xf32, #tpu.memory_space<hbm>>
    %dma_wait3A_205 = tpu.memref_slice %arg2[%mul3A_184] : memref<262144xf32, #tpu.memory_space<hbm>> -> memref<1024xf32, #tpu.memory_space<hbm>>
    tpu.wait_dma2 semaphore(%arg10 : memref<!tpu.dma_semaphore, #tpu.memory_space<semaphore_mem>>) src(%dma_wait3A_205 : memref<1024xf32, #tpu.memory_space<hbm>>) dst(%arg6 : memref<1024xf32, #tpu.memory_space<vmem>>)
    %dma_wait3A_206 = arith.constant 0 : i32
    %dma_wait3A_207 = tpu.memref_slice %arg4[%mul3A_2, %dma_wait3A_206] : memref<16384x256xf32, #tpu.memory_space<hbm>> -> memref<64x256xf32, #tpu.memory_space<hbm>>
    %dma_wait3A_208 = arith.constant 0 : i32
    %dma_wait3A_209 = tpu.memref_slice %arg4[%mul3A_2, %dma_wait3A_208] : memref<16384x256xf32, #tpu.memory_space<hbm>> -> memref<64x256xf32, #tpu.memory_space<hbm>>
    tpu.wait_dma2 semaphore(%arg12 : memref<!tpu.dma_semaphore, #tpu.memory_space<semaphore_mem>>) src(%arg8 : memref<64x256xf32, #tpu.memory_space<vmem>>) dst(%dma_wait3A_209 : memref<64x256xf32, #tpu.memory_space<hbm>>)
    %scan3A_210 = arith.constant 0 : i32
    %scan3A_211 = arith.constant 0 : i32
    %scan3A_212 = arith.constant 64 : i32
    %scan3A_213 = arith.addi %scan3A_211, %scan3A_212 : i32
    %scan3A_214 = arith.constant 1 : i32
    %scan3A_215 = scf.for %scan3A_231 = %scan3A_211 to %scan3A_213 step %scan3A_214 iter_args(%scan3A_232 = %scan3A_210) -> (i32)  : i32 {
      %mul3A_233 = arith.constant 16 : i32
      %mul3A_234 = arith.muli %scan3A_231, %mul3A_233 : i32
      %add3A_235 = vector.broadcast %mul3A_234 : i32 to vector<16xi32>
      %add3A_236 = arith.addi %get3A_5, %add3A_235 : vector<16xi32>
      %gather3A = tpu.vector_load_idx %arg6[%add3A_236] : memref<1024xf32, #tpu.memory_space<vmem>>[vector<16xi32>], vector<16xf32>,
      %add3A_237 = vector.broadcast %mul3A_234 : i32 to vector<16xi32>
      %add3A_238 = arith.addi %get3A_9, %add3A_237 : vector<16xi32>
      %gather3A_239 = tpu.vector_load_idx %arg6[%add3A_238] : memref<1024xf32, #tpu.memory_space<vmem>>[vector<16xi32>], vector<16xf32>,
      %add3A_240 = vector.broadcast %mul3A_234 : i32 to vector<16xi32>
      %add3A_241 = arith.addi %get3A_13, %add3A_240 : vector<16xi32>
      %gather3A_242 = tpu.vector_load_idx %arg6[%add3A_241] : memref<1024xf32, #tpu.memory_space<vmem>>[vector<16xi32>], vector<16xf32>,
      %add3A_243 = vector.broadcast %mul3A_234 : i32 to vector<16xi32>
      %add3A_244 = arith.addi %get3A_17, %add3A_243 : vector<16xi32>
      %gather3A_245 = tpu.vector_load_idx %arg6[%add3A_244] : memref<1024xf32, #tpu.memory_space<vmem>>[vector<16xi32>], vector<16xf32>,
      %add3A_246 = vector.broadcast %mul3A_234 : i32 to vector<16xi32>
      %add3A_247 = arith.addi %get3A_21, %add3A_246 : vector<16xi32>
      %gather3A_248 = tpu.vector_load_idx %arg6[%add3A_247] : memref<1024xf32, #tpu.memory_space<vmem>>[vector<16xi32>], vector<16xf32>,
      %add3A_249 = vector.broadcast %mul3A_234 : i32 to vector<16xi32>
      %add3A_250 = arith.addi %get3A_25, %add3A_249 : vector<16xi32>
      %gather3A_251 = tpu.vector_load_idx %arg6[%add3A_250] : memref<1024xf32, #tpu.memory_space<vmem>>[vector<16xi32>], vector<16xf32>,
      %add3A_252 = vector.broadcast %mul3A_234 : i32 to vector<16xi32>
      %add3A_253 = arith.addi %get3A_29, %add3A_252 : vector<16xi32>
      %gather3A_254 = tpu.vector_load_idx %arg6[%add3A_253] : memref<1024xf32, #tpu.memory_space<vmem>>[vector<16xi32>], vector<16xf32>,
      %add3A_255 = vector.broadcast %mul3A_234 : i32 to vector<16xi32>
      %add3A_256 = arith.addi %get3A_33, %add3A_255 : vector<16xi32>
      %gather3A_257 = tpu.vector_load_idx %arg6[%add3A_256] : memref<1024xf32, #tpu.memory_space<vmem>>[vector<16xi32>], vector<16xf32>,
      %mul3A_258 = arith.mulf %gather3A, %gather3A_239 : vector<16xf32>
      %mul3A_259 = arith.mulf %gather3A_242, %gather3A_245 : vector<16xf32>
      %mul3A_260 = arith.mulf %mul3A_258, %mul3A_259 : vector<16xf32>
      %mul3A_261 = arith.mulf %gather3A_248, %gather3A_251 : vector<16xf32>
      %mul3A_262 = arith.mulf %gather3A_254, %gather3A_257 : vector<16xf32>
      %mul3A_263 = arith.mulf %mul3A_261, %mul3A_262 : vector<16xf32>
      %slice3A = vector.extract_strided_slice %mul3A_260 {offsets = [0], sizes = [1], strides = [1]} : vector<16xf32> to vector<1xf32>
      %squeeze3A = vector.extract %slice3A[0] : f32 from vector<1xf32>
      %mul3A_264 = vector.broadcast %squeeze3A : f32 to vector<16xf32>
      %mul3A_265 = arith.mulf %mul3A_264, %mul3A_263 : vector<16xf32>
      %swap3A = arith.index_cast %scan3A_231 : i32 to index
      %swap3A_266 = arith.constant 0 : index
      %swap3A_267 = tpu.vector_load %arg8[%swap3A, %swap3A_266] {strides = array<i32>} : memref<64x256xf32, #tpu.memory_space<vmem>>, vector<16xf32>,
      tpu.vector_store %arg8[%swap3A, %swap3A_266], %mul3A_265 {strides = array<i32>} : memref<64x256xf32, #tpu.memory_space<vmem>>, vector<16xf32>,
      %slice3A_268 = vector.extract_strided_slice %mul3A_260 {offsets = [1], sizes = [1], strides = [1]} : vector<16xf32> to vector<1xf32>
      %squeeze3A_269 = vector.extract %slice3A_268[0] : f32 from vector<1xf32>
      %mul3A_270 = vector.broadcast %squeeze3A_269 : f32 to vector<16xf32>
      %mul3A_271 = arith.mulf %mul3A_270, %mul3A_263 : vector<16xf32>
      %swap3A_272 = arith.index_cast %scan3A_231 : i32 to index
      %swap3A_273 = arith.constant 16 : index
      %swap3A_274 = tpu.vector_load %arg8[%swap3A_272, %swap3A_273] {strides = array<i32>} : memref<64x256xf32, #tpu.memory_space<vmem>>, vector<16xf32>,
      tpu.vector_store %arg8[%swap3A_272, %swap3A_273], %mul3A_271 {strides = array<i32>} : memref<64x256xf32, #tpu.memory_space<vmem>>, vector<16xf32>,
      %slice3A_275 = vector.extract_strided_slice %mul3A_260 {offsets = [2], sizes = [1], strides = [1]} : vector<16xf32> to vector<1xf32>
      %squeeze3A_276 = vector.extract %slice3A_275[0] : f32 from vector<1xf32>
      %mul3A_277 = vector.broadcast %squeeze3A_276 : f32 to vector<16xf32>
      %mul3A_278 = arith.mulf %mul3A_277, %mul3A_263 : vector<16xf32>
      %swap3A_279 = arith.index_cast %scan3A_231 : i32 to index
      %swap3A_280 = arith.constant 32 : index
      %swap3A_281 = tpu.vector_load %arg8[%swap3A_279, %swap3A_280] {strides = array<i32>} : memref<64x256xf32, #tpu.memory_space<vmem>>, vector<16xf32>,
      tpu.vector_store %arg8[%swap3A_279, %swap3A_280], %mul3A_278 {strides = array<i32>} : memref<64x256xf32, #tpu.memory_space<vmem>>, vector<16xf32>,
      %slice3A_282 = vector.extract_strided_slice %mul3A_260 {offsets = [3], sizes = [1], strides = [1]} : vector<16xf32> to vector<1xf32>
      %squeeze3A_283 = vector.extract %slice3A_282[0] : f32 from vector<1xf32>
      %mul3A_284 = vector.broadcast %squeeze3A_283 : f32 to vector<16xf32>
      %mul3A_285 = arith.mulf %mul3A_284, %mul3A_263 : vector<16xf32>
      %swap3A_286 = arith.index_cast %scan3A_231 : i32 to index
      %swap3A_287 = arith.constant 48 : index
      %swap3A_288 = tpu.vector_load %arg8[%swap3A_286, %swap3A_287] {strides = array<i32>} : memref<64x256xf32, #tpu.memory_space<vmem>>, vector<16xf32>,
      tpu.vector_store %arg8[%swap3A_286, %swap3A_287], %mul3A_285 {strides = array<i32>} : memref<64x256xf32, #tpu.memory_space<vmem>>, vector<16xf32>,
      %slice3A_289 = vector.extract_strided_slice %mul3A_260 {offsets = [4], sizes = [1], strides = [1]} : vector<16xf32> to vector<1xf32>
      %squeeze3A_290 = vector.extract %slice3A_289[0] : f32 from vector<1xf32>
      %mul3A_291 = vector.broadcast %squeeze3A_290 : f32 to vector<16xf32>
      %mul3A_292 = arith.mulf %mul3A_291, %mul3A_263 : vector<16xf32>
      %swap3A_293 = arith.index_cast %scan3A_231 : i32 to index
      %swap3A_294 = arith.constant 64 : index
      %swap3A_295 = tpu.vector_load %arg8[%swap3A_293, %swap3A_294] {strides = array<i32>} : memref<64x256xf32, #tpu.memory_space<vmem>>, vector<16xf32>,
      tpu.vector_store %arg8[%swap3A_293, %swap3A_294], %mul3A_292 {strides = array<i32>} : memref<64x256xf32, #tpu.memory_space<vmem>>, vector<16xf32>,
      %slice3A_296 = vector.extract_strided_slice %mul3A_260 {offsets = [5], sizes = [1], strides = [1]} : vector<16xf32> to vector<1xf32>
      %squeeze3A_297 = vector.extract %slice3A_296[0] : f32 from vector<1xf32>
      %mul3A_298 = vector.broadcast %squeeze3A_297 : f32 to vector<16xf32>
      %mul3A_299 = arith.mulf %mul3A_298, %mul3A_263 : vector<16xf32>
      %swap3A_300 = arith.index_cast %scan3A_231 : i32 to index
      %swap3A_301 = arith.constant 80 : index
      %swap3A_302 = tpu.vector_load %arg8[%swap3A_300, %swap3A_301] {strides = array<i32>} : memref<64x256xf32, #tpu.memory_space<vmem>>, vector<16xf32>,
      tpu.vector_store %arg8[%swap3A_300, %swap3A_301], %mul3A_299 {strides = array<i32>} : memref<64x256xf32, #tpu.memory_space<vmem>>, vector<16xf32>,
      %slice3A_303 = vector.extract_strided_slice %mul3A_260 {offsets = [6], sizes = [1], strides = [1]} : vector<16xf32> to vector<1xf32>
      %squeeze3A_304 = vector.extract %slice3A_303[0] : f32 from vector<1xf32>
      %mul3A_305 = vector.broadcast %squeeze3A_304 : f32 to vector<16xf32>
      %mul3A_306 = arith.mulf %mul3A_305, %mul3A_263 : vector<16xf32>
      %swap3A_307 = arith.index_cast %scan3A_231 : i32 to index
      %swap3A_308 = arith.constant 96 : index
      %swap3A_309 = tpu.vector_load %arg8[%swap3A_307, %swap3A_308] {strides = array<i32>} : memref<64x256xf32, #tpu.memory_space<vmem>>, vector<16xf32>,
      tpu.vector_store %arg8[%swap3A_307, %swap3A_308], %mul3A_306 {strides = array<i32>} : memref<64x256xf32, #tpu.memory_space<vmem>>, vector<16xf32>,
      %slice3A_310 = vector.extract_strided_slice %mul3A_260 {offsets = [7], sizes = [1], strides = [1]} : vector<16xf32> to vector<1xf32>
      %squeeze3A_311 = vector.extract %slice3A_310[0] : f32 from vector<1xf32>
      %mul3A_312 = vector.broadcast %squeeze3A_311 : f32 to vector<16xf32>
      %mul3A_313 = arith.mulf %mul3A_312, %mul3A_263 : vector<16xf32>
      %swap3A_314 = arith.index_cast %scan3A_231 : i32 to index
      %swap3A_315 = arith.constant 112 : index
      %swap3A_316 = tpu.vector_load %arg8[%swap3A_314, %swap3A_315] {strides = array<i32>} : memref<64x256xf32, #tpu.memory_space<vmem>>, vector<16xf32>,
      tpu.vector_store %arg8[%swap3A_314, %swap3A_315], %mul3A_313 {strides = array<i32>} : memref<64x256xf32, #tpu.memory_space<vmem>>, vector<16xf32>,
      %slice3A_317 = vector.extract_strided_slice %mul3A_260 {offsets = [8], sizes = [1], strides = [1]} : vector<16xf32> to vector<1xf32>
      %squeeze3A_318 = vector.extract %slice3A_317[0] : f32 from vector<1xf32>
      %mul3A_319 = vector.broadcast %squeeze3A_318 : f32 to vector<16xf32>
      %mul3A_320 = arith.mulf %mul3A_319, %mul3A_263 : vector<16xf32>
      %swap3A_321 = arith.index_cast %scan3A_231 : i32 to index
      %swap3A_322 = arith.constant 128 : index
      %swap3A_323 = tpu.vector_load %arg8[%swap3A_321, %swap3A_322] {strides = array<i32>} : memref<64x256xf32, #tpu.memory_space<vmem>>, vector<16xf32>,
      tpu.vector_store %arg8[%swap3A_321, %swap3A_322], %mul3A_320 {strides = array<i32>} : memref<64x256xf32, #tpu.memory_space<vmem>>, vector<16xf32>,
      %slice3A_324 = vector.extract_strided_slice %mul3A_260 {offsets = [9], sizes = [1], strides = [1]} : vector<16xf32> to vector<1xf32>
      %squeeze3A_325 = vector.extract %slice3A_324[0] : f32 from vector<1xf32>
      %mul3A_326 = vector.broadcast %squeeze3A_325 : f32 to vector<16xf32>
      %mul3A_327 = arith.mulf %mul3A_326, %mul3A_263 : vector<16xf32>
      %swap3A_328 = arith.index_cast %scan3A_231 : i32 to index
      %swap3A_329 = arith.constant 144 : index
      %swap3A_330 = tpu.vector_load %arg8[%swap3A_328, %swap3A_329] {strides = array<i32>} : memref<64x256xf32, #tpu.memory_space<vmem>>, vector<16xf32>,
      tpu.vector_store %arg8[%swap3A_328, %swap3A_329], %mul3A_327 {strides = array<i32>} : memref<64x256xf32, #tpu.memory_space<vmem>>, vector<16xf32>,
      %slice3A_331 = vector.extract_strided_slice %mul3A_260 {offsets = [10], sizes = [1], strides = [1]} : vector<16xf32> to vector<1xf32>
      %squeeze3A_332 = vector.extract %slice3A_331[0] : f32 from vector<1xf32>
      %mul3A_333 = vector.broadcast %squeeze3A_332 : f32 to vector<16xf32>
      %mul3A_334 = arith.mulf %mul3A_333, %mul3A_263 : vector<16xf32>
      %swap3A_335 = arith.index_cast %scan3A_231 : i32 to index
      %swap3A_336 = arith.constant 160 : index
      %swap3A_337 = tpu.vector_load %arg8[%swap3A_335, %swap3A_336] {strides = array<i32>} : memref<64x256xf32, #tpu.memory_space<vmem>>, vector<16xf32>,
      tpu.vector_store %arg8[%swap3A_335, %swap3A_336], %mul3A_334 {strides = array<i32>} : memref<64x256xf32, #tpu.memory_space<vmem>>, vector<16xf32>,
      %slice3A_338 = vector.extract_strided_slice %mul3A_260 {offsets = [11], sizes = [1], strides = [1]} : vector<16xf32> to vector<1xf32>
      %squeeze3A_339 = vector.extract %slice3A_338[0] : f32 from vector<1xf32>
      %mul3A_340 = vector.broadcast %squeeze3A_339 : f32 to vector<16xf32>
      %mul3A_341 = arith.mulf %mul3A_340, %mul3A_263 : vector<16xf32>
      %swap3A_342 = arith.index_cast %scan3A_231 : i32 to index
      %swap3A_343 = arith.constant 176 : index
      %swap3A_344 = tpu.vector_load %arg8[%swap3A_342, %swap3A_343] {strides = array<i32>} : memref<64x256xf32, #tpu.memory_space<vmem>>, vector<16xf32>,
      tpu.vector_store %arg8[%swap3A_342, %swap3A_343], %mul3A_341 {strides = array<i32>} : memref<64x256xf32, #tpu.memory_space<vmem>>, vector<16xf32>,
      %slice3A_345 = vector.extract_strided_slice %mul3A_260 {offsets = [12], sizes = [1], strides = [1]} : vector<16xf32> to vector<1xf32>
      %squeeze3A_346 = vector.extract %slice3A_345[0] : f32 from vector<1xf32>
      %mul3A_347 = vector.broadcast %squeeze3A_346 : f32 to vector<16xf32>
      %mul3A_348 = arith.mulf %mul3A_347, %mul3A_263 : vector<16xf32>
      %swap3A_349 = arith.index_cast %scan3A_231 : i32 to index
      %swap3A_350 = arith.constant 192 : index
      %swap3A_351 = tpu.vector_load %arg8[%swap3A_349, %swap3A_350] {strides = array<i32>} : memref<64x256xf32, #tpu.memory_space<vmem>>, vector<16xf32>,
      tpu.vector_store %arg8[%swap3A_349, %swap3A_350], %mul3A_348 {strides = array<i32>} : memref<64x256xf32, #tpu.memory_space<vmem>>, vector<16xf32>,
      %slice3A_352 = vector.extract_strided_slice %mul3A_260 {offsets = [13], sizes = [1], strides = [1]} : vector<16xf32> to vector<1xf32>
      %squeeze3A_353 = vector.extract %slice3A_352[0] : f32 from vector<1xf32>
      %mul3A_354 = vector.broadcast %squeeze3A_353 : f32 to vector<16xf32>
      %mul3A_355 = arith.mulf %mul3A_354, %mul3A_263 : vector<16xf32>
      %swap3A_356 = arith.index_cast %scan3A_231 : i32 to index
      %swap3A_357 = arith.constant 208 : index
      %swap3A_358 = tpu.vector_load %arg8[%swap3A_356, %swap3A_357] {strides = array<i32>} : memref<64x256xf32, #tpu.memory_space<vmem>>, vector<16xf32>,
      tpu.vector_store %arg8[%swap3A_356, %swap3A_357], %mul3A_355 {strides = array<i32>} : memref<64x256xf32, #tpu.memory_space<vmem>>, vector<16xf32>,
      %slice3A_359 = vector.extract_strided_slice %mul3A_260 {offsets = [14], sizes = [1], strides = [1]} : vector<16xf32> to vector<1xf32>
      %squeeze3A_360 = vector.extract %slice3A_359[0] : f32 from vector<1xf32>
      %mul3A_361 = vector.broadcast %squeeze3A_360 : f32 to vector<16xf32>
      %mul3A_362 = arith.mulf %mul3A_361, %mul3A_263 : vector<16xf32>
      %swap3A_363 = arith.index_cast %scan3A_231 : i32 to index
      %swap3A_364 = arith.constant 224 : index
      %swap3A_365 = tpu.vector_load %arg8[%swap3A_363, %swap3A_364] {strides = array<i32>} : memref<64x256xf32, #tpu.memory_space<vmem>>, vector<16xf32>,
      tpu.vector_store %arg8[%swap3A_363, %swap3A_364], %mul3A_362 {strides = array<i32>} : memref<64x256xf32, #tpu.memory_space<vmem>>, vector<16xf32>,
      %slice3A_366 = vector.extract_strided_slice %mul3A_260 {offsets = [15], sizes = [1], strides = [1]} : vector<16xf32> to vector<1xf32>
      %squeeze3A_367 = vector.extract %slice3A_366[0] : f32 from vector<1xf32>
      %mul3A_368 = vector.broadcast %squeeze3A_367 : f32 to vector<16xf32>
      %mul3A_369 = arith.mulf %mul3A_368, %mul3A_263 : vector<16xf32>
      %swap3A_370 = arith.index_cast %scan3A_231 : i32 to index
      %swap3A_371 = arith.constant 240 : index
      %swap3A_372 = tpu.vector_load %arg8[%swap3A_370, %swap3A_371] {strides = array<i32>} : memref<64x256xf32, #tpu.memory_space<vmem>>, vector<16xf32>,
      tpu.vector_store %arg8[%swap3A_370, %swap3A_371], %mul3A_369 {strides = array<i32>} : memref<64x256xf32, #tpu.memory_space<vmem>>, vector<16xf32>,
      %scan3A_373 = arith.constant 0 : i32
      scf.yield %scan3A_373 : i32
    }
    %scan3A_216 = arith.constant 64 : i32
    %add3A_217 = arith.constant 448 : i32
    %add3A_218 = arith.addi %mul3A_2, %add3A_217 : i32
    %dma_start3A_219 = arith.constant 0 : i32
    %dma_start3A_220 = tpu.memref_slice %arg4[%add3A_218, %dma_start3A_219] : memref<16384x256xf32, #tpu.memory_space<hbm>> -> memref<64x256xf32, #tpu.memory_space<hbm>>
    %dma_start3A_221 = arith.constant 0 : i32
    %dma_start3A_222 = tpu.memref_slice %arg4[%add3A_218, %dma_start3A_221] : memref<16384x256xf32, #tpu.memory_space<hbm>> -> memref<64x256xf32, #tpu.memory_space<hbm>>
    tpu.enqueue_dma source(%arg8 : memref<64x256xf32, #tpu.memory_space<vmem>>) target(%dma_start3A_222 : memref<64x256xf32, #tpu.memory_space<hbm>>) target_semaphore(%arg12 : memref<!tpu.dma_semaphore, #tpu.memory_space<semaphore_mem>>)
    %dma_wait3A_223 = arith.constant 0 : i32
    %dma_wait3A_224 = tpu.memref_slice %arg4[%mul3A_2, %dma_wait3A_223] : memref<16384x256xf32, #tpu.memory_space<hbm>> -> memref<64x256xf32, #tpu.memory_space<hbm>>
    %dma_wait3A_225 = arith.constant 0 : i32
    %dma_wait3A_226 = tpu.memref_slice %arg4[%mul3A_2, %dma_wait3A_225] : memref<16384x256xf32, #tpu.memory_space<hbm>> -> memref<64x256xf32, #tpu.memory_space<hbm>>
    tpu.wait_dma2 semaphore(%arg11 : memref<!tpu.dma_semaphore, #tpu.memory_space<semaphore_mem>>) src(%arg7 : memref<64x256xf32, #tpu.memory_space<vmem>>) dst(%dma_wait3A_226 : memref<64x256xf32, #tpu.memory_space<hbm>>)
    %dma_wait3A_227 = arith.constant 0 : i32
    %dma_wait3A_228 = tpu.memref_slice %arg4[%mul3A_2, %dma_wait3A_227] : memref<16384x256xf32, #tpu.memory_space<hbm>> -> memref<64x256xf32, #tpu.memory_space<hbm>>
    %dma_wait3A_229 = arith.constant 0 : i32
    %dma_wait3A_230 = tpu.memref_slice %arg4[%mul3A_2, %dma_wait3A_229] : memref<16384x256xf32, #tpu.memory_space<hbm>> -> memref<64x256xf32, #tpu.memory_space<hbm>>
    tpu.wait_dma2 semaphore(%arg12 : memref<!tpu.dma_semaphore, #tpu.memory_space<semaphore_mem>>) src(%arg8 : memref<64x256xf32, #tpu.memory_space<vmem>>) dst(%dma_wait3A_230 : memref<64x256xf32, #tpu.memory_space<hbm>>)
    return
  }
}

</mosaic_0001>

<sc_bundles>
// kernel: _rules_sc.3.cloned.1.call-start
scs
__scs_entry_jumppad:
0x0: {  	(pc) =	sbr.rel $0x88, $3  }
0x1: {  	(tag) =	ssettag $0x0;
	lr =	simm.s32 $0x1  }
0x2: {  	[smem:$0x3F9F] =	sst lr;
	_ =	strace $0xD0000000  }
0x3: {  	_ = 	snop  }
0x4: {  	_ = 	snop  }
0x5: {  	_ = 	snop  }
0x6: {  	_ = 	snop  }
0x7: {  	_ = 	snop  }
__scs_overlays_trampoline_lowered:
0x8: {  	[smem:$0x3FAE] =	sst s0  }
0x9: {  	[smem:$0x3FAF] =	sst s1  }
0xa: {  	[smem:$0x3FB0] =	sst s2  }
0xb: {  	[smem:$0x3FB1] =	sst s3  }
0xc: {  	[smem:$0x3FB2] =	sst s4  }
0xd: {  	[smem:$0x3FB3] =	sst s5  }
0xe: {  	[smem:$0x3FB4] =	sst s6  }
0xf: {  	[smem:$0x3FB5] =	sst s7  }
0x10: {  	[smem:$0x3FB6] =	sst s8  }
0x11: {  	[smem:$0x3FB7] =	sst s9;
	s0 =	simm.s32 @!p0 $0x0  }
0x12: {  	s1 =	sld [smem:$0x3F9D];
	s0 =	simm.s32 @p0 $0x1  }
0x13: {  	[smem:$0x3FB8] =	sst s0;
	s0 =	simm.s32 @!p1 $0x0  }
0x14: {  	s2 =	sld [smem:$0x3F9C];
	s0 =	simm.s32 @p1 $0x1  }
0x15: {  	[smem:$0x3FB9] =	sst s0;
	s0 =	simm.s32 @!p2 $0x0  }
0x16: {  	s3 =	sld [smem:$0x3FDB];
	s0 =	simm.s32 @p2 $0x1  }
0x17: {  	s4 =	simm.s32 $0x1BF5;
	[smem:$0x3FBB] =	sst s0  }
0x18: {  	s0 =	sld [smem:$0x3F9E];
	_ =	swait.ge [sflag:s4], $0x0  }
0x19: {  	s7 =	sld [smem:$0x3F9F]  }
0x1a: {  	s8 =	sadd.s32 $0xFFFFE003, lr  }
0x1b: {  	s9 =	sadd.s32 $0xFFFFFEF7, lr;
	s5 =	simm.s32 $0xFFFFFFFF;
	p2 =	slt.u32 s8, $0xFFFFF086  }
0x1c: {  	p1 =	slt.u32 s9, $0xF7A;
	s5 =	simm.s32 @!p2 $0x0  }
0x1d: {  	s5 =	simm.s32 @p1 $0x1;
	p0 =	seq.s32 s7, s2  }
0x1e: {  	s7 =	smul.u32 @!p0 $0xF7A, s2;
	p2 =	seq.s32 @!p0 s5, $0x0  }
0x1f: {  	s9 =	smul.u32 $0xF7A, s1;
	s8 =	simm.s32 @!p0 $0x1BF5;
	p2 =	por !p2, p0  }
0x20: {  	[sflag:s8] =	ssyncset.s32 @!p0 $0xFFFFF086;
	s6 =	sadd.s32 @!p0 s3, s7;
	s7 =	simm.s32 @!p0 $0x108  }
0x21: {  	s3 =	sadd.s32 s3, s9;
	s6 =	sadd.s32 @!p0 $0x88, s6;
	s7 =	simm.s32 @p2 $0x1082  }
0x22: {  	[simem:s7], [sflag:s8] =	dma.local @!p0 [hbm:s6], $0xF7A  }
0x23: {  	s9 =	sor.u32 $0xD0000000, s2;
	s6 =	simm.s32 $0x108;
	_ =	swait.ge @!p0 [sflag:s8], $0x0  }
0x24: {  	s3 =	sadd.s32 $0x88, s3;
	s6 =	simm.s32 @!p1 $0x1082;
	[sflag:s4] =	ssyncset.s32 $0xFFFFF086  }
0x25: {  	[simem:s6], [sflag:s4] =	dma.local [hbm:s3], $0xF7A  }
0x26: {  	[smem:$0x3F9F] =	sst s1;
	(tag) =	ssettag s2;
	_ =	strace s9  }
0x27: {  	s1 =	sld [smem:$0x3FAF]  }
0x28: {  	s2 =	sld [smem:$0x3FB0]  }
0x29: {  	s4 =	sld [smem:$0x3FB2]  }
0x2a: {  	p0 =	seq.s32 s5, $0x0;
	s5 =	sld [smem:$0x3FB3]  }
0x2b: {  	s6 =	sld [smem:$0x3FB4]  }
0x2c: {  	s7 =	sld [smem:$0x3FB5]  }
0x2d: {  	s3 =	simm.s32 $0x108;
	s8 =	sld [smem:$0x3FB6]  }
0x2e: {  	s3 =	simm.s32 @!p0 $0x1082;
	s9 =	sld [smem:$0x3FB7]  }
0x2f: {  	lr =	sadd.s32 s0, s3;
	s0 =	sld [smem:$0x3FAE]  }
0x30: {  	s3 =	sld [smem:$0x3FB1]  }
0x31: {  	[smem:$0x3FBA] =	sst s10  }
0x32: {  	s10 =	sld [smem:$0x3FB8];
	_ =	sdelay $0x3  }
0x33: {  	p0 =	seq.s32 s10, $0x1;
	s10 =	sld [smem:$0x3FBA];
	_ =	sdelay $0x3  }
0x34: {  	[smem:$0x3FBA] =	sst s10  }
0x35: {  	s10 =	sld [smem:$0x3FB9];
	_ =	sdelay $0x3  }
0x36: {  	p1 =	seq.s32 s10, $0x1;
	s10 =	sld [smem:$0x3FBA];
	_ =	sdelay $0x3  }
0x37: {  	[smem:$0x3FBA] =	sst s10  }
0x38: {  	s10 =	sld [smem:$0x3FBB]  }
0x39: {  	_ = 	snop;
	(pc) =	sbr.ind lr, $3  }
0x3a: {  	_ = 	snop  }
0x3b: {  	_ = 	snop  }
0x3c: {  	p2 =	seq.s32 s10, $0x1;
	s10 =	sld [smem:$0x3FBA]  }
0x3d: {  	_ =	shalt  }
0x3e: {  	_ =	shalt  }
0x3f: {  	_ =	shalt  }
0x40: {  	_ =	shalt  }
0x41: {  	_ =	shalt  }
0x42: {  	_ =	shalt  }
0x43: {  	_ =	shalt  }
0x44: {  	_ =	shalt  }
0x45: {  	_ =	shalt  }
0x46: {  	_ =	shalt  }
0x47: {  	_ =	shalt  }
0x48: {  	_ =	shalt  }
0x49: {  	_ =	shalt  }
0x4a: {  	_ =	shalt  }
0x4b: {  	_ =	shalt  }
0x4c: {  	_ =	shalt  }
0x4d: {  	_ =	shalt  }
0x4e: {  	_ =	shalt  }
0x4f: {  	_ =	shalt  }
0x50: {  	_ =	shalt  }
0x51: {  	_ =	shalt  }
0x52: {  	_ =	shalt  }
0x53: {  	_ =	shalt  }
0x54: {  	_ =	shalt  }
0x55: {  	_ =	shalt  }
0x56: {  	_ =	shalt  }
0x57: {  	_ =	shalt  }
0x58: {  	_ =	shalt  }
0x59: {  	_ =	shalt  }
0x5a: {  	_ =	shalt  }
0x5b: {  	_ =	shalt  }
0x5c: {  	_ =	shalt  }
0x5d: {  	_ =	shalt  }
0x5e: {  	_ =	shalt  }
0x5f: {  	_ =	shalt  }
0x60: {  	_ =	shalt  }
0x61: {  	_ =	shalt  }
0x62: {  	_ =	shalt  }
0x63: {  	_ =	shalt  }
0x64: {  	_ =	shalt  }
0x65: {  	_ =	shalt  }
0x66: {  	_ =	shalt  }
0x67: {  	_ =	shalt  }
0x68: {  	_ =	shalt  }
0x69: {  	_ =	shalt  }
0x6a: {  	_ =	shalt  }
0x6b: {  	_ =	shalt  }
0x6c: {  	_ =	shalt  }
0x6d: {  	_ =	shalt  }
0x6e: {  	_ =	shalt  }
0x6f: {  	_ =	shalt  }
0x70: {  	_ =	shalt  }
0x71: {  	_ =	shalt  }
0x72: {  	_ =	shalt  }
0x73: {  	_ =	shalt  }
0x74: {  	_ =	shalt  }
0x75: {  	_ =	shalt  }
0x76: {  	_ =	shalt  }
0x77: {  	_ =	shalt  }
0x78: {  	_ =	shalt  }
0x79: {  	_ =	shalt  }
0x7a: {  	_ =	shalt  }
0x7b: {  	_ =	shalt  }
0x7c: {  	_ =	shalt  }
0x7d: {  	_ =	shalt  }
0x7e: {  	_ =	shalt  }
0x7f: {  	_ =	shalt  }
0x80: {  	_ =	shalt  }
0x81: {  	_ =	shalt  }
0x82: {  	_ =	shalt  }
0x83: {  	_ =	shalt  }
0x84: {  	_ =	shalt  }
0x85: {  	_ =	shalt  }
0x86: {  	_ =	shalt  }
0x87: {  	_ =	shalt  }
.Lfunc_end0:
.L_simem_size_0:
called_computation_lowered:
.L_overlay_start_0:
0x88: {  	s2 =	sld [smem:$0x3FD9]  }
0x89: {  	s3 =	sld [smem:$0x3FFE];
	_ =	sdelay $0x1  }
0x8a: {  	s1 =	srdreg.scid  }
0x8b: {  	s0 =	sand.u32 $0x1, s1  }
0x8c: {  	s18 =	sshll.u32 s0, $0xA;
	s2 =	sadd.s32 s3, s2  }
0x8d: {  	s2 =	sadd.s32 s2, s18  }
0x8e: {  	[smem:$0x3FC6] =	sst s2  }
0x8f: {  	_ = 	snop  }
0x90: {  	s2 =	sld [smem:$0x3FC9]  }
0x91: {  	s19 =	sld [smem:$0x3FC8]  }
0x92: {  	s4 =	sld [smem:$0x3FD0];
	(tm) =	ssettm $0x1  }
0x93: {  	s5 =	sld [smem:$0x3FFB];
	_ =	sdelay $0x3  }
0x94: {  	_ =	strace s5  }
0x95: {  	s5 =	sld [smem:$0x3FFC];
	_ =	sdelay $0x3  }
0x96: {  	_ =	strace s5  }
0x97: {  	s5 =	sld [smem:$0x3FFD];
	_ =	sdelay $0x3  }
0x98: {  	_ =	strace s5  }
0x99: {  	_ =	strace $0x8FFFFFFF  }
0x9a: {  	s20 =	sld [smem:$0x3FDB];
	_ =	sdelay $0x1  }
0x9b: {  	s6 =	simm.s32 $_scs_section_size  }
0x9c: {  	s7 =	simm.s32 $_size__tile_overlayer_lowered;
	s8 =	simm.s32 $_tile_overlayer_lowered  }
0x9d: {  	s23 =	simm.s32 $0x1BFF;
	s22 =	sshll.u32 s8, $0x1;
	s5 =	sadd.s32 s6, s20  }
0x9e: {  	s9 =	simm.s32 $0x0;
	s21 =	sshll.u32 s7, $0x1;
	s7 =	sadd.s32 s22, s5  }
0x9f: {  	[timem:s9], [sflag:s23] =	dma.local [hbm:s7], s21  }
0xa0: {  	_ =	swait.ge [sflag:s23], s21  }
0xa1: {  	s6 =	ssub.s32 $0x0, s21;
	[sflag:s23] =	ssyncset.done $0x0  }
0xa2: {  	[sflag:s23] =	ssyncadd.s32 s6;
	_ =	sdelay $0x1  }
0xa3: {  	s24 =	simm.s32 $0x1B8B  }
0xa4: {  	_ =	swait.ge [sflag:s24], $0x1  }
0xa5: {  	[sflag:s24] =	ssyncset.done $0x0  }
0xa6: {  	s25 =	simm.s32 $0x1B8E;
	[sflag:s24] =	ssyncadd.s32 $0xFFFFFFFF  }
0xa7: {  	s26 =	simm.s32 $execute0_lowered;
	[smem:$0x3FD2] =	sst s25  }
0xa8: {  	s6 =	sshll.u32 s26, $0x1;
	_ =	strace $0x80000046;
	[dreg:$0x1] =	wrdreg $0xFFFFFFFF  }
0xa9: {  	s28 =	simm.s32 $_size_execute0_lowered;
	s5 =	sadd.s32 s5, s6;
	[dreg:$0x0] =	wrdreg $0x0  }
0xaa: {  	s6 =	sshll.u32 s28, $0x1;
	[dreg:$0x2] =	wrdreg s5  }
0xab: {  	[dreg:$0x3] =	wrdreg s6  }
0xac: {  	[dreg:$0x4] =	wrdreg $0xC0  }
0xad: {  	_ =	task [dreg:s9], $0x5FFFF  }
0xae: {  	[dreg:$0x1] =	wrdreg $0xFFFFFFFF  }
0xaf: {  	[dreg:$0x0] =	wrdreg $0x60  }
0xb0: {  	[dreg:$0x2] =	wrdreg s2  }
0xb1: {  	[dreg:$0x3] =	wrdreg s19  }
0xb2: {  	[dreg:$0x4] =	wrdreg s4  }
0xb3: {  	[dreg:$0x5] =	wrdreg $0x9  }
0xb4: {  	_ =	task.clear_ibuf [dreg:s9], $0x6FFFF;
	_ =	strace $0x90000046  }
0xb5: {  	s29 =	simm.s32 $0x9;
	_ =	strace $0x80000048  }
0xb6: {  	_ =	swait.ge [sflag:s29], $0x1  }
0xb7: {  	[sflag:s29] =	ssyncadd.s32 $0xFFFFFFFF  }
0xb8: {  	_ =	strace $0x90000048  }
0xb9: {  	_ =	sfence  }
0xba: {  	s30 =	sld [smem:$0x0];
	_ =	sdelay $0x2  }
0xbb: {  	s31 =	sshll.u32 s1, $0xD;
	s1 =	sshrl.u32 s1, $0x2  }
0xbc: {  	s3 =	sand.u32 $0x4000, s31;
	s1 =	sadd.s32 s1, s30  }
0xbd: {  	s0 =	sor.u32 s3, s0;
	s1 =	sshll.u32 s1, $0x11  }
0xbe: {  	s0 =	sor.u32 s1, s0  }
0xbf: {  	s0 =	sadd.s32 $0x8F2B, s0  }
0xc0: {  	[sflag:s0] =	ssyncadd.remote.s32 $0x1  }
0xc1: {  	_ =	sfence.sel $0xFFFF  }
0xc2: {  	[dreg:$0x0] =	wrdreg $0xFFFFFFFF;
	(pc) =	sbr.abs _section_cstart, $3  }
0xc3: {  	[dreg:$0x1] =	wrdreg $0xFFFFFFFF  }
0xc4: {  	_ =	task.clear_ibuf [dreg:s9], $0x2FFFF;
	_ =	strace $0x9FFFFFFF  }
0xc5: {  	(tm) =	ssettm $0x7FFFFFFF  }
tec
execute0_lowered:
.L_overlay_start_1:
0x0: {  	(tag) =	ssettag $0x1  }
0x1: {  	s0 =	rddreg [dreg:$0x0]  }
0x2: {  	s1 =	rddreg [dreg:$0x2];
	s2 =	srdreg.scid  }
0x3: {  	s4 =	stileid.u32;
	s3 =	simm.s32 $0x0;
	s28 =	simm.s32 $0x2  }
0x4: {  	s29 =	simm.s32 $0x3;
	s2 =	sand.u32 $0x1, s2;
	s4 =	sshll.u32 s4, $0x1  }
0x5: {  	s30 =	simm.s32 $0x0;
	[smem:$0x7FF] =	sst s3;
	s4 =	sor.u32 s2, s4  }
0x6: {  	_ =	strace $0x80000047;
	s2 =	ssub.s32 $0x2, s2;
	s5 =	sshll.u32 s4, $0x9  }
0x7: {  	s6 =	sshrl.u32 s2, $0x1;
	s7 =	sshll.u32 s4, $0xA;
	s4 =	sshll.u32 s4, $0xE  }
0x8: {  	s8 =	sor.u32 $0x40, s5;
	s2 =	ssub.s32 s2, s6;
	s18 =	sadd.s32 s0, s7  }
0x9: {  	s9 =	sor.u32 $0x80, s5;
	s4 =	sadd.s32 s1, s4;
	s21 =	sor.u32 $0xC0, s5  }
0xa: {  	s13 =	sor.u32 $0x100, s5;
	s15 =	sor.u32 $0x140, s5;
	s24 =	sor.u32 $0x180, s5  }
0xb: {  	s5 =	sor.u32 $0x1C0, s5;
	[dreg:$0x4] =	wrdreg s18;
	s19 =	sshll.u32 s8, $0x1  }
0xc: {  	[dreg:$0x6] =	wrdreg s4;
	s20 =	sshll.u32 s9, $0x1;
	s8 =	sshll.u32 s8, $0x5  }
0xd: {  	s10 =	sshll.u32 s21, $0x1;
	s11 =	sshll.u32 s9, $0x5;
	s22 =	sshll.u32 s13, $0x1  }
0xe: {  	s23 =	sshll.u32 s15, $0x1;
	s14 =	sshll.u32 s13, $0x5;
	s16 =	sshll.u32 s24, $0x1  }
0xf: {  	s17 =	sshll.u32 s15, $0x5;
	s25 =	sshll.u32 s5, $0x1;
	s26 =	sshll.u32 s24, $0x5  }
0x10: {  	s31 =	sshll.u32 s5, $0x5;
	s24 =	simm.s32 $0x400;
	s6 =	sadd.s32 s0, s19  }
0x11: {  	s4 =	sadd.s32 s0, s20;
	s8 =	sadd.s32 s1, s8;
	s9 =	sadd.s32 s0, s10  }
0x12: {  	s10 =	sadd.s32 s1, s11;
	s11 =	sadd.s32 s0, s22;
	s13 =	sadd.s32 s0, s23  }
0x13: {  	s14 =	sadd.s32 s1, s14;
	s15 =	sadd.s32 s0, s16;
	s16 =	sadd.s32 s1, s17  }
0x14: {  	s17 =	sadd.s32 s0, s25;
	s18 =	sadd.s32 s1, s26;
	s19 =	sadd.s32 s1, s31  }
0x15: {  	s20 =	smax.u32 s2, $0x1;
	s22 =	simm.s32 $0x4;
	s23 =	simm.s32 $0x1  }
0x16: {  	s25 =	simm.s32 $0x800;
	[dreg:$0x7] =	wrdreg s4;
	s4 =	sshll.u32 s21, $0x5  }
0x17: {  	s26 =	simm.s32 $0x4800;
	[dreg:$0x5] =	wrdreg s6;
	s12 =	sadd.s32 s1, s4  }
.LBB2_1:
0x18: {  	s0 =	rddreg [dreg:$0x1];
	s1 =	simm.s32 $0x8800  }
0x19: {  	[tilespmem:s1], [sflag:$0x4] =	stream.linear.gather [hbm4b:s0+s3], $0x400, $0x38;
	[tilespmem:$0x8C00] =	vst v63  }
0x1a: {  	_ =	swait.ge [sflag:s22], $0x400  }
0x1b: {  	[sflag:s22] =	ssyncset.done $0x0  }
0x1c: {  	[sflag:s22] =	ssyncadd.s32 $0xFFFFFC00  }
0x1d: {  	v0 =	vld [tilespmem:$0x8800]  }
0x1e: {  	v1 =	vld [tilespmem:$0x8880]  }
0x1f: {  	v2 =	vld [tilespmem:$0x8900]  }
0x20: {  	v3 =	vld [tilespmem:$0x8980]  }
0x21: {  	v5 =	vld [tilespmem:$0x8B80]  }
0x22: {  	v6 =	vld [tilespmem:$0x8B00]  }
0x23: {  	s6 =	rddreg [dreg:$0x4];
	v4 =	vld [tilespmem:$0x8A00]  }
0x24: {  	v7 =	vld [tilespmem:$0x8A80];
	[tilespmem:s3], [sflag:$0x1] =	stream.linear.gather [hbm4b:s6+s3], $0x400, $0x38  }
0x25: {  	_ =	swait.ge [sflag:s23], $0x400  }
0x26: {  	[sflag:s23] =	ssyncset.done $0x0  }
0x27: {  	s7 =	rddreg [dreg:$0x5];
	[sflag:s23] =	ssyncadd.s32 $0xFFFFFC00  }
0x28: {  	[tilespmem:s24], [sflag:$0x1] =	stream.linear.gather [hbm4b:s7+s3], $0x400, $0x38;
	[tilespmem:$0x8C00] =	vst v63  }
0x29: {  	v15 =	vld.idx.msk [tilespmem:v5+s3+$0x0], $0xffff  }
0x2a: {  	v16 =	vld.idx.msk [tilespmem:v6+s3+$0x0], $0xffff  }
0x2b: {  	v13 =	vld.idx.msk [tilespmem:v0+s3+$0x0], $0xffff  }
0x2c: {  	v14 =	vld.idx.msk [tilespmem:v3+s3+$0x0], $0xffff  }
0x2d: {  	v17 =	vld.idx.msk [tilespmem:v2+s3+$0x0], $0xffff  }
0x2e: {  	v18 =	vld.idx.msk [tilespmem:v1+s3+$0x0], $0xffff  }
0x2f: {  	v19 =	vld.idx.msk [tilespmem:v7+s3+$0x0], $0xffff  }
0x30: {  	v20 =	vld.idx.msk [tilespmem:v4+s3+$0x0], $0xffff  }
0x31: {  	v8 =	vadd.s32 $0x10, v0  }
0x32: {  	v9 =	vadd.s32 $0x10, v1;
	v10 =	vadd.s32 $0x10, v2;
	v11 =	vadd.s32 $0x10, v3  }
0x33: {  	v12 =	vadd.s32 $0x10, v4;
	v17 =	vmul.f32 v14, v17;
	v18 =	vmul.f32 v18, v13  }
0x34: {  	v23 =	vadd.s32 s3, v11;
	v13 =	vadd.s32 $0x10, v7;
	v16 =	vmul.f32 v15, v16  }
0x35: {  	v14 =	vadd.s32 $0x10, v6;
	v21 =	vmul.f32 v19, v20;
	v17 =	vmul.f32 v17, v18  }
0x36: {  	v15 =	vadd.s32 $0x10, v5;
	v19 =	vadd.s32 s3, v10;
	v20 =	vadd.s32 s3, v14  }
0x37: {  	v22 =	vadd.s32 s3, v15;
	v16 =	vmul.f32 v16, v21;
	v24 =	vbroadcast v17, $0x0  }
0x38: {  	s21 =	sand.u32 $0x3800, s3;
	v18 =	vadd.s32 s3, v13;
	v26 =	vbroadcast v17, $0x1;
	v25 =	vbroadcast v17, $0xF  }
0x39: {  	s2 =	sand.u32 $0x380, s3;
	s31 =	simm.s32 $0x0;
	s0 =	simm.s32 $0x10;
	v21 =	vadd.s32 s3, v12;
	v28 =	vbroadcast v17, $0xD;
	v27 =	vmul.f32 v16, v24  }
0x3a: {  	s21 =	sor.u32 s2, s21;
	s1 =	simm.s32 $0x0;
	s2 =	simm.s32 $0x0;
	v24 =	vadd.s32 s3, v9;
	v29 =	vmul.f32 v16, v26;
	v26 =	vbroadcast v17, $0x9  }
.LBB2_2:
0x3b: {  	p0 =	sne.s32 s0, $0x3F0;
	v30 =	vadd.s32 s31, v8;
	[tilespmem:s21+$0x800] =	vst v27;
	v27 =	vbroadcast v17, $0xB;
	v28 =	vmul.f32 v16, v28;
	s1 =	sadd.s32 $0x80, s1;
	s2 =	sadd.s32 $0x100, s2  }
0x3c: {  	v31 =	vbroadcast v17, $0xE;
	s31 =	smov.u32 s0;
	s0 =	sadd.s32 $0x10, s0;
	[tilespmem:s21+$0x810] =	vst v29;
	v29 =	vbroadcast v17, $0x3  }
0x3d: {  	v32 =	vbroadcast v17, $0x8;
	v33 =	vbroadcast v17, $0xC;
	[tilespmem:s21+$0xC50] =	vst v28  }
0x3e: {  	v26 =	vmul.f32 v16, v26;
	v28 =	vmul.f32 v16, v31  }
0x3f: {  	v31 =	vbroadcast v17, $0xA;
	v33 =	vmul.f32 v16, v33  }
0x40: {  	v34 =	vbroadcast v17, $0x5;
	v29 =	vmul.f32 v16, v29;
	[tilespmem:s21+$0xC10] =	vst v26  }
0x41: {  	v25 =	vmul.f32 v16, v25;
	v26 =	vbroadcast v17, $0x7;
	[tilespmem:s21+$0xC40] =	vst v33  }
0x42: {  	v33 =	vbroadcast v17, $0x6;
	[tilespmem:s21+$0x830] =	vst v29;
	v29 =	vmul.f32 v16, v34  }
0x43: {  	v34 =	vbroadcast v17, $0x4;
	v26 =	vmul.f32 v16, v26;
	[tilespmem:s21+$0xC70] =	vst v25  }
0x44: {  	v17 =	vbroadcast v17, $0x2;
	v25 =	vmul.f32 v16, v31;
	[tilespmem:s21+$0x850] =	vst v29  }
0x45: {  	v31 =	vmul.f32 v16, v32;
	v29 =	vmul.f32 v16, v33;
	[tilespmem:s21+$0xC60] =	vst v28  }
0x46: {  	v17 =	vmul.f32 v16, v17;
	[tilespmem:s21+$0xC20] =	vst v25;
	v25 =	vmul.f32 v16, v27  }
0x47: {  	v16 =	vmul.f32 v16, v34;
	[tilespmem:s21+$0xC00] =	vst v31  }
0x48: {  	[tilespmem:s21+$0xC30] =	vst v25  }
0x49: {  	[tilespmem:s21+$0x870] =	vst v26  }
0x4a: {  	[tilespmem:s21+$0x860] =	vst v29  }
0x4b: {  	[tilespmem:s21+$0x840] =	vst v16  }
0x4c: {  	[tilespmem:s21+$0x820] =	vst v17  }
0x4d: {  	v16 =	vld.idx.msk [tilespmem:v22+s3+$0x0], $0xffff  }
0x4e: {  	v17 =	vld.idx.msk [tilespmem:v20+s3+$0x0], $0xffff  }
0x4f: {  	v20 =	vld.idx.msk [tilespmem:v30+s3+$0x0], $0xffff  }
0x50: {  	v22 =	vld.idx.msk [tilespmem:v23+s3+$0x0], $0xffff  }
0x51: {  	v19 =	vld.idx.msk [tilespmem:v19+s3+$0x0], $0xffff  }
0x52: {  	v23 =	vld.idx.msk [tilespmem:v24+s3+$0x0], $0xffff  }
0x53: {  	v18 =	vld.idx.msk [tilespmem:v18+s3+$0x0], $0xffff  }
0x54: {  	v16 =	vmul.f32 v16, v17;
	v21 =	vld.idx.msk [tilespmem:v21+s3+$0x0], $0xffff;
	_ =	sdelay $0x2  }
0x55: {  	v17 =	vmul.f32 v22, v19  }
0x56: {  	v19 =	vmul.f32 v23, v20;
	_ =	sdelay $0x1  }
0x57: {  	v17 =	vmul.f32 v17, v19;
	v21 =	vmul.f32 v18, v21  }
.Ltmp0:
0x58: {  	v22 =	vadd.s32 s31, v15;
	v20 =	vadd.s32 s31, v14;
	v18 =	vadd.s32 s31, v13;
	(pc) =	sbr.rel @p0 .LBB2_2-.Ltmp0, $4  }
0x59: {  	v19 =	vadd.s32 s31, v10;
	v16 =	vmul.f32 v16, v21;
	v24 =	vbroadcast v17, $0x0  }
0x5a: {  	v21 =	vadd.s32 s31, v12;
	v26 =	vbroadcast v17, $0x1;
	v25 =	vbroadcast v17, $0xF  }
0x5b: {  	s4 =	sand.u32 $0x3800, s2;
	s5 =	sand.u32 $0x380, s1;
	v23 =	vadd.s32 s31, v11;
	v28 =	vbroadcast v17, $0xD;
	v27 =	vmul.f32 v16, v24  }
0x5c: {  	s21 =	sor.u32 s5, s4;
	v24 =	vadd.s32 s31, v9;
	v29 =	vmul.f32 v16, v26;
	v26 =	vbroadcast v17, $0x9  }
0x5d: {  	[tilespmem:s21+$0x800] =	vst v27;
	v8 =	vmul.f32 v16, v28;
	v9 =	vbroadcast v17, $0xC  }
0x5e: {  	v10 =	vbroadcast v17, $0x3;
	[tilespmem:s21+$0x810] =	vst v29;
	v11 =	vmul.f32 v16, v26  }
0x5f: {  	[tilespmem:s21+$0xC50] =	vst v8;
	v8 =	vmul.f32 v16, v9  }
0x60: {  	v9 =	vmul.f32 v16, v10;
	v10 =	vbroadcast v17, $0x5;
	[tilespmem:s21+$0xC10] =	vst v11  }
0x61: {  	v11 =	vbroadcast v17, $0xE;
	[tilespmem:s21+$0xC40] =	vst v8;
	v8 =	vmul.f32 v16, v25  }
0x62: {  	v12 =	vbroadcast v17, $0xA;
	[tilespmem:s21+$0x830] =	vst v9;
	v9 =	vmul.f32 v16, v10  }
0x63: {  	v10 =	vbroadcast v17, $0x8;
	v11 =	vmul.f32 v16, v11;
	[tilespmem:s21+$0xC70] =	vst v8  }
0x64: {  	v8 =	vbroadcast v17, $0xB;
	[tilespmem:s21+$0x850] =	vst v9;
	v9 =	vmul.f32 v16, v12  }
0x65: {  	v12 =	vbroadcast v17, $0x7;
	v10 =	vmul.f32 v16, v10;
	[tilespmem:s21+$0xC60] =	vst v11  }
0x66: {  	v11 =	vbroadcast v17, $0x6;
	[tilespmem:s21+$0xC20] =	vst v9;
	v8 =	vmul.f32 v16, v8  }
0x67: {  	v9 =	vbroadcast v17, $0x4;
	v12 =	vmul.f32 v16, v12;
	[tilespmem:s21+$0xC00] =	vst v10  }
0x68: {  	v10 =	vbroadcast v17, $0x2;
	v11 =	vmul.f32 v16, v11;
	[tilespmem:s21+$0xC30] =	vst v8  }
0x69: {  	v8 =	vmul.f32 v16, v9;
	[tilespmem:s21+$0x870] =	vst v12  }
0x6a: {  	v9 =	vmul.f32 v16, v10;
	[tilespmem:s21+$0x860] =	vst v11  }
0x6b: {  	[tilespmem:s21+$0x840] =	vst v8  }
0x6c: {  	s31 =	simm.s32 $0x0;
	s0 =	rddreg [dreg:$0x6];
	[tilespmem:s21+$0x820] =	vst v9  }
0x6d: {  	v8 =	vadd.s32 s31, v3;
	[hbm4b:s0+s31] =	stream.linear.scatter [tilespmem:s25], [sflag:$0x2], $0x4000, $0x38;
	[tilespmem:$0x8C00] =	vst v63  }
0x6e: {  	v9 =	vadd.s32 s31, v2;
	_ =	swait.ge [sflag:s23], $0x400  }
0x6f: {  	v10 =	vadd.s32 s31, v0;
	[sflag:s23] =	ssyncset.done $0x0  }
0x70: {  	v11 =	vadd.s32 s31, v5;
	s21 =	rddreg [dreg:$0x7];
	[sflag:s23] =	ssyncadd.s32 $0xFFFFFC00  }
0x71: {  	v12 =	vadd.s32 s31, v1;
	[tilespmem:s31], [sflag:$0x1] =	stream.linear.gather [hbm4b:s21+s31], $0x400, $0x38;
	[tilespmem:$0x8C00] =	vst v63  }
0x72: {  	v14 =	vld.idx.msk [tilespmem:v8+s24+$0x0], $0xffff  }
0x73: {  	v15 =	vld.idx.msk [tilespmem:v9+s24+$0x0], $0xffff  }
0x74: {  	v13 =	vadd.s32 s31, v6;
	v9 =	vld.idx.msk [tilespmem:v10+s24+$0x0], $0xffff  }
0x75: {  	v10 =	vld.idx.msk [tilespmem:v11+s24+$0x0], $0xffff;
	v8 =	vadd.s32 s31, v4  }
0x76: {  	v11 =	vld.idx.msk [tilespmem:v12+s24+$0x0], $0xffff;
	v12 =	vadd.s32 s31, v7;
	_ =	sdelay $0x2  }
0x77: {  	v13 =	vld.idx.msk [tilespmem:v13+s24+$0x0], $0xffff  }
0x78: {  	v8 =	vld.idx.msk [tilespmem:v8+s24+$0x0], $0xffff  }
0x79: {  	v11 =	vmul.f32 v11, v9;
	v9 =	vld.idx.msk [tilespmem:v12+s24+$0x0], $0xffff;
	_ =	sdelay $0x1  }
0x7a: {  	s2 =	simm.s32 $0x10  }
0x7b: {  	s1 =	sand.u32 $0x380, s31;
	s0 =	sand.u32 $0x3800, s31;
	s21 =	simm.s32 $0x0;
	v12 =	vmul.f32 v14, v15;
	v10 =	vmul.f32 v10, v13  }
.LBB2_4:
0x7c: {  	p0 =	sne.s32 s2, $0x3F0  }
0x7d: {  	v11 =	vmul.f32 v12, v11;
	v8 =	vmul.f32 v9, v8;
	s31 =	sadd.s32 $0x80, s31;
	s21 =	sadd.s32 $0x100, s21;
	s4 =	smov.u32 s2  }
0x7e: {  	s2 =	sadd.s32 $0x10, s2;
	s6 =	sand.u32 $0x3800, s21;
	s7 =	sand.u32 $0x380, s31  }
0x7f: {  	v8 =	vmul.f32 v10, v8;
	v9 =	vbroadcast v11, $0xB  }
0x80: {  	v10 =	vbroadcast v11, $0x3;
	v12 =	vbroadcast v11, $0x4  }
0x81: {  	v13 =	vbroadcast v11, $0x5;
	v9 =	vmul.f32 v8, v9  }
0x82: {  	s5 =	sor.u32 s1, s0;
	v14 =	vbroadcast v11, $0x6;
	v15 =	vbroadcast v11, $0x7;
	s0 =	smov.u32 s6;
	s1 =	smov.u32 s7  }
0x83: {  	v16 =	vbroadcast v11, $0x8;
	v13 =	vmul.f32 v8, v13;
	[tilespmem:s5+$0x4C30] =	vst v9  }
0x84: {  	v17 =	vbroadcast v11, $0xA;
	v9 =	vbroadcast v11, $0x9  }
0x85: {  	[tilespmem:s5+$0x4850] =	vst v13;
	v13 =	vmul.f32 v8, v14;
	v14 =	vmul.f32 v8, v16  }
0x86: {  	v9 =	vmul.f32 v8, v9;
	v16 =	vmul.f32 v8, v17  }
0x87: {  	v10 =	vmul.f32 v8, v10;
	v15 =	vmul.f32 v8, v15;
	[tilespmem:s5+$0x4C00] =	vst v14  }
0x88: {  	v12 =	vmul.f32 v8, v12;
	v14 =	vbroadcast v11, $0x0;
	[tilespmem:s5+$0x4C10] =	vst v9  }
0x89: {  	v17 =	vbroadcast v11, $0x2;
	v9 =	vbroadcast v11, $0x1;
	[tilespmem:s5+$0x4C20] =	vst v16  }
0x8a: {  	v16 =	vbroadcast v11, $0xD;
	[tilespmem:s5+$0x4860] =	vst v13;
	v13 =	vbroadcast v11, $0xC  }
0x8b: {  	v14 =	vmul.f32 v8, v14;
	v9 =	vmul.f32 v8, v9;
	[tilespmem:s5+$0x4870] =	vst v15  }
0x8c: {  	v15 =	vadd.s32 s4, v7;
	[tilespmem:s5+$0x4830] =	vst v10;
	v10 =	vmul.f32 v8, v13;
	v13 =	vbroadcast v11, $0xE  }
0x8d: {  	v18 =	vadd.s32 s4, v0;
	v17 =	vmul.f32 v8, v17;
	v11 =	vbroadcast v11, $0xF;
	[tilespmem:s5+$0x4840] =	vst v12  }
0x8e: {  	v12 =	vadd.s32 s4, v6;
	[tilespmem:s5+$0x4810] =	vst v9;
	v9 =	vmul.f32 v8, v16;
	v13 =	vmul.f32 v8, v13  }
0x8f: {  	v19 =	vadd.s32 s4, v2;
	v16 =	vadd.s32 s4, v1;
	v8 =	vmul.f32 v8, v11;
	[tilespmem:s5+$0x4C40] =	vst v10  }
0x90: {  	v10 =	vadd.s32 s4, v4;
	[tilespmem:s5+$0x4820] =	vst v17  }
0x91: {  	v11 =	vadd.s32 s4, v3;
	[tilespmem:s5+$0x4C50] =	vst v9  }
0x92: {  	[tilespmem:s5+$0x4C70] =	vst v8  }
0x93: {  	[tilespmem:s5+$0x4800] =	vst v14  }
0x94: {  	v9 =	vadd.s32 s4, v5;
	[tilespmem:s5+$0x4C60] =	vst v13  }
0x95: {  	v8 =	vld.idx.msk [tilespmem:v10+s24+$0x0], $0xffff  }
0x96: {  	v10 =	vld.idx.msk [tilespmem:v11+s24+$0x0], $0xffff  }
0x97: {  	v13 =	vld.idx.msk [tilespmem:v19+s24+$0x0], $0xffff  }
0x98: {  	v11 =	vld.idx.msk [tilespmem:v18+s24+$0x0], $0xffff  }
0x99: {  	v14 =	vld.idx.msk [tilespmem:v9+s24+$0x0], $0xffff  }
0x9a: {  	v16 =	vld.idx.msk [tilespmem:v16+s24+$0x0], $0xffff  }
0x9b: {  	v17 =	vld.idx.msk [tilespmem:v12+s24+$0x0], $0xffff  }
0x9c: {  	v9 =	vld.idx.msk [tilespmem:v15+s24+$0x0], $0xffff  }
.Ltmp1:
0x9d: {  	(pc) =	sbr.rel @p0 .LBB2_4-.Ltmp1, $3  }
0x9e: {  	_ =	sdelay $0x1  }
0x9f: {  	v12 =	vmul.f32 v10, v13;
	v11 =	vmul.f32 v16, v11  }
0xa0: {  	v10 =	vmul.f32 v14, v17  }
0xa1: {  	v11 =	vmul.f32 v12, v11;
	v8 =	vmul.f32 v9, v8;
	_ =	sdelay $0x1  }
0xa2: {  	v8 =	vmul.f32 v10, v8;
	v9 =	vbroadcast v11, $0xB  }
0xa3: {  	v10 =	vbroadcast v11, $0x5  }
0xa4: {  	v12 =	vbroadcast v11, $0x8;
	v9 =	vmul.f32 v8, v9  }
0xa5: {  	s0 =	sor.u32 s1, s0;
	v14 =	vbroadcast v11, $0x6;
	v10 =	vmul.f32 v8, v10  }
0xa6: {  	v13 =	vbroadcast v11, $0x9;
	v12 =	vmul.f32 v8, v12;
	[tilespmem:s0+$0x4C30] =	vst v9  }
0xa7: {  	v14 =	vmul.f32 v8, v14;
	v9 =	vbroadcast v11, $0xA;
	[tilespmem:s0+$0x4850] =	vst v10  }
0xa8: {  	v10 =	vmul.f32 v8, v13;
	v13 =	vbroadcast v11, $0x7;
	[tilespmem:s0+$0x4C00] =	vst v12  }
0xa9: {  	[tilespmem:s0+$0x4860] =	vst v14;
	v14 =	vbroadcast v11, $0xC;
	v9 =	vmul.f32 v8, v9  }
0xaa: {  	v12 =	vbroadcast v11, $0x3;
	[tilespmem:s0+$0x4C10] =	vst v10;
	v13 =	vmul.f32 v8, v13  }
0xab: {  	v10 =	vbroadcast v11, $0x4;
	v14 =	vmul.f32 v8, v14;
	[tilespmem:s0+$0x4C20] =	vst v9  }
0xac: {  	v9 =	vmul.f32 v8, v12;
	v12 =	vbroadcast v11, $0x1;
	[tilespmem:s0+$0x4870] =	vst v13  }
0xad: {  	v10 =	vmul.f32 v8, v10;
	v13 =	vbroadcast v11, $0x2;
	[tilespmem:s0+$0x4C40] =	vst v14  }
0xae: {  	v12 =	vmul.f32 v8, v12;
	[tilespmem:s0+$0x4830] =	vst v9;
	v9 =	vbroadcast v11, $0xD  }
0xaf: {  	[tilespmem:s0+$0x4840] =	vst v10;
	v10 =	vmul.f32 v8, v13;
	v13 =	vbroadcast v11, $0xF  }
0xb0: {  	[tilespmem:s0+$0x4810] =	vst v12;
	v12 =	vbroadcast v11, $0x0;
	v9 =	vmul.f32 v8, v9  }
0xb1: {  	v11 =	vbroadcast v11, $0xE;
	v13 =	vmul.f32 v8, v13;
	[tilespmem:s0+$0x4820] =	vst v10  }
0xb2: {  	v10 =	vmul.f32 v8, v12;
	[tilespmem:s0+$0x4C50] =	vst v9  }
0xb3: {  	v8 =	vmul.f32 v8, v11;
	[tilespmem:s0+$0x4C70] =	vst v13  }
0xb4: {  	[tilespmem:s0+$0x4800] =	vst v10  }
0xb5: {  	s31 =	simm.s32 $0x0;
	[tilespmem:s0+$0x4C60] =	vst v8  }
0xb6: {  	[hbm4b:s8+s31] =	stream.linear.scatter [tilespmem:s26], [sflag:$0x3], $0x4000, $0x38;
	[tilespmem:$0x8C00] =	vst v63  }
0xb7: {  	_ =	swait.ge [sflag:s23], $0x400  }
0xb8: {  	[sflag:s23] =	ssyncset.done $0x0  }
0xb9: {  	v8 =	vadd.s32 s31, v3;
	[sflag:s23] =	ssyncadd.s32 $0xFFFFFC00  }
0xba: {  	v9 =	vadd.s32 s31, v2;
	[tilespmem:s24], [sflag:$0x1] =	stream.linear.gather [hbm4b:s9+s31], $0x400, $0x38;
	[tilespmem:$0x8C00] =	vst v63  }
0xbb: {  	v10 =	vadd.s32 s31, v0;
	_ =	swait.ge [sflag:s28], $0x4000  }
0xbc: {  	v11 =	vadd.s32 s31, v5;
	[sflag:s28] =	ssyncset.done $0x0  }
0xbd: {  	v12 =	vadd.s32 s31, v1;
	[sflag:s28] =	ssyncadd.s32 $0xFFFFC000  }
0xbe: {  	v14 =	vld.idx.msk [tilespmem:v8+s3+$0x0], $0xffff  }
0xbf: {  	v15 =	vld.idx.msk [tilespmem:v9+s3+$0x0], $0xffff  }
0xc0: {  	v13 =	vadd.s32 s31, v6;
	v9 =	vld.idx.msk [tilespmem:v10+s3+$0x0], $0xffff  }
0xc1: {  	v10 =	vld.idx.msk [tilespmem:v11+s3+$0x0], $0xffff;
	v8 =	vadd.s32 s31, v4  }
0xc2: {  	v11 =	vld.idx.msk [tilespmem:v12+s3+$0x0], $0xffff;
	v12 =	vadd.s32 s31, v7;
	_ =	sdelay $0x2  }
0xc3: {  	v13 =	vld.idx.msk [tilespmem:v13+s3+$0x0], $0xffff  }
0xc4: {  	v8 =	vld.idx.msk [tilespmem:v8+s3+$0x0], $0xffff  }
0xc5: {  	v11 =	vmul.f32 v11, v9;
	v9 =	vld.idx.msk [tilespmem:v12+s3+$0x0], $0xffff;
	_ =	sdelay $0x1  }
0xc6: {  	s2 =	simm.s32 $0x10  }
0xc7: {  	s21 =	simm.s32 $0x0;
	s1 =	sand.u32 $0x380, s31;
	s0 =	sand.u32 $0x3800, s31;
	v12 =	vmul.f32 v14, v15;
	v10 =	vmul.f32 v10, v13  }
.LBB2_6:
0xc8: {  	p0 =	sne.s32 s2, $0x3F0  }
0xc9: {  	v11 =	vmul.f32 v12, v11;
	v8 =	vmul.f32 v9, v8;
	s31 =	sadd.s32 $0x80, s31;
	s21 =	sadd.s32 $0x100, s21;
	s4 =	smov.u32 s2  }
0xca: {  	s2 =	sadd.s32 $0x10, s2;
	s6 =	sand.u32 $0x3800, s21;
	s7 =	sand.u32 $0x380, s31  }
0xcb: {  	v8 =	vmul.f32 v10, v8;
	v9 =	vbroadcast v11, $0xB  }
0xcc: {  	v10 =	vbroadcast v11, $0x3;
	v12 =	vbroadcast v11, $0x4  }
0xcd: {  	v13 =	vbroadcast v11, $0x5;
	v9 =	vmul.f32 v8, v9  }
0xce: {  	s5 =	sor.u32 s1, s0;
	v14 =	vbroadcast v11, $0x6;
	v15 =	vbroadcast v11, $0x7;
	s0 =	smov.u32 s6;
	s1 =	smov.u32 s7  }
0xcf: {  	v16 =	vbroadcast v11, $0x8;
	v13 =	vmul.f32 v8, v13;
	[tilespmem:s5+$0xC30] =	vst v9  }
0xd0: {  	v17 =	vbroadcast v11, $0xA;
	v9 =	vbroadcast v11, $0x9  }
0xd1: {  	[tilespmem:s5+$0x850] =	vst v13;
	v13 =	vmul.f32 v8, v14;
	v14 =	vmul.f32 v8, v16  }
0xd2: {  	v9 =	vmul.f32 v8, v9;
	v16 =	vmul.f32 v8, v17  }
0xd3: {  	v10 =	vmul.f32 v8, v10;
	v15 =	vmul.f32 v8, v15;
	[tilespmem:s5+$0xC00] =	vst v14  }
0xd4: {  	v12 =	vmul.f32 v8, v12;
	v14 =	vbroadcast v11, $0x0;
	[tilespmem:s5+$0xC10] =	vst v9  }
0xd5: {  	v17 =	vbroadcast v11, $0x2;
	v9 =	vbroadcast v11, $0x1;
	[tilespmem:s5+$0xC20] =	vst v16  }
0xd6: {  	v16 =	vbroadcast v11, $0xD;
	[tilespmem:s5+$0x860] =	vst v13;
	v13 =	vbroadcast v11, $0xC  }
0xd7: {  	v14 =	vmul.f32 v8, v14;
	v9 =	vmul.f32 v8, v9;
	[tilespmem:s5+$0x870] =	vst v15  }
0xd8: {  	v15 =	vadd.s32 s4, v7;
	[tilespmem:s5+$0x830] =	vst v10;
	v10 =	vmul.f32 v8, v13;
	v13 =	vbroadcast v11, $0xE  }
0xd9: {  	v18 =	vadd.s32 s4, v0;
	v17 =	vmul.f32 v8, v17;
	v11 =	vbroadcast v11, $0xF;
	[tilespmem:s5+$0x840] =	vst v12  }
0xda: {  	v12 =	vadd.s32 s4, v6;
	[tilespmem:s5+$0x810] =	vst v9;
	v9 =	vmul.f32 v8, v16;
	v13 =	vmul.f32 v8, v13  }
0xdb: {  	v19 =	vadd.s32 s4, v2;
	v16 =	vadd.s32 s4, v1;
	v8 =	vmul.f32 v8, v11;
	[tilespmem:s5+$0xC40] =	vst v10  }
0xdc: {  	v10 =	vadd.s32 s4, v4;
	[tilespmem:s5+$0x820] =	vst v17  }
0xdd: {  	v11 =	vadd.s32 s4, v3;
	[tilespmem:s5+$0xC50] =	vst v9  }
0xde: {  	[tilespmem:s5+$0xC70] =	vst v8  }
0xdf: {  	[tilespmem:s5+$0x800] =	vst v14  }
0xe0: {  	v9 =	vadd.s32 s4, v5;
	[tilespmem:s5+$0xC60] =	vst v13  }
0xe1: {  	v8 =	vld.idx.msk [tilespmem:v10+s3+$0x0], $0xffff  }
0xe2: {  	v10 =	vld.idx.msk [tilespmem:v11+s3+$0x0], $0xffff  }
0xe3: {  	v13 =	vld.idx.msk [tilespmem:v19+s3+$0x0], $0xffff  }
0xe4: {  	v11 =	vld.idx.msk [tilespmem:v18+s3+$0x0], $0xffff  }
0xe5: {  	v14 =	vld.idx.msk [tilespmem:v9+s3+$0x0], $0xffff  }
0xe6: {  	v16 =	vld.idx.msk [tilespmem:v16+s3+$0x0], $0xffff  }
0xe7: {  	v17 =	vld.idx.msk [tilespmem:v12+s3+$0x0], $0xffff  }
0xe8: {  	v9 =	vld.idx.msk [tilespmem:v15+s3+$0x0], $0xffff  }
.Ltmp2:
0xe9: {  	(pc) =	sbr.rel @p0 .LBB2_6-.Ltmp2, $3  }
0xea: {  	_ =	sdelay $0x1  }
0xeb: {  	v12 =	vmul.f32 v10, v13;
	v11 =	vmul.f32 v16, v11  }
0xec: {  	v10 =	vmul.f32 v14, v17  }
0xed: {  	v11 =	vmul.f32 v12, v11;
	v8 =	vmul.f32 v9, v8;
	_ =	sdelay $0x1  }
0xee: {  	v8 =	vmul.f32 v10, v8;
	v9 =	vbroadcast v11, $0xB  }
0xef: {  	v10 =	vbroadcast v11, $0x5  }
0xf0: {  	v12 =	vbroadcast v11, $0x8;
	v9 =	vmul.f32 v8, v9  }
0xf1: {  	s0 =	sor.u32 s1, s0;
	v14 =	vbroadcast v11, $0x6;
	v10 =	vmul.f32 v8, v10  }
0xf2: {  	v13 =	vbroadcast v11, $0x9;
	v12 =	vmul.f32 v8, v12;
	[tilespmem:s0+$0xC30] =	vst v9  }
0xf3: {  	v14 =	vmul.f32 v8, v14;
	v9 =	vbroadcast v11, $0xA;
	[tilespmem:s0+$0x850] =	vst v10  }
0xf4: {  	v10 =	vmul.f32 v8, v13;
	v13 =	vbroadcast v11, $0x7;
	[tilespmem:s0+$0xC00] =	vst v12  }
0xf5: {  	[tilespmem:s0+$0x860] =	vst v14;
	v14 =	vbroadcast v11, $0xC;
	v9 =	vmul.f32 v8, v9  }
0xf6: {  	v12 =	vbroadcast v11, $0x3;
	[tilespmem:s0+$0xC10] =	vst v10;
	v13 =	vmul.f32 v8, v13  }
0xf7: {  	v10 =	vbroadcast v11, $0x4;
	v14 =	vmul.f32 v8, v14;
	[tilespmem:s0+$0xC20] =	vst v9  }
0xf8: {  	v9 =	vmul.f32 v8, v12;
	v12 =	vbroadcast v11, $0x1;
	[tilespmem:s0+$0x870] =	vst v13  }
0xf9: {  	v10 =	vmul.f32 v8, v10;
	v13 =	vbroadcast v11, $0x2;
	[tilespmem:s0+$0xC40] =	vst v14  }
0xfa: {  	v12 =	vmul.f32 v8, v12;
	[tilespmem:s0+$0x830] =	vst v9;
	v9 =	vbroadcast v11, $0xD  }
0xfb: {  	[tilespmem:s0+$0x840] =	vst v10;
	v10 =	vmul.f32 v8, v13;
	v13 =	vbroadcast v11, $0xF  }
0xfc: {  	[tilespmem:s0+$0x810] =	vst v12;
	v12 =	vbroadcast v11, $0x0;
	v9 =	vmul.f32 v8, v9  }
0xfd: {  	v11 =	vbroadcast v11, $0xE;
	v13 =	vmul.f32 v8, v13;
	[tilespmem:s0+$0x820] =	vst v10  }
0xfe: {  	v10 =	vmul.f32 v8, v12;
	[tilespmem:s0+$0xC50] =	vst v9  }
0xff: {  	v8 =	vmul.f32 v8, v11;
	[tilespmem:s0+$0xC70] =	vst v13  }
0x100: {  	[tilespmem:s0+$0x800] =	vst v10  }
0x101: {  	s31 =	simm.s32 $0x0;
	[tilespmem:s0+$0xC60] =	vst v8  }
0x102: {  	[hbm4b:s10+s31] =	stream.linear.scatter [tilespmem:s25], [sflag:$0x2], $0x4000, $0x38;
	[tilespmem:$0x8C00] =	vst v63  }
0x103: {  	_ =	swait.ge [sflag:s23], $0x400  }
0x104: {  	[sflag:s23] =	ssyncset.done $0x0  }
0x105: {  	v8 =	vadd.s32 s31, v3;
	[sflag:s23] =	ssyncadd.s32 $0xFFFFFC00  }
0x106: {  	v9 =	vadd.s32 s31, v2;
	[tilespmem:s31], [sflag:$0x1] =	stream.linear.gather [hbm4b:s11+s31], $0x400, $0x38;
	[tilespmem:$0x8C00] =	vst v63  }
0x107: {  	v10 =	vadd.s32 s31, v0;
	_ =	swait.ge [sflag:s29], $0x4000  }
0x108: {  	v11 =	vadd.s32 s31, v5;
	[sflag:s29] =	ssyncset.done $0x0  }
0x109: {  	v12 =	vadd.s32 s31, v1;
	[sflag:s29] =	ssyncadd.s32 $0xFFFFC000  }
0x10a: {  	v14 =	vld.idx.msk [tilespmem:v8+s24+$0x0], $0xffff  }
0x10b: {  	v15 =	vld.idx.msk [tilespmem:v9+s24+$0x0], $0xffff  }
0x10c: {  	v13 =	vadd.s32 s31, v6;
	v9 =	vld.idx.msk [tilespmem:v10+s24+$0x0], $0xffff  }
0x10d: {  	v10 =	vld.idx.msk [tilespmem:v11+s24+$0x0], $0xffff;
	v8 =	vadd.s32 s31, v4  }
0x10e: {  	v11 =	vld.idx.msk [tilespmem:v12+s24+$0x0], $0xffff;
	v12 =	vadd.s32 s31, v7;
	_ =	sdelay $0x2  }
0x10f: {  	v13 =	vld.idx.msk [tilespmem:v13+s24+$0x0], $0xffff  }
0x110: {  	v8 =	vld.idx.msk [tilespmem:v8+s24+$0x0], $0xffff  }
0x111: {  	v11 =	vmul.f32 v11, v9;
	v9 =	vld.idx.msk [tilespmem:v12+s24+$0x0], $0xffff;
	_ =	sdelay $0x1  }
0x112: {  	s2 =	simm.s32 $0x10  }
0x113: {  	s21 =	simm.s32 $0x0;
	s1 =	sand.u32 $0x380, s31;
	s0 =	sand.u32 $0x3800, s31;
	v12 =	vmul.f32 v14, v15;
	v10 =	vmul.f32 v10, v13  }
.LBB2_8:
0x114: {  	p0 =	sne.s32 s2, $0x3F0  }
0x115: {  	v11 =	vmul.f32 v12, v11;
	v8 =	vmul.f32 v9, v8;
	s31 =	sadd.s32 $0x80, s31;
	s21 =	sadd.s32 $0x100, s21;
	s4 =	smov.u32 s2  }
0x116: {  	s2 =	sadd.s32 $0x10, s2;
	s6 =	sand.u32 $0x3800, s21;
	s7 =	sand.u32 $0x380, s31  }
0x117: {  	v8 =	vmul.f32 v10, v8;
	v9 =	vbroadcast v11, $0xB  }
0x118: {  	v10 =	vbroadcast v11, $0x3;
	v12 =	vbroadcast v11, $0x4  }
0x119: {  	v13 =	vbroadcast v11, $0x5;
	v9 =	vmul.f32 v8, v9  }
0x11a: {  	s5 =	sor.u32 s1, s0;
	v14 =	vbroadcast v11, $0x6;
	v15 =	vbroadcast v11, $0x7;
	s0 =	smov.u32 s6;
	s1 =	smov.u32 s7  }
0x11b: {  	v16 =	vbroadcast v11, $0x8;
	v13 =	vmul.f32 v8, v13;
	[tilespmem:s5+$0x4C30] =	vst v9  }
0x11c: {  	v17 =	vbroadcast v11, $0xA;
	v9 =	vbroadcast v11, $0x9  }
0x11d: {  	[tilespmem:s5+$0x4850] =	vst v13;
	v13 =	vmul.f32 v8, v14;
	v14 =	vmul.f32 v8, v16  }
0x11e: {  	v9 =	vmul.f32 v8, v9;
	v16 =	vmul.f32 v8, v17  }
0x11f: {  	v10 =	vmul.f32 v8, v10;
	v15 =	vmul.f32 v8, v15;
	[tilespmem:s5+$0x4C00] =	vst v14  }
0x120: {  	v12 =	vmul.f32 v8, v12;
	v14 =	vbroadcast v11, $0x0;
	[tilespmem:s5+$0x4C10] =	vst v9  }
0x121: {  	v17 =	vbroadcast v11, $0x2;
	v9 =	vbroadcast v11, $0x1;
	[tilespmem:s5+$0x4C20] =	vst v16  }
0x122: {  	v16 =	vbroadcast v11, $0xD;
	[tilespmem:s5+$0x4860] =	vst v13;
	v13 =	vbroadcast v11, $0xC  }
0x123: {  	v14 =	vmul.f32 v8, v14;
	v9 =	vmul.f32 v8, v9;
	[tilespmem:s5+$0x4870] =	vst v15  }
0x124: {  	v15 =	vadd.s32 s4, v7;
	[tilespmem:s5+$0x4830] =	vst v10;
	v10 =	vmul.f32 v8, v13;
	v13 =	vbroadcast v11, $0xE  }
0x125: {  	v18 =	vadd.s32 s4, v0;
	v17 =	vmul.f32 v8, v17;
	v11 =	vbroadcast v11, $0xF;
	[tilespmem:s5+$0x4840] =	vst v12  }
0x126: {  	v12 =	vadd.s32 s4, v6;
	[tilespmem:s5+$0x4810] =	vst v9;
	v9 =	vmul.f32 v8, v16;
	v13 =	vmul.f32 v8, v13  }
0x127: {  	v19 =	vadd.s32 s4, v2;
	v16 =	vadd.s32 s4, v1;
	v8 =	vmul.f32 v8, v11;
	[tilespmem:s5+$0x4C40] =	vst v10  }
0x128: {  	v10 =	vadd.s32 s4, v4;
	[tilespmem:s5+$0x4820] =	vst v17  }
0x129: {  	v11 =	vadd.s32 s4, v3;
	[tilespmem:s5+$0x4C50] =	vst v9  }
0x12a: {  	[tilespmem:s5+$0x4C70] =	vst v8  }
0x12b: {  	[tilespmem:s5+$0x4800] =	vst v14  }
0x12c: {  	v9 =	vadd.s32 s4, v5;
	[tilespmem:s5+$0x4C60] =	vst v13  }
0x12d: {  	v8 =	vld.idx.msk [tilespmem:v10+s24+$0x0], $0xffff  }
0x12e: {  	v10 =	vld.idx.msk [tilespmem:v11+s24+$0x0], $0xffff  }
0x12f: {  	v13 =	vld.idx.msk [tilespmem:v19+s24+$0x0], $0xffff  }
0x130: {  	v11 =	vld.idx.msk [tilespmem:v18+s24+$0x0], $0xffff  }
0x131: {  	v14 =	vld.idx.msk [tilespmem:v9+s24+$0x0], $0xffff  }
0x132: {  	v16 =	vld.idx.msk [tilespmem:v16+s24+$0x0], $0xffff  }
0x133: {  	v17 =	vld.idx.msk [tilespmem:v12+s24+$0x0], $0xffff  }
0x134: {  	v9 =	vld.idx.msk [tilespmem:v15+s24+$0x0], $0xffff  }
.Ltmp3:
0x135: {  	(pc) =	sbr.rel @p0 .LBB2_8-.Ltmp3, $3  }
0x136: {  	_ =	sdelay $0x1  }
0x137: {  	v12 =	vmul.f32 v10, v13;
	v11 =	vmul.f32 v16, v11  }
0x138: {  	v10 =	vmul.f32 v14, v17  }
0x139: {  	v11 =	vmul.f32 v12, v11;
	v8 =	vmul.f32 v9, v8;
	_ =	sdelay $0x1  }
0x13a: {  	v8 =	vmul.f32 v10, v8;
	v9 =	vbroadcast v11, $0xB  }
0x13b: {  	v10 =	vbroadcast v11, $0x5  }
0x13c: {  	v12 =	vbroadcast v11, $0x8;
	v9 =	vmul.f32 v8, v9  }
0x13d: {  	s0 =	sor.u32 s1, s0;
	v14 =	vbroadcast v11, $0x6;
	v10 =	vmul.f32 v8, v10  }
0x13e: {  	v13 =	vbroadcast v11, $0x9;
	v12 =	vmul.f32 v8, v12;
	[tilespmem:s0+$0x4C30] =	vst v9  }
0x13f: {  	v14 =	vmul.f32 v8, v14;
	v9 =	vbroadcast v11, $0xA;
	[tilespmem:s0+$0x4850] =	vst v10  }
0x140: {  	v10 =	vmul.f32 v8, v13;
	v13 =	vbroadcast v11, $0x7;
	[tilespmem:s0+$0x4C00] =	vst v12  }
0x141: {  	[tilespmem:s0+$0x4860] =	vst v14;
	v14 =	vbroadcast v11, $0xC;
	v9 =	vmul.f32 v8, v9  }
0x142: {  	v12 =	vbroadcast v11, $0x3;
	[tilespmem:s0+$0x4C10] =	vst v10;
	v13 =	vmul.f32 v8, v13  }
0x143: {  	v10 =	vbroadcast v11, $0x4;
	v14 =	vmul.f32 v8, v14;
	[tilespmem:s0+$0x4C20] =	vst v9  }
0x144: {  	v9 =	vmul.f32 v8, v12;
	v12 =	vbroadcast v11, $0x1;
	[tilespmem:s0+$0x4870] =	vst v13  }
0x145: {  	v10 =	vmul.f32 v8, v10;
	v13 =	vbroadcast v11, $0x2;
	[tilespmem:s0+$0x4C40] =	vst v14  }
0x146: {  	v12 =	vmul.f32 v8, v12;
	[tilespmem:s0+$0x4830] =	vst v9;
	v9 =	vbroadcast v11, $0xD  }
0x147: {  	[tilespmem:s0+$0x4840] =	vst v10;
	v10 =	vmul.f32 v8, v13;
	v13 =	vbroadcast v11, $0xF  }
0x148: {  	[tilespmem:s0+$0x4810] =	vst v12;
	v12 =	vbroadcast v11, $0x0;
	v9 =	vmul.f32 v8, v9  }
0x149: {  	v11 =	vbroadcast v11, $0xE;
	v13 =	vmul.f32 v8, v13;
	[tilespmem:s0+$0x4820] =	vst v10  }
0x14a: {  	v10 =	vmul.f32 v8, v12;
	[tilespmem:s0+$0x4C50] =	vst v9  }
0x14b: {  	v8 =	vmul.f32 v8, v11;
	[tilespmem:s0+$0x4C70] =	vst v13  }
0x14c: {  	[tilespmem:s0+$0x4800] =	vst v10  }
0x14d: {  	s31 =	simm.s32 $0x0;
	[tilespmem:s0+$0x4C60] =	vst v8  }
0x14e: {  	[hbm4b:s12+s31] =	stream.linear.scatter [tilespmem:s26], [sflag:$0x3], $0x4000, $0x38;
	[tilespmem:$0x8C00] =	vst v63  }
0x14f: {  	_ =	swait.ge [sflag:s23], $0x400  }
0x150: {  	[sflag:s23] =	ssyncset.done $0x0  }
0x151: {  	v8 =	vadd.s32 s31, v3;
	[sflag:s23] =	ssyncadd.s32 $0xFFFFFC00  }
0x152: {  	v9 =	vadd.s32 s31, v2;
	[tilespmem:s24], [sflag:$0x1] =	stream.linear.gather [hbm4b:s13+s31], $0x400, $0x38;
	[tilespmem:$0x8C00] =	vst v63  }
0x153: {  	v10 =	vadd.s32 s31, v0;
	_ =	swait.ge [sflag:s28], $0x4000  }
0x154: {  	v11 =	vadd.s32 s31, v5;
	[sflag:s28] =	ssyncset.done $0x0  }
0x155: {  	v12 =	vadd.s32 s31, v1;
	[sflag:s28] =	ssyncadd.s32 $0xFFFFC000  }
0x156: {  	v14 =	vld.idx.msk [tilespmem:v8+s3+$0x0], $0xffff  }
0x157: {  	v15 =	vld.idx.msk [tilespmem:v9+s3+$0x0], $0xffff  }
0x158: {  	v13 =	vadd.s32 s31, v6;
	v9 =	vld.idx.msk [tilespmem:v10+s3+$0x0], $0xffff  }
0x159: {  	v10 =	vld.idx.msk [tilespmem:v11+s3+$0x0], $0xffff;
	v8 =	vadd.s32 s31, v4  }
0x15a: {  	v11 =	vld.idx.msk [tilespmem:v12+s3+$0x0], $0xffff;
	v12 =	vadd.s32 s31, v7;
	_ =	sdelay $0x2  }
0x15b: {  	v13 =	vld.idx.msk [tilespmem:v13+s3+$0x0], $0xffff  }
0x15c: {  	v8 =	vld.idx.msk [tilespmem:v8+s3+$0x0], $0xffff  }
0x15d: {  	v11 =	vmul.f32 v11, v9;
	v9 =	vld.idx.msk [tilespmem:v12+s3+$0x0], $0xffff;
	_ =	sdelay $0x1  }
0x15e: {  	s2 =	simm.s32 $0x10  }
0x15f: {  	s21 =	simm.s32 $0x0;
	s1 =	sand.u32 $0x380, s31;
	s0 =	sand.u32 $0x3800, s31;
	v12 =	vmul.f32 v14, v15;
	v10 =	vmul.f32 v10, v13  }
.LBB2_10:
0x160: {  	p0 =	sne.s32 s2, $0x3F0  }
0x161: {  	v11 =	vmul.f32 v12, v11;
	v8 =	vmul.f32 v9, v8;
	s31 =	sadd.s32 $0x80, s31;
	s21 =	sadd.s32 $0x100, s21;
	s4 =	smov.u32 s2  }
0x162: {  	s2 =	sadd.s32 $0x10, s2;
	s6 =	sand.u32 $0x3800, s21;
	s7 =	sand.u32 $0x380, s31  }
0x163: {  	v8 =	vmul.f32 v10, v8;
	v9 =	vbroadcast v11, $0xB  }
0x164: {  	v10 =	vbroadcast v11, $0x3;
	v12 =	vbroadcast v11, $0x4  }
0x165: {  	v13 =	vbroadcast v11, $0x5;
	v9 =	vmul.f32 v8, v9  }
0x166: {  	s5 =	sor.u32 s1, s0;
	v14 =	vbroadcast v11, $0x6;
	v15 =	vbroadcast v11, $0x7;
	s0 =	smov.u32 s6;
	s1 =	smov.u32 s7  }
0x167: {  	v16 =	vbroadcast v11, $0x8;
	v13 =	vmul.f32 v8, v13;
	[tilespmem:s5+$0xC30] =	vst v9  }
0x168: {  	v17 =	vbroadcast v11, $0xA;
	v9 =	vbroadcast v11, $0x9  }
0x169: {  	[tilespmem:s5+$0x850] =	vst v13;
	v13 =	vmul.f32 v8, v14;
	v14 =	vmul.f32 v8, v16  }
0x16a: {  	v9 =	vmul.f32 v8, v9;
	v16 =	vmul.f32 v8, v17  }
0x16b: {  	v10 =	vmul.f32 v8, v10;
	v15 =	vmul.f32 v8, v15;
	[tilespmem:s5+$0xC00] =	vst v14  }
0x16c: {  	v12 =	vmul.f32 v8, v12;
	v14 =	vbroadcast v11, $0x0;
	[tilespmem:s5+$0xC10] =	vst v9  }
0x16d: {  	v17 =	vbroadcast v11, $0x2;
	v9 =	vbroadcast v11, $0x1;
	[tilespmem:s5+$0xC20] =	vst v16  }
0x16e: {  	v16 =	vbroadcast v11, $0xD;
	[tilespmem:s5+$0x860] =	vst v13;
	v13 =	vbroadcast v11, $0xC  }
0x16f: {  	v14 =	vmul.f32 v8, v14;
	v9 =	vmul.f32 v8, v9;
	[tilespmem:s5+$0x870] =	vst v15  }
0x170: {  	v15 =	vadd.s32 s4, v7;
	[tilespmem:s5+$0x830] =	vst v10;
	v10 =	vmul.f32 v8, v13;
	v13 =	vbroadcast v11, $0xE  }
0x171: {  	v18 =	vadd.s32 s4, v0;
	v17 =	vmul.f32 v8, v17;
	v11 =	vbroadcast v11, $0xF;
	[tilespmem:s5+$0x840] =	vst v12  }
0x172: {  	v12 =	vadd.s32 s4, v6;
	[tilespmem:s5+$0x810] =	vst v9;
	v9 =	vmul.f32 v8, v16;
	v13 =	vmul.f32 v8, v13  }
0x173: {  	v19 =	vadd.s32 s4, v2;
	v16 =	vadd.s32 s4, v1;
	v8 =	vmul.f32 v8, v11;
	[tilespmem:s5+$0xC40] =	vst v10  }
0x174: {  	v10 =	vadd.s32 s4, v4;
	[tilespmem:s5+$0x820] =	vst v17  }
0x175: {  	v11 =	vadd.s32 s4, v3;
	[tilespmem:s5+$0xC50] =	vst v9  }
0x176: {  	[tilespmem:s5+$0xC70] =	vst v8  }
0x177: {  	[tilespmem:s5+$0x800] =	vst v14  }
0x178: {  	v9 =	vadd.s32 s4, v5;
	[tilespmem:s5+$0xC60] =	vst v13  }
0x179: {  	v8 =	vld.idx.msk [tilespmem:v10+s3+$0x0], $0xffff  }
0x17a: {  	v10 =	vld.idx.msk [tilespmem:v11+s3+$0x0], $0xffff  }
0x17b: {  	v13 =	vld.idx.msk [tilespmem:v19+s3+$0x0], $0xffff  }
0x17c: {  	v11 =	vld.idx.msk [tilespmem:v18+s3+$0x0], $0xffff  }
0x17d: {  	v14 =	vld.idx.msk [tilespmem:v9+s3+$0x0], $0xffff  }
0x17e: {  	v16 =	vld.idx.msk [tilespmem:v16+s3+$0x0], $0xffff  }
0x17f: {  	v17 =	vld.idx.msk [tilespmem:v12+s3+$0x0], $0xffff  }
0x180: {  	v9 =	vld.idx.msk [tilespmem:v15+s3+$0x0], $0xffff  }
.Ltmp4:
0x181: {  	(pc) =	sbr.rel @p0 .LBB2_10-.Ltmp4, $3  }
0x182: {  	_ =	sdelay $0x1  }
0x183: {  	v12 =	vmul.f32 v10, v13;
	v11 =	vmul.f32 v16, v11  }
0x184: {  	v10 =	vmul.f32 v14, v17  }
0x185: {  	v11 =	vmul.f32 v12, v11;
	v8 =	vmul.f32 v9, v8;
	_ =	sdelay $0x1  }
0x186: {  	v8 =	vmul.f32 v10, v8;
	v9 =	vbroadcast v11, $0xB  }
0x187: {  	v10 =	vbroadcast v11, $0x5  }
0x188: {  	v12 =	vbroadcast v11, $0x8;
	v9 =	vmul.f32 v8, v9  }
0x189: {  	s0 =	sor.u32 s1, s0;
	v14 =	vbroadcast v11, $0x6;
	v10 =	vmul.f32 v8, v10  }
0x18a: {  	v13 =	vbroadcast v11, $0x9;
	v12 =	vmul.f32 v8, v12;
	[tilespmem:s0+$0xC30] =	vst v9  }
0x18b: {  	v14 =	vmul.f32 v8, v14;
	v9 =	vbroadcast v11, $0xA;
	[tilespmem:s0+$0x850] =	vst v10  }
0x18c: {  	v10 =	vmul.f32 v8, v13;
	v13 =	vbroadcast v11, $0x7;
	[tilespmem:s0+$0xC00] =	vst v12  }
0x18d: {  	[tilespmem:s0+$0x860] =	vst v14;
	v14 =	vbroadcast v11, $0xC;
	v9 =	vmul.f32 v8, v9  }
0x18e: {  	v12 =	vbroadcast v11, $0x3;
	[tilespmem:s0+$0xC10] =	vst v10;
	v13 =	vmul.f32 v8, v13  }
0x18f: {  	v10 =	vbroadcast v11, $0x4;
	v14 =	vmul.f32 v8, v14;
	[tilespmem:s0+$0xC20] =	vst v9  }
0x190: {  	v9 =	vmul.f32 v8, v12;
	v12 =	vbroadcast v11, $0x1;
	[tilespmem:s0+$0x870] =	vst v13  }
0x191: {  	v10 =	vmul.f32 v8, v10;
	v13 =	vbroadcast v11, $0x2;
	[tilespmem:s0+$0xC40] =	vst v14  }
0x192: {  	v12 =	vmul.f32 v8, v12;
	[tilespmem:s0+$0x830] =	vst v9;
	v9 =	vbroadcast v11, $0xD  }
0x193: {  	[tilespmem:s0+$0x840] =	vst v10;
	v10 =	vmul.f32 v8, v13;
	v13 =	vbroadcast v11, $0xF  }
0x194: {  	[tilespmem:s0+$0x810] =	vst v12;
	v12 =	vbroadcast v11, $0x0;
	v9 =	vmul.f32 v8, v9  }
0x195: {  	v11 =	vbroadcast v11, $0xE;
	v13 =	vmul.f32 v8, v13;
	[tilespmem:s0+$0x820] =	vst v10  }
0x196: {  	v10 =	vmul.f32 v8, v12;
	[tilespmem:s0+$0xC50] =	vst v9  }
0x197: {  	v8 =	vmul.f32 v8, v11;
	[tilespmem:s0+$0xC70] =	vst v13  }
0x198: {  	[tilespmem:s0+$0x800] =	vst v10  }
0x199: {  	s31 =	simm.s32 $0x0;
	[tilespmem:s0+$0xC60] =	vst v8  }
0x19a: {  	[hbm4b:s14+s31] =	stream.linear.scatter [tilespmem:s25], [sflag:$0x2], $0x4000, $0x38;
	[tilespmem:$0x8C00] =	vst v63  }
0x19b: {  	_ =	swait.ge [sflag:s23], $0x400  }
0x19c: {  	[sflag:s23] =	ssyncset.done $0x0  }
0x19d: {  	v8 =	vadd.s32 s31, v3;
	[sflag:s23] =	ssyncadd.s32 $0xFFFFFC00  }
0x19e: {  	v9 =	vadd.s32 s31, v2;
	[tilespmem:s31], [sflag:$0x1] =	stream.linear.gather [hbm4b:s15+s31], $0x400, $0x38;
	[tilespmem:$0x8C00] =	vst v63  }
0x19f: {  	v10 =	vadd.s32 s31, v0;
	_ =	swait.ge [sflag:s29], $0x4000  }
0x1a0: {  	v11 =	vadd.s32 s31, v5;
	[sflag:s29] =	ssyncset.done $0x0  }
0x1a1: {  	v12 =	vadd.s32 s31, v1;
	[sflag:s29] =	ssyncadd.s32 $0xFFFFC000  }
0x1a2: {  	v14 =	vld.idx.msk [tilespmem:v8+s24+$0x0], $0xffff  }
0x1a3: {  	v15 =	vld.idx.msk [tilespmem:v9+s24+$0x0], $0xffff  }
0x1a4: {  	v13 =	vadd.s32 s31, v6;
	v9 =	vld.idx.msk [tilespmem:v10+s24+$0x0], $0xffff  }
0x1a5: {  	v10 =	vld.idx.msk [tilespmem:v11+s24+$0x0], $0xffff;
	v8 =	vadd.s32 s31, v4  }
0x1a6: {  	v11 =	vld.idx.msk [tilespmem:v12+s24+$0x0], $0xffff;
	v12 =	vadd.s32 s31, v7;
	_ =	sdelay $0x2  }
0x1a7: {  	v13 =	vld.idx.msk [tilespmem:v13+s24+$0x0], $0xffff  }
0x1a8: {  	v8 =	vld.idx.msk [tilespmem:v8+s24+$0x0], $0xffff  }
0x1a9: {  	v11 =	vmul.f32 v11, v9;
	v9 =	vld.idx.msk [tilespmem:v12+s24+$0x0], $0xffff;
	_ =	sdelay $0x1  }
0x1aa: {  	s2 =	simm.s32 $0x10  }
0x1ab: {  	s21 =	simm.s32 $0x0;
	s1 =	sand.u32 $0x380, s31;
	s0 =	sand.u32 $0x3800, s31;
	v12 =	vmul.f32 v14, v15;
	v10 =	vmul.f32 v10, v13  }
.LBB2_12:
0x1ac: {  	p0 =	sne.s32 s2, $0x3F0  }
0x1ad: {  	v11 =	vmul.f32 v12, v11;
	v8 =	vmul.f32 v9, v8;
	s31 =	sadd.s32 $0x80, s31;
	s21 =	sadd.s32 $0x100, s21;
	s4 =	smov.u32 s2  }
0x1ae: {  	s2 =	sadd.s32 $0x10, s2;
	s6 =	sand.u32 $0x3800, s21;
	s7 =	sand.u32 $0x380, s31  }
0x1af: {  	v8 =	vmul.f32 v10, v8;
	v9 =	vbroadcast v11, $0xB  }
0x1b0: {  	v10 =	vbroadcast v11, $0x3;
	v12 =	vbroadcast v11, $0x4  }
0x1b1: {  	v13 =	vbroadcast v11, $0x5;
	v9 =	vmul.f32 v8, v9  }
0x1b2: {  	s5 =	sor.u32 s1, s0;
	v14 =	vbroadcast v11, $0x6;
	v15 =	vbroadcast v11, $0x7;
	s0 =	smov.u32 s6;
	s1 =	smov.u32 s7  }
0x1b3: {  	v16 =	vbroadcast v11, $0x8;
	v13 =	vmul.f32 v8, v13;
	[tilespmem:s5+$0x4C30] =	vst v9  }
0x1b4: {  	v17 =	vbroadcast v11, $0xA;
	v9 =	vbroadcast v11, $0x9  }
0x1b5: {  	[tilespmem:s5+$0x4850] =	vst v13;
	v13 =	vmul.f32 v8, v14;
	v14 =	vmul.f32 v8, v16  }
0x1b6: {  	v9 =	vmul.f32 v8, v9;
	v16 =	vmul.f32 v8, v17  }
0x1b7: {  	v10 =	vmul.f32 v8, v10;
	v15 =	vmul.f32 v8, v15;
	[tilespmem:s5+$0x4C00] =	vst v14  }
0x1b8: {  	v12 =	vmul.f32 v8, v12;
	v14 =	vbroadcast v11, $0x0;
	[tilespmem:s5+$0x4C10] =	vst v9  }
0x1b9: {  	v17 =	vbroadcast v11, $0x2;
	v9 =	vbroadcast v11, $0x1;
	[tilespmem:s5+$0x4C20] =	vst v16  }
0x1ba: {  	v16 =	vbroadcast v11, $0xD;
	[tilespmem:s5+$0x4860] =	vst v13;
	v13 =	vbroadcast v11, $0xC  }
0x1bb: {  	v14 =	vmul.f32 v8, v14;
	v9 =	vmul.f32 v8, v9;
	[tilespmem:s5+$0x4870] =	vst v15  }
0x1bc: {  	v15 =	vadd.s32 s4, v7;
	[tilespmem:s5+$0x4830] =	vst v10;
	v10 =	vmul.f32 v8, v13;
	v13 =	vbroadcast v11, $0xE  }
0x1bd: {  	v18 =	vadd.s32 s4, v0;
	v17 =	vmul.f32 v8, v17;
	v11 =	vbroadcast v11, $0xF;
	[tilespmem:s5+$0x4840] =	vst v12  }
0x1be: {  	v12 =	vadd.s32 s4, v6;
	[tilespmem:s5+$0x4810] =	vst v9;
	v9 =	vmul.f32 v8, v16;
	v13 =	vmul.f32 v8, v13  }
0x1bf: {  	v19 =	vadd.s32 s4, v2;
	v16 =	vadd.s32 s4, v1;
	v8 =	vmul.f32 v8, v11;
	[tilespmem:s5+$0x4C40] =	vst v10  }
0x1c0: {  	v10 =	vadd.s32 s4, v4;
	[tilespmem:s5+$0x4820] =	vst v17  }
0x1c1: {  	v11 =	vadd.s32 s4, v3;
	[tilespmem:s5+$0x4C50] =	vst v9  }
0x1c2: {  	[tilespmem:s5+$0x4C70] =	vst v8  }
0x1c3: {  	[tilespmem:s5+$0x4800] =	vst v14  }
0x1c4: {  	v9 =	vadd.s32 s4, v5;
	[tilespmem:s5+$0x4C60] =	vst v13  }
0x1c5: {  	v8 =	vld.idx.msk [tilespmem:v10+s24+$0x0], $0xffff  }
0x1c6: {  	v10 =	vld.idx.msk [tilespmem:v11+s24+$0x0], $0xffff  }
0x1c7: {  	v13 =	vld.idx.msk [tilespmem:v19+s24+$0x0], $0xffff  }
0x1c8: {  	v11 =	vld.idx.msk [tilespmem:v18+s24+$0x0], $0xffff  }
0x1c9: {  	v14 =	vld.idx.msk [tilespmem:v9+s24+$0x0], $0xffff  }
0x1ca: {  	v16 =	vld.idx.msk [tilespmem:v16+s24+$0x0], $0xffff  }
0x1cb: {  	v17 =	vld.idx.msk [tilespmem:v12+s24+$0x0], $0xffff  }
0x1cc: {  	v9 =	vld.idx.msk [tilespmem:v15+s24+$0x0], $0xffff  }
.Ltmp5:
0x1cd: {  	(pc) =	sbr.rel @p0 .LBB2_12-.Ltmp5, $3  }
0x1ce: {  	_ =	sdelay $0x1  }
0x1cf: {  	v12 =	vmul.f32 v10, v13;
	v11 =	vmul.f32 v16, v11  }
0x1d0: {  	v10 =	vmul.f32 v14, v17  }
0x1d1: {  	v11 =	vmul.f32 v12, v11;
	v8 =	vmul.f32 v9, v8;
	_ =	sdelay $0x1  }
0x1d2: {  	v8 =	vmul.f32 v10, v8;
	v9 =	vbroadcast v11, $0xB  }
0x1d3: {  	v10 =	vbroadcast v11, $0x5  }
0x1d4: {  	v12 =	vbroadcast v11, $0x8;
	v9 =	vmul.f32 v8, v9  }
0x1d5: {  	s0 =	sor.u32 s1, s0;
	v14 =	vbroadcast v11, $0x6;
	v10 =	vmul.f32 v8, v10  }
0x1d6: {  	v13 =	vbroadcast v11, $0x9;
	v12 =	vmul.f32 v8, v12;
	[tilespmem:s0+$0x4C30] =	vst v9  }
0x1d7: {  	v14 =	vmul.f32 v8, v14;
	v9 =	vbroadcast v11, $0xA;
	[tilespmem:s0+$0x4850] =	vst v10  }
0x1d8: {  	v10 =	vmul.f32 v8, v13;
	v13 =	vbroadcast v11, $0x7;
	[tilespmem:s0+$0x4C00] =	vst v12  }
0x1d9: {  	[tilespmem:s0+$0x4860] =	vst v14;
	v14 =	vbroadcast v11, $0xC;
	v9 =	vmul.f32 v8, v9  }
0x1da: {  	v12 =	vbroadcast v11, $0x3;
	[tilespmem:s0+$0x4C10] =	vst v10;
	v13 =	vmul.f32 v8, v13  }
0x1db: {  	v10 =	vbroadcast v11, $0x4;
	v14 =	vmul.f32 v8, v14;
	[tilespmem:s0+$0x4C20] =	vst v9  }
0x1dc: {  	v9 =	vmul.f32 v8, v12;
	v12 =	vbroadcast v11, $0x1;
	[tilespmem:s0+$0x4870] =	vst v13  }
0x1dd: {  	v10 =	vmul.f32 v8, v10;
	v13 =	vbroadcast v11, $0x2;
	[tilespmem:s0+$0x4C40] =	vst v14  }
0x1de: {  	v12 =	vmul.f32 v8, v12;
	[tilespmem:s0+$0x4830] =	vst v9;
	v9 =	vbroadcast v11, $0xD  }
0x1df: {  	[tilespmem:s0+$0x4840] =	vst v10;
	v10 =	vmul.f32 v8, v13;
	v13 =	vbroadcast v11, $0xF  }
0x1e0: {  	[tilespmem:s0+$0x4810] =	vst v12;
	v12 =	vbroadcast v11, $0x0;
	v9 =	vmul.f32 v8, v9  }
0x1e1: {  	v11 =	vbroadcast v11, $0xE;
	v13 =	vmul.f32 v8, v13;
	[tilespmem:s0+$0x4820] =	vst v10  }
0x1e2: {  	v10 =	vmul.f32 v8, v12;
	[tilespmem:s0+$0x4C50] =	vst v9  }
0x1e3: {  	v8 =	vmul.f32 v8, v11;
	[tilespmem:s0+$0x4C70] =	vst v13  }
0x1e4: {  	[tilespmem:s0+$0x4800] =	vst v10  }
0x1e5: {  	s31 =	simm.s32 $0x0;
	[tilespmem:s0+$0x4C60] =	vst v8  }
0x1e6: {  	[hbm4b:s16+s31] =	stream.linear.scatter [tilespmem:s26], [sflag:$0x3], $0x4000, $0x38;
	[tilespmem:$0x8C00] =	vst v63  }
0x1e7: {  	_ =	swait.ge [sflag:s23], $0x400  }
0x1e8: {  	[sflag:s23] =	ssyncset.done $0x0  }
0x1e9: {  	v8 =	vadd.s32 s31, v3;
	[sflag:s23] =	ssyncadd.s32 $0xFFFFFC00  }
0x1ea: {  	v9 =	vadd.s32 s31, v2;
	[tilespmem:s24], [sflag:$0x1] =	stream.linear.gather [hbm4b:s17+s31], $0x400, $0x38;
	[tilespmem:$0x8C00] =	vst v63  }
0x1eb: {  	v10 =	vadd.s32 s31, v0;
	_ =	swait.ge [sflag:s28], $0x4000  }
0x1ec: {  	v11 =	vadd.s32 s31, v5;
	[sflag:s28] =	ssyncset.done $0x0  }
0x1ed: {  	v12 =	vadd.s32 s31, v1;
	[sflag:s28] =	ssyncadd.s32 $0xFFFFC000  }
0x1ee: {  	v14 =	vld.idx.msk [tilespmem:v8+s3+$0x0], $0xffff  }
0x1ef: {  	v15 =	vld.idx.msk [tilespmem:v9+s3+$0x0], $0xffff  }
0x1f0: {  	v13 =	vadd.s32 s31, v6;
	v9 =	vld.idx.msk [tilespmem:v10+s3+$0x0], $0xffff  }
0x1f1: {  	v10 =	vld.idx.msk [tilespmem:v11+s3+$0x0], $0xffff;
	v8 =	vadd.s32 s31, v4  }
0x1f2: {  	v11 =	vld.idx.msk [tilespmem:v12+s3+$0x0], $0xffff;
	v12 =	vadd.s32 s31, v7;
	_ =	sdelay $0x2  }
0x1f3: {  	v13 =	vld.idx.msk [tilespmem:v13+s3+$0x0], $0xffff  }
0x1f4: {  	v8 =	vld.idx.msk [tilespmem:v8+s3+$0x0], $0xffff  }
0x1f5: {  	v11 =	vmul.f32 v11, v9;
	v9 =	vld.idx.msk [tilespmem:v12+s3+$0x0], $0xffff;
	_ =	sdelay $0x1  }
0x1f6: {  	s2 =	simm.s32 $0x10  }
0x1f7: {  	s21 =	simm.s32 $0x0;
	s1 =	sand.u32 $0x380, s31;
	s0 =	sand.u32 $0x3800, s31;
	v12 =	vmul.f32 v14, v15;
	v10 =	vmul.f32 v10, v13  }
.LBB2_14:
0x1f8: {  	p0 =	sne.s32 s2, $0x3F0  }
0x1f9: {  	v11 =	vmul.f32 v12, v11;
	v8 =	vmul.f32 v9, v8;
	s31 =	sadd.s32 $0x80, s31;
	s21 =	sadd.s32 $0x100, s21;
	s4 =	smov.u32 s2  }
0x1fa: {  	s2 =	sadd.s32 $0x10, s2;
	s6 =	sand.u32 $0x3800, s21;
	s7 =	sand.u32 $0x380, s31  }
0x1fb: {  	v8 =	vmul.f32 v10, v8;
	v9 =	vbroadcast v11, $0xB  }
0x1fc: {  	v10 =	vbroadcast v11, $0x3;
	v12 =	vbroadcast v11, $0x4  }
0x1fd: {  	v13 =	vbroadcast v11, $0x5;
	v9 =	vmul.f32 v8, v9  }
0x1fe: {  	s5 =	sor.u32 s1, s0;
	v14 =	vbroadcast v11, $0x6;
	v15 =	vbroadcast v11, $0x7;
	s0 =	smov.u32 s6;
	s1 =	smov.u32 s7  }
0x1ff: {  	v16 =	vbroadcast v11, $0x8;
	v13 =	vmul.f32 v8, v13;
	[tilespmem:s5+$0xC30] =	vst v9  }
0x200: {  	v17 =	vbroadcast v11, $0xA;
	v9 =	vbroadcast v11, $0x9  }
0x201: {  	[tilespmem:s5+$0x850] =	vst v13;
	v13 =	vmul.f32 v8, v14;
	v14 =	vmul.f32 v8, v16  }
0x202: {  	v9 =	vmul.f32 v8, v9;
	v16 =	vmul.f32 v8, v17  }
0x203: {  	v10 =	vmul.f32 v8, v10;
	v15 =	vmul.f32 v8, v15;
	[tilespmem:s5+$0xC00] =	vst v14  }
0x204: {  	v12 =	vmul.f32 v8, v12;
	v14 =	vbroadcast v11, $0x0;
	[tilespmem:s5+$0xC10] =	vst v9  }
0x205: {  	v17 =	vbroadcast v11, $0x2;
	v9 =	vbroadcast v11, $0x1;
	[tilespmem:s5+$0xC20] =	vst v16  }
0x206: {  	v16 =	vbroadcast v11, $0xD;
	[tilespmem:s5+$0x860] =	vst v13;
	v13 =	vbroadcast v11, $0xC  }
0x207: {  	v14 =	vmul.f32 v8, v14;
	v9 =	vmul.f32 v8, v9;
	[tilespmem:s5+$0x870] =	vst v15  }
0x208: {  	v15 =	vadd.s32 s4, v7;
	[tilespmem:s5+$0x830] =	vst v10;
	v10 =	vmul.f32 v8, v13;
	v13 =	vbroadcast v11, $0xE  }
0x209: {  	v18 =	vadd.s32 s4, v0;
	v17 =	vmul.f32 v8, v17;
	v11 =	vbroadcast v11, $0xF;
	[tilespmem:s5+$0x840] =	vst v12  }
0x20a: {  	v12 =	vadd.s32 s4, v6;
	[tilespmem:s5+$0x810] =	vst v9;
	v9 =	vmul.f32 v8, v16;
	v13 =	vmul.f32 v8, v13  }
0x20b: {  	v19 =	vadd.s32 s4, v2;
	v16 =	vadd.s32 s4, v1;
	v8 =	vmul.f32 v8, v11;
	[tilespmem:s5+$0xC40] =	vst v10  }
0x20c: {  	v10 =	vadd.s32 s4, v4;
	[tilespmem:s5+$0x820] =	vst v17  }
0x20d: {  	v11 =	vadd.s32 s4, v3;
	[tilespmem:s5+$0xC50] =	vst v9  }
0x20e: {  	[tilespmem:s5+$0xC70] =	vst v8  }
0x20f: {  	[tilespmem:s5+$0x800] =	vst v14  }
0x210: {  	v9 =	vadd.s32 s4, v5;
	[tilespmem:s5+$0xC60] =	vst v13  }
0x211: {  	v8 =	vld.idx.msk [tilespmem:v10+s3+$0x0], $0xffff  }
0x212: {  	v10 =	vld.idx.msk [tilespmem:v11+s3+$0x0], $0xffff  }
0x213: {  	v13 =	vld.idx.msk [tilespmem:v19+s3+$0x0], $0xffff  }
0x214: {  	v11 =	vld.idx.msk [tilespmem:v18+s3+$0x0], $0xffff  }
0x215: {  	v14 =	vld.idx.msk [tilespmem:v9+s3+$0x0], $0xffff  }
0x216: {  	v16 =	vld.idx.msk [tilespmem:v16+s3+$0x0], $0xffff  }
0x217: {  	v17 =	vld.idx.msk [tilespmem:v12+s3+$0x0], $0xffff  }
0x218: {  	v9 =	vld.idx.msk [tilespmem:v15+s3+$0x0], $0xffff  }
.Ltmp6:
0x219: {  	(pc) =	sbr.rel @p0 .LBB2_14-.Ltmp6, $3  }
0x21a: {  	_ =	sdelay $0x1  }
0x21b: {  	v12 =	vmul.f32 v10, v13;
	v11 =	vmul.f32 v16, v11  }
0x21c: {  	v10 =	vmul.f32 v14, v17  }
0x21d: {  	v11 =	vmul.f32 v12, v11;
	v8 =	vmul.f32 v9, v8;
	_ =	sdelay $0x1  }
0x21e: {  	v8 =	vmul.f32 v10, v8;
	v9 =	vbroadcast v11, $0xB  }
0x21f: {  	v10 =	vbroadcast v11, $0x5  }
0x220: {  	v12 =	vbroadcast v11, $0x8;
	v9 =	vmul.f32 v8, v9  }
0x221: {  	s0 =	sor.u32 s1, s0;
	v14 =	vbroadcast v11, $0x6;
	v10 =	vmul.f32 v8, v10  }
0x222: {  	v13 =	vbroadcast v11, $0x9;
	v12 =	vmul.f32 v8, v12;
	[tilespmem:s0+$0xC30] =	vst v9  }
0x223: {  	v14 =	vmul.f32 v8, v14;
	v9 =	vbroadcast v11, $0xA;
	[tilespmem:s0+$0x850] =	vst v10  }
0x224: {  	v10 =	vmul.f32 v8, v13;
	v13 =	vbroadcast v11, $0x7;
	[tilespmem:s0+$0xC00] =	vst v12  }
0x225: {  	[tilespmem:s0+$0x860] =	vst v14;
	v14 =	vbroadcast v11, $0xC;
	v9 =	vmul.f32 v8, v9  }
0x226: {  	v12 =	vbroadcast v11, $0x3;
	[tilespmem:s0+$0xC10] =	vst v10;
	v13 =	vmul.f32 v8, v13  }
0x227: {  	v10 =	vbroadcast v11, $0x4;
	v14 =	vmul.f32 v8, v14;
	[tilespmem:s0+$0xC20] =	vst v9  }
0x228: {  	v9 =	vmul.f32 v8, v12;
	v12 =	vbroadcast v11, $0x1;
	[tilespmem:s0+$0x870] =	vst v13  }
0x229: {  	v10 =	vmul.f32 v8, v10;
	v13 =	vbroadcast v11, $0x2;
	[tilespmem:s0+$0xC40] =	vst v14  }
0x22a: {  	v12 =	vmul.f32 v8, v12;
	[tilespmem:s0+$0x830] =	vst v9;
	v9 =	vbroadcast v11, $0xD  }
0x22b: {  	[tilespmem:s0+$0x840] =	vst v10;
	v10 =	vmul.f32 v8, v13;
	v13 =	vbroadcast v11, $0xF  }
0x22c: {  	[tilespmem:s0+$0x810] =	vst v12;
	v12 =	vbroadcast v11, $0x0;
	v9 =	vmul.f32 v8, v9  }
0x22d: {  	v11 =	vbroadcast v11, $0xE;
	v13 =	vmul.f32 v8, v13;
	[tilespmem:s0+$0x820] =	vst v10  }
0x22e: {  	v10 =	vmul.f32 v8, v12;
	[tilespmem:s0+$0xC50] =	vst v9  }
0x22f: {  	v8 =	vmul.f32 v8, v11;
	[tilespmem:s0+$0xC70] =	vst v13  }
0x230: {  	[tilespmem:s0+$0x800] =	vst v10  }
0x231: {  	s31 =	simm.s32 $0x0;
	[tilespmem:s0+$0xC60] =	vst v8  }
0x232: {  	[hbm4b:s18+s31] =	stream.linear.scatter [tilespmem:s25], [sflag:$0x2], $0x4000, $0x38;
	[tilespmem:$0x8C00] =	vst v63  }
0x233: {  	_ =	swait.ge [sflag:s23], $0x400  }
0x234: {  	v8 =	vadd.s32 s31, v3;
	[sflag:s23] =	ssyncset.done $0x0  }
0x235: {  	v9 =	vadd.s32 s31, v2;
	[sflag:s23] =	ssyncadd.s32 $0xFFFFFC00  }
0x236: {  	v10 =	vadd.s32 s31, v0;
	_ =	swait.ge [sflag:s29], $0x4000  }
0x237: {  	v11 =	vadd.s32 s31, v5;
	[sflag:s29] =	ssyncset.done $0x0  }
0x238: {  	v12 =	vadd.s32 s31, v1;
	[sflag:s29] =	ssyncadd.s32 $0xFFFFC000  }
0x239: {  	v14 =	vld.idx.msk [tilespmem:v8+s24+$0x0], $0xffff  }
0x23a: {  	v15 =	vld.idx.msk [tilespmem:v9+s24+$0x0], $0xffff  }
0x23b: {  	v13 =	vadd.s32 s31, v6;
	v9 =	vld.idx.msk [tilespmem:v10+s24+$0x0], $0xffff  }
0x23c: {  	v10 =	vld.idx.msk [tilespmem:v11+s24+$0x0], $0xffff;
	v8 =	vadd.s32 s31, v4  }
0x23d: {  	v11 =	vld.idx.msk [tilespmem:v12+s24+$0x0], $0xffff;
	v12 =	vadd.s32 s31, v7;
	_ =	sdelay $0x2  }
0x23e: {  	v13 =	vld.idx.msk [tilespmem:v13+s24+$0x0], $0xffff  }
0x23f: {  	v8 =	vld.idx.msk [tilespmem:v8+s24+$0x0], $0xffff  }
0x240: {  	v11 =	vmul.f32 v11, v9;
	v9 =	vld.idx.msk [tilespmem:v12+s24+$0x0], $0xffff;
	_ =	sdelay $0x1  }
0x241: {  	s2 =	simm.s32 $0x10  }
0x242: {  	s21 =	simm.s32 $0x0;
	s1 =	sand.u32 $0x380, s31;
	s0 =	sand.u32 $0x3800, s31;
	v12 =	vmul.f32 v14, v15;
	v10 =	vmul.f32 v10, v13  }
.LBB2_16:
0x243: {  	p0 =	sne.s32 s2, $0x3F0  }
0x244: {  	v11 =	vmul.f32 v12, v11;
	v8 =	vmul.f32 v9, v8;
	s31 =	sadd.s32 $0x80, s31;
	s21 =	sadd.s32 $0x100, s21;
	s4 =	smov.u32 s2  }
0x245: {  	s2 =	sadd.s32 $0x10, s2;
	s6 =	sand.u32 $0x3800, s21;
	s7 =	sand.u32 $0x380, s31  }
0x246: {  	v8 =	vmul.f32 v10, v8;
	v9 =	vbroadcast v11, $0xB  }
0x247: {  	v10 =	vbroadcast v11, $0x3;
	v12 =	vbroadcast v11, $0x4  }
0x248: {  	v13 =	vbroadcast v11, $0x5;
	v9 =	vmul.f32 v8, v9  }
0x249: {  	s5 =	sor.u32 s1, s0;
	v14 =	vbroadcast v11, $0x6;
	v15 =	vbroadcast v11, $0x7;
	s0 =	smov.u32 s6;
	s1 =	smov.u32 s7  }
0x24a: {  	v16 =	vbroadcast v11, $0x8;
	v13 =	vmul.f32 v8, v13;
	[tilespmem:s5+$0x4C30] =	vst v9  }
0x24b: {  	v17 =	vbroadcast v11, $0xA;
	v9 =	vbroadcast v11, $0x9  }
0x24c: {  	[tilespmem:s5+$0x4850] =	vst v13;
	v13 =	vmul.f32 v8, v14;
	v14 =	vmul.f32 v8, v16  }
0x24d: {  	v9 =	vmul.f32 v8, v9;
	v16 =	vmul.f32 v8, v17  }
0x24e: {  	v10 =	vmul.f32 v8, v10;
	v15 =	vmul.f32 v8, v15;
	[tilespmem:s5+$0x4C00] =	vst v14  }
0x24f: {  	v12 =	vmul.f32 v8, v12;
	v14 =	vbroadcast v11, $0x0;
	[tilespmem:s5+$0x4C10] =	vst v9  }
0x250: {  	v17 =	vbroadcast v11, $0x2;
	v9 =	vbroadcast v11, $0x1;
	[tilespmem:s5+$0x4C20] =	vst v16  }
0x251: {  	v16 =	vbroadcast v11, $0xD;
	[tilespmem:s5+$0x4860] =	vst v13;
	v13 =	vbroadcast v11, $0xC  }
0x252: {  	v14 =	vmul.f32 v8, v14;
	v9 =	vmul.f32 v8, v9;
	[tilespmem:s5+$0x4870] =	vst v15  }
0x253: {  	v15 =	vadd.s32 s4, v7;
	[tilespmem:s5+$0x4830] =	vst v10;
	v10 =	vmul.f32 v8, v13;
	v13 =	vbroadcast v11, $0xE  }
0x254: {  	v18 =	vadd.s32 s4, v0;
	v17 =	vmul.f32 v8, v17;
	v11 =	vbroadcast v11, $0xF;
	[tilespmem:s5+$0x4840] =	vst v12  }
0x255: {  	v12 =	vadd.s32 s4, v6;
	[tilespmem:s5+$0x4810] =	vst v9;
	v9 =	vmul.f32 v8, v16;
	v13 =	vmul.f32 v8, v13  }
0x256: {  	v19 =	vadd.s32 s4, v2;
	v16 =	vadd.s32 s4, v1;
	v8 =	vmul.f32 v8, v11;
	[tilespmem:s5+$0x4C40] =	vst v10  }
0x257: {  	v10 =	vadd.s32 s4, v4;
	[tilespmem:s5+$0x4820] =	vst v17  }
0x258: {  	v11 =	vadd.s32 s4, v3;
	[tilespmem:s5+$0x4C50] =	vst v9  }
0x259: {  	[tilespmem:s5+$0x4C70] =	vst v8  }
0x25a: {  	[tilespmem:s5+$0x4800] =	vst v14  }
0x25b: {  	v9 =	vadd.s32 s4, v5;
	[tilespmem:s5+$0x4C60] =	vst v13  }
0x25c: {  	v8 =	vld.idx.msk [tilespmem:v10+s24+$0x0], $0xffff  }
0x25d: {  	v10 =	vld.idx.msk [tilespmem:v11+s24+$0x0], $0xffff  }
0x25e: {  	v13 =	vld.idx.msk [tilespmem:v19+s24+$0x0], $0xffff  }
0x25f: {  	v11 =	vld.idx.msk [tilespmem:v18+s24+$0x0], $0xffff  }
0x260: {  	v14 =	vld.idx.msk [tilespmem:v9+s24+$0x0], $0xffff  }
0x261: {  	v16 =	vld.idx.msk [tilespmem:v16+s24+$0x0], $0xffff  }
0x262: {  	v17 =	vld.idx.msk [tilespmem:v12+s24+$0x0], $0xffff  }
0x263: {  	v9 =	vld.idx.msk [tilespmem:v15+s24+$0x0], $0xffff  }
.Ltmp7:
0x264: {  	(pc) =	sbr.rel @p0 .LBB2_16-.Ltmp7, $3  }
0x265: {  	_ =	sdelay $0x1  }
0x266: {  	v12 =	vmul.f32 v10, v13;
	v11 =	vmul.f32 v16, v11  }
0x267: {  	v10 =	vmul.f32 v14, v17  }
0x268: {  	v1 =	vmul.f32 v9, v8  }
0x269: {  	v0 =	vmul.f32 v12, v11  }
0x26a: {  	v1 =	vmul.f32 v10, v1  }
0x26b: {  	v2 =	vbroadcast v0, $0xB;
	v3 =	vbroadcast v0, $0x5  }
0x26c: {  	v4 =	vbroadcast v0, $0x8;
	v5 =	vbroadcast v0, $0x9  }
0x26d: {  	v50 =	vbroadcast v0, $0xA;
	v6 =	vbroadcast v0, $0x6  }
0x26e: {  	v52 =	vbroadcast v0, $0x7;
	v53 =	vbroadcast v0, $0x3  }
0x26f: {  	v54 =	vbroadcast v0, $0x4;
	v2 =	vmul.f32 v1, v2  }
0x270: {  	s0 =	sor.u32 s1, s0;
	v56 =	vbroadcast v0, $0x1;
	v3 =	vmul.f32 v1, v3  }
0x271: {  	v57 =	vbroadcast v0, $0xC;
	v4 =	vmul.f32 v1, v4;
	[tilespmem:s0+$0x4C30] =	vst v2  }
0x272: {  	v58 =	vbroadcast v0, $0x2;
	v51 =	vmul.f32 v1, v5;
	[tilespmem:s0+$0x4850] =	vst v3  }
0x273: {  	v59 =	vbroadcast v0, $0xD;
	v6 =	vmul.f32 v1, v6;
	[tilespmem:s0+$0x4C00] =	vst v4  }
0x274: {  	v61 =	vbroadcast v0, $0xF;
	v5 =	vmul.f32 v1, v52;
	[tilespmem:s0+$0x4C10] =	vst v51  }
0x275: {  	v62 =	vbroadcast v0, $0x0;
	v55 =	vmul.f32 v1, v53;
	[tilespmem:s0+$0x4860] =	vst v6  }
0x276: {  	v0 =	vbroadcast v0, $0xE;
	v60 =	vmul.f32 v1, v58;
	[tilespmem:s0+$0x4870] =	vst v5  }
0x277: {  	v63 =	vmul.f32 v1, v62;
	[tilespmem:s0+$0x4830] =	vst v55  }
0x278: {  	v0 =	vmul.f32 v1, v0;
	[tilespmem:s0+$0x4820] =	vst v60  }
0x279: {  	v2 =	vmul.f32 v1, v50;
	[tilespmem:s0+$0x4800] =	vst v63  }
0x27a: {  	v3 =	vmul.f32 v1, v54;
	[tilespmem:s0+$0x4C60] =	vst v0  }
0x27b: {  	v4 =	vmul.f32 v1, v56;
	[tilespmem:s0+$0x4C20] =	vst v2  }
0x27c: {  	v6 =	vmul.f32 v1, v57;
	[tilespmem:s0+$0x4840] =	vst v3  }
0x27d: {  	v5 =	vmul.f32 v1, v61;
	[tilespmem:s0+$0x4810] =	vst v4  }
0x27e: {  	v2 =	vmul.f32 v1, v59;
	[tilespmem:s0+$0x4C40] =	vst v6  }
0x27f: {  	[tilespmem:s0+$0x4C70] =	vst v5  }
0x280: {  	s30 =	sadd.s32 $0x1, s30;
	[tilespmem:s0+$0x4C50] =	vst v2  }
0x281: {  	[hbm4b:s19+s3] =	stream.linear.scatter [tilespmem:s26], [sflag:$0x3], $0x4000, $0x38;
	[tilespmem:$0x8C00] =	vst v63  }
0x282: {  	p0 =	sne.s32 s30, s20;
	_ =	swait.ge [sflag:s28], $0x4000  }
.Ltmp8:
0x283: {  	[sflag:s28] =	ssyncset.done $0x0;
	(pc) =	sbr.rel @p0 .LBB2_1-.Ltmp8, $4  }
0x284: {  	[sflag:s28] =	ssyncadd.s32 $0xFFFFC000  }
0x285: {  	_ =	swait.ge [sflag:s29], $0x4000  }
0x286: {  	[sflag:s29] =	ssyncset.done $0x0  }
0x287: {  	[sflag:s29] =	ssyncadd.s32 $0xFFFFC000  }
0x288: {  	_ =	sfence.sel $0x180000  }
0x289: {  	[bflag:$0x0] =	sbarrier.arrive $0xFFFF  }
0x28a: {  	_ =	strace $0x90000047  }
0x28b: {  	s0 =	stileid.u32;
	[bflag:$0x2] =	sbarrier.arrive $0xFFFF  }
0x28c: {  	p0 =	sne.s32 s0, $0x0;
	s0 =	rddreg [dreg:$0x3]  }
0x28d: {  	s0 =	sadd.s32 @!p0 $0x100000, s0  }
0x28e: {  	[sflag:s0] =	ssyncadd.tile.s32 @!p0 $0x1;
	_ =	shalt  }
.Lfunc_end2:
_tile_overlayer_lowered:
.L_overlay_start_2:
0x28f: {  	(tag) =	ssettag $0x2  }
0x290: {  	s0 =	rddreg [dreg:$0x0];
	s2 =	stileid.u32  }
0x291: {  	s1 =	rddreg [dreg:$0x1];
	p0 =	sne.s32 s2, $0x0  }
0x292: {  	s3 =	rddreg [dreg:$0x2];
	[bflag:$0x3] =	sbarrier.arrive $0xFFFF;
	s2 =	simm.s32 @!p0 $0x1C04  }
0x293: {  	[timem:s3], [sflag:s2] =	dma.local @!p0 [hbm:s0], s1  }
0x294: {  	s0 =	simm.s32 @!p0 $0x4  }
0x295: {  	_ =	swait.ge @!p0 [sflag:s0], s1  }
0x296: {  	s1 =	ssub.s32 @!p0 $0x0, s1;
	[sflag:s0] =	ssyncset.done @!p0 $0x0  }
0x297: {  	[sflag:s0] =	ssyncadd.s32 @!p0 s1  }
0x298: {  	[bflag:$0x3] =	sbarrier.arrive $0xFFFF  }
0x299: {  	_ =	shalt  }

</sc_bundles>
